<compile_context>
chip_gen: v7x
topology: tpu7x:2x2x1
jax: 0.10.2.dev20260603
libtpu: 0.0.44.dev20260713+nightly
codegen_flags: <defaults>
</compile_context>

<pallas_src>
import functools

import jax
import jax.numpy as jnp
from jax import lax
from jax.experimental import pallas as pl
from jax.experimental.pallas import tpu as pltpu
from jax.experimental.pallas import tpu_sc as plsc

N = 10000
M = 320000
ND = 128
ED = 16

NC = 2
NS = 16
NW = NC * NS
EPW = M // NW
CH = 200
NCH = EPW // CH
NBUF = 2
NPAD = 10240
RPT = NPAD // NS

SCH = 2000
NSCH = EPW // SCH

BM = 6400
NBLK = M // BM

_P32 = jax.lax.Precision.HIGHEST
_PHI = jax.lax.Precision.DEFAULT

_sc_mesh = plsc.VectorSubcoreMesh(core_axis_name="c", subcore_axis_name="s")


def _pq_body(v_ref, w_ref, b_ref, p_ref, q_ref):
    v = v_ref[...]
    p_ref[...] = jnp.dot(v, w_ref[:ND, :], precision=_P32,
                         preferred_element_type=jnp.float32)
    q_ref[...] = jnp.dot(v, w_ref[ND:, :], precision=_P32,
                         preferred_element_type=jnp.float32) + b_ref[...]


_pq_call = pl.pallas_call(
    _pq_body,
    out_shape=(jax.ShapeDtypeStruct((N, ND), jnp.float32),
               jax.ShapeDtypeStruct((N, ND), jnp.float32)),
)


@functools.partial(
    pl.kernel,
    out_type=jax.ShapeDtypeStruct((M, ND), jnp.float32),
    mesh=_sc_mesh,
    scratch_types=[
        pltpu.VMEM((EPW,), jnp.int32),
        pltpu.VMEM((EPW,), jnp.int32),
        pltpu.VMEM((NBUF, CH, ND), jnp.float32),
        pltpu.VMEM((NBUF, CH, ND), jnp.float32),
        pltpu.SemaphoreType.DMA((NBUF,)),
        pltpu.SemaphoreType.DMA((NBUF,)),
    ],
)
def _gather_call(p_hbm, q_hbm, src_hbm, dst_hbm, h_hbm,
                 sva, dva, pr2, qr2, gsem, wsem):
    wid = lax.axis_index("s") * NC + lax.axis_index("c")
    base0 = wid * EPW

    pltpu.sync_copy(src_hbm.at[pl.ds(base0, EPW)], sva)
    pltpu.sync_copy(dst_hbm.at[pl.ds(base0, EPW)], dva)

    def fire(i, b):
        pltpu.async_copy(p_hbm.at[sva.at[pl.ds(i * CH, CH)]], pr2.at[b],
                         gsem.at[b])
        pltpu.async_copy(q_hbm.at[dva.at[pl.ds(i * CH, CH)]], qr2.at[b],
                         gsem.at[b])

    def wait_gathers(b):
        pltpu.make_async_copy(p_hbm.at[pl.ds(0, CH)], pr2.at[b],
                              gsem.at[b]).wait()
        pltpu.make_async_copy(p_hbm.at[pl.ds(0, CH)], qr2.at[b],
                              gsem.at[b]).wait()

    def wait_write(b):
        pltpu.make_async_copy(pr2.at[b], h_hbm.at[pl.ds(0, CH)],
                              wsem.at[b]).wait()

    for w in range(NBUF - 1):
        fire(w, w)

    @pl.loop(0, NCH)
    def _chunk(i):
        b = lax.rem(i, NBUF)
        wait_gathers(b)

        @pl.when(i + NBUF - 1 < NCH)
        def _prefetch():
            nxt = lax.rem(i + NBUF - 1, NBUF)

            @pl.when(i >= 1)
            def _drain():
                wait_write(nxt)
            fire(i + NBUF - 1, nxt)

        @pl.loop(0, CH)
        def _row(r):
            for j in range(ND // 16):
                sl = pl.ds(j * 16, 16)
                pr2[b, r, sl] = pr2[b, r, sl] + qr2[b, r, sl]

        pltpu.async_copy(pr2.at[b], h_hbm.at[pl.ds(base0 + i * CH, CH)],
                         wsem.at[b])

    for w in range(NBUF):
        wait_write((NCH - NBUF + w) % NBUF)


def _edge_body(h_ref, e_ref, we_ref, w2_ref, b2_ref, g_ref, bt_ref,
               enew_ref, eout_ref):
    e = e_ref[...]
    pre = h_ref[...] + jnp.dot(e, we_ref[...], precision=_PHI,
                               preferred_element_type=jnp.float32)
    h = pre * jax.nn.sigmoid(pre)
    o = jnp.dot(h, w2_ref[...], precision=_PHI,
                preferred_element_type=jnp.float32) + b2_ref[...]
    mu = jnp.mean(o, axis=-1, keepdims=True)
    var = jnp.mean((o - mu) * (o - mu), axis=-1, keepdims=True)
    en = g_ref[...] * (o - mu) * lax.rsqrt(var + 1e-5) + bt_ref[...]
    enew_ref[...] = en
    eout_ref[...] = e + en


_edge_call = pl.pallas_call(
    _edge_body,
    grid=(NBLK,),
    in_specs=[
        pl.BlockSpec((BM, ND), lambda i: (i, 0)),
        pl.BlockSpec((BM, ED), lambda i: (i, 0)),
        pl.BlockSpec((ED, ND), lambda i: (0, 0)),
        pl.BlockSpec((ND, ED), lambda i: (0, 0)),
        pl.BlockSpec((1, ED), lambda i: (0, 0)),
        pl.BlockSpec((1, ED), lambda i: (0, 0)),
        pl.BlockSpec((1, ED), lambda i: (0, 0)),
    ],
    out_specs=(pl.BlockSpec((BM, ED), lambda i: (i, 0)),
               pl.BlockSpec((BM, ED), lambda i: (i, 0))),
    out_shape=(jax.ShapeDtypeStruct((M, ED), jnp.float32),
               jax.ShapeDtypeStruct((M, ED), jnp.float32)),
)


HN = NPAD // 2

@functools.partial(
    pl.kernel,
    out_type=(pltpu.HBM((NW * NPAD * ED,), jnp.float32),
              pltpu.HBM((NW * NPAD,), jnp.float32)),
    mesh=_sc_mesh,
    compiler_params=pltpu.CompilerParams(needs_layout_passes=False),
    scratch_types=[
        pltpu.VMEM((SCH,), jnp.int32),
        pltpu.VMEM((SCH * ED,), jnp.float32),
        pltpu.VMEM((HN * ED,), jnp.float32),
        pltpu.VMEM((HN,), jnp.float32),
    ],
)
def _scatter_call(enew_hbm, dst_hbm, sums_hbm, cnts_hbm,
                  iv, ev, acc, cacc):
    cid = lax.axis_index("c")
    sid = lax.axis_index("s")
    wid = sid * NC + cid
    base0 = wid * EPW

    zero16 = jnp.zeros((16,), jnp.float32)
    ones16 = jnp.full((16,), 1.0, jnp.float32)
    lstride = jnp.arange(16, dtype=jnp.int32) * ED

    for p in range(NPAD // HN):
        node0 = p * HN

        @pl.loop(0, HN * ED // 16)
        def _zero(r):
            acc[pl.ds(r * 16, 16)] = zero16

        @pl.loop(0, HN // 16)
        def _zeroc(k):
            cacc[pl.ds(k * 16, 16)] = zero16

        @pl.loop(0, NSCH)
        def _chunk(i):
            base = base0 + i * SCH
            pltpu.sync_copy(dst_hbm.at[pl.ds(base, SCH)], iv)
            pltpu.sync_copy(enew_hbm.at[pl.ds(base * ED, SCH * ED)], ev)

            @pl.loop(0, SCH // 16)
            def _grp(k):
                lanes = iv[pl.ds(k * 16, 16)]
                local = lanes - node0
                mask = (local >= 0) & (local < HN)
                lsafe = jnp.where(mask, local, 0)
                plsc.addupdate_scatter(cacc, [lsafe], ones16, mask=mask)
                srow = lsafe * ED
                ebase = k * (16 * ED)
                for j in range(ED):
                    vals = plsc.load_gather(ev, [ebase + lstride + j])
                    plsc.addupdate_scatter(acc, [srow + j], vals, mask=mask)

        pltpu.sync_copy(acc,
                        sums_hbm.at[pl.ds((wid * NPAD + node0) * ED, HN * ED)])
        pltpu.sync_copy(cacc, cnts_hbm.at[pl.ds(wid * NPAD + node0, HN)])


NPT = NPAD // NW

@functools.partial(
    pl.kernel,
    out_type=pltpu.HBM((NPAD * ED,), jnp.float32),
    mesh=_sc_mesh,
    compiler_params=pltpu.CompilerParams(needs_layout_passes=False),
    scratch_types=[
        pltpu.VMEM((NPT * ED,), jnp.float32),
        pltpu.VMEM((NPT * ED,), jnp.float32),
        pltpu.VMEM((NPT,), jnp.float32),
        pltpu.VMEM((NPT,), jnp.float32),
    ],
)
def _reduce_call(sums_hbm, cnts_hbm, agg_hbm, accv, tmpv, cntv, tmpc):
    wid = lax.axis_index("s") * NC + lax.axis_index("c")
    n0 = wid * NPT

    zero16 = jnp.zeros((16,), jnp.float32)

    @pl.loop(0, NPT * ED // 16)
    def _z(r):
        accv[pl.ds(r * 16, 16)] = zero16

    @pl.loop(0, NPT // 16)
    def _zc(r):
        cntv[pl.ds(r * 16, 16)] = zero16

    @pl.loop(0, NW)
    def _acc(w):
        pltpu.sync_copy(sums_hbm.at[pl.ds(w * (NPAD * ED) + n0 * ED,
                                          NPT * ED)], tmpv)
        pltpu.sync_copy(cnts_hbm.at[pl.ds(w * NPAD + n0, NPT)], tmpc)

        @pl.loop(0, NPT * ED // 16)
        def _a(r):
            sl = pl.ds(r * 16, 16)
            accv[sl] = accv[sl] + tmpv[sl]

        @pl.loop(0, NPT // 16)
        def _ac(r):
            sl = pl.ds(r * 16, 16)
            cntv[sl] = cntv[sl] + tmpc[sl]

    @pl.loop(0, NPT)
    def _div(n):
        nvec = jnp.zeros((16,), jnp.int32) + n
        c = plsc.load_gather(cntv, [nvec])
        sl = pl.ds(n * ED, ED)
        accv[sl] = accv[sl] / jnp.maximum(c, 1.0)

    pltpu.sync_copy(accv, agg_hbm.at[pl.ds(n0 * ED, NPT * ED)])


def _node_body(v_ref, agg_ref, w1v_ref, w1a_ref, b1_ref, w2_ref,
               b2_ref, g_ref, bt_ref, out_ref):
    agg = agg_ref[...]
    v = v_ref[...]
    pre = (jnp.dot(v, w1v_ref[...], precision=_P32,
                   preferred_element_type=jnp.float32)
           + jnp.dot(agg, w1a_ref[...], precision=_P32,
                     preferred_element_type=jnp.float32)
           + b1_ref[...])
    h = pre * jax.nn.sigmoid(pre)
    o = jnp.dot(h, w2_ref[...], precision=_P32,
                preferred_element_type=jnp.float32) + b2_ref[...]
    mu = jnp.mean(o, axis=-1, keepdims=True)
    var = jnp.mean((o - mu) * (o - mu), axis=-1, keepdims=True)
    vn = g_ref[...] * (o - mu) * lax.rsqrt(var + 1e-5) + bt_ref[...]
    out_ref[...] = v + vn


BN = 2000
NNB = N // BN

_node_call = pl.pallas_call(
    _node_body,
    grid=(NNB,),
    in_specs=[
        pl.BlockSpec((BN, ND), lambda i: (i, 0)),
        pl.BlockSpec((BN, ED), lambda i: (i, 0)),
        pl.BlockSpec((ND, ND), lambda i: (0, 0)),
        pl.BlockSpec((ED, ND), lambda i: (0, 0)),
        pl.BlockSpec((1, ND), lambda i: (0, 0)),
        pl.BlockSpec((ND, ND), lambda i: (0, 0)),
        pl.BlockSpec((1, ND), lambda i: (0, 0)),
        pl.BlockSpec((1, ND), lambda i: (0, 0)),
        pl.BlockSpec((1, ND), lambda i: (0, 0)),
    ],
    out_specs=pl.BlockSpec((BN, ND), lambda i: (i, 0)),
    out_shape=jax.ShapeDtypeStruct((N, ND), jnp.float32),
)


def kernel(V, E, edges, fe_W1, fe_b1, fe_W2, fe_b2, fe_g, fe_beta,
           fn_W1, fn_b1, fn_W2, fn_b2, fn_g, fn_beta):
    v2 = V[0]
    e2 = E[0]
    src = edges[0, :, 0]
    dst = edges[0, :, 1]

    P, Q = _pq_call(v2, fe_W1[:2 * ND], fe_b1.reshape(1, ND))
    H = _gather_call(P, Q, src, dst)
    e_new, E_out = _edge_call(H, e2, fe_W1[2 * ND:], fe_W2,
                              fe_b2.reshape(1, ED), fe_g.reshape(1, ED),
                              fe_beta.reshape(1, ED))
    sums, cnts = _scatter_call(e_new.reshape(M * ED), dst)
    agg = _reduce_call(sums, cnts).reshape(NPAD, ED)[:N]
    V_out = _node_call(v2, agg, fn_W1[:ND], fn_W1[ND:],
                       fn_b1.reshape(1, ND), fn_W2, fn_b2.reshape(1, ND),
                       fn_g.reshape(1, ND), fn_beta.reshape(1, ND))
    return V_out[None], E_out[None]

# --- scband reference (transcript-rebuilt; emitter-appended) ---
"""Pipeline reference for scband-gnnblock-3693671874573 (READ-ONLY COPY).

The authoritative reference and input builder live on the scoring server;
editing this copy changes nothing except your own understanding.
"""

import jax, jax.numpy as jnp
import numpy as np

N = 10000
M = 320000
ND = 128
ED = 16
BS = 1


def _mlp(x, W1, b1, W2, b2, g, beta):
    h = jax.nn.silu(x @ W1 + b1)
    o = h @ W2 + b2
    mu = jnp.mean(o, axis=-1, keepdims=True)
    var = jnp.var(o, axis=-1, keepdims=True)
    return g * (o - mu) / jnp.sqrt(var + 1e-5) + beta


def setup_inputs(seed: int = 0):
    key = jax.random.key(seed)
    ks = jax.random.split(key, 8)
    V = jax.random.normal(ks[0], (BS, N, ND), dtype=jnp.float32)
    E = jax.random.normal(ks[1], (BS, M, ED), dtype=jnp.float32)
    edges = jax.random.randint(ks[2], (BS, M, 2), 0, N, dtype=jnp.int32)
    w = lambda k, shape: jax.random.normal(k, shape, dtype=jnp.float32) * 0.02
    return {
        'V': V,
        'E': E,
        'edges': edges,
        'fe_W1': w(ks[3], (2 * ND + ED, ND)),
        'fe_b1': jnp.zeros((ND,), jnp.float32),
        'fe_W2': w(ks[4], (ND, ED)),
        'fe_b2': jnp.zeros((ED,), jnp.float32),
        'fe_g': jnp.ones((ED,), jnp.float32),
        'fe_beta': jnp.zeros((ED,), jnp.float32),
        'fn_W1': w(ks[5], (ND + ED, ND)),
        'fn_b1': jnp.zeros((ND,), jnp.float32),
        'fn_W2': w(ks[6], (ND, ND)),
        'fn_b2': jnp.zeros((ND,), jnp.float32),
        'fn_g': jnp.ones((ND,), jnp.float32),
        'fn_beta': jnp.zeros((ND,), jnp.float32),
    }


def reference(V, E, edges, fe_W1, fe_b1, fe_W2, fe_b2, fe_g, fe_beta,
              fn_W1, fn_b1, fn_W2, fn_b2, fn_g, fn_beta):
    bs, n, nd = V.shape
    ed = E.shape[-1]
    valid = jnp.all(edges >= 0, axis=-1)
    safe = jnp.clip(edges, 0, n - 1)
    S = jnp.take_along_axis(V, safe[..., 0:1], axis=1)
    R = jnp.take_along_axis(V, safe[..., 1:2], axis=1)
    e_new = _mlp(jnp.concatenate([S, R, E], axis=-1), fe_W1, fe_b1, fe_W2, fe_b2, fe_g, fe_beta)
    e_new = e_new * valid[..., None].astype(e_new.dtype)
    recv = safe[..., 1]
    masked = e_new * valid[..., None].astype(e_new.dtype)
    seg = lambda d, i: jax.ops.segment_sum(d, i, num_segments=n)
    sums = jax.vmap(seg)(masked, recv)
    counts = jax.vmap(seg)(jnp.ones(recv.shape, dtype=jnp.float32), recv)
    agg = sums / jnp.maximum(counts, 1.0)[..., None]
    v_new = _mlp(jnp.concatenate([V, agg], axis=-1), fn_W1, fn_b1, fn_W2, fn_b2, fn_g, fn_beta)
    return (V + v_new, E + e_new)

if __name__ == "__main__":
    import jax
    _d = setup_inputs()
    print(jax.jit(kernel)(*tuple(_d.values())))

</pallas_src>

<mosaic_0001>
#map = affine_map<(d0, d1) -> (0)>
module attributes {stable_mosaic.version = 14 : i64} {
  func.func @_reduce_call(%arg0: i32, %arg1: i32, %arg2: memref<5242880xf32, #tpu.memory_space<hbm>>, %arg3: memref<327680xf32, #tpu.memory_space<hbm>>, %arg4: memref<163840xf32, #tpu.memory_space<hbm>>, %arg5: memref<5120xf32, #tpu.memory_space<vmem>>, %arg6: memref<5120xf32, #tpu.memory_space<vmem>>, %arg7: memref<320xf32, #tpu.memory_space<vmem>>, %arg8: memref<320xf32, #tpu.memory_space<vmem>>) attributes {dimension_semantics = [#tpu.dimension_semantics<core_parallel>, #tpu.dimension_semantics<subcore_parallel>], iteration_bounds = array<i64: 2, 16>, scalar_prefetch = 0 : i64, scratch_operands = 4 : i64, tpu.core_type = #tpu.core_type<sc_vector_subcore>, window_params = [{transform_indices = #map}, {transform_indices = #map}, {transform_indices = #map}]} {
    %mul3A = arith.constant 2 : i32
    %mul3A_0 = arith.muli %arg1, %mul3A : i32
    %add3A = arith.addi %mul3A_0, %arg0 : i32
    %mul3A_1 = arith.constant 320 : i32
    %mul3A_2 = arith.muli %add3A, %mul3A_1 : i32
    %broadcast_in_dim3A = arith.constant 0.000000e+00 : f32
    %broadcast_in_dim3A_3 = vector.broadcast %broadcast_in_dim3A : f32 to vector<16xf32>
    %scan3A = arith.constant 0 : i32
    %scan3A_4 = arith.constant 320 : i32
    %scan3A_5 = arith.addi %scan3A, %scan3A_4 : i32
    %scan3A_6 = arith.constant 1 : i32
    scf.for %scan3A_25 = %scan3A to %scan3A_5 step %scan3A_6  : i32 {
      %mul3A_26 = arith.constant 1 : i32
      %mul3A_27 = arith.muli %scan3A_25, %mul3A_26 : i32
      %add3A_28 = arith.constant 0 : i32
      %add3A_29 = arith.addi %add3A_28, %mul3A_27 : i32
      %mul3A_30 = arith.constant 16 : i32
      %mul3A_31 = arith.muli %add3A_29, %mul3A_30 : i32
      %swap3A = arith.index_cast %mul3A_31 : i32 to index
      %swap3A_32 = tpu.vector_load %arg5[%swap3A] {strides = array<i32>} : memref<5120xf32, #tpu.memory_space<vmem>>, vector<16xf32>,
      tpu.vector_store %arg5[%swap3A], %broadcast_in_dim3A_3 {strides = array<i32>} : memref<5120xf32, #tpu.memory_space<vmem>>, vector<16xf32>,
    }
    %scan3A_7 = arith.constant 320 : i32
    %scan3A_8 = arith.constant 0 : i32
    %scan3A_9 = arith.constant 20 : i32
    %scan3A_10 = arith.addi %scan3A_8, %scan3A_9 : i32
    %scan3A_11 = arith.constant 1 : i32
    scf.for %scan3A_25 = %scan3A_8 to %scan3A_10 step %scan3A_11  : i32 {
      %mul3A_26 = arith.constant 1 : i32
      %mul3A_27 = arith.muli %scan3A_25, %mul3A_26 : i32
      %add3A_28 = arith.constant 0 : i32
      %add3A_29 = arith.addi %add3A_28, %mul3A_27 : i32
      %mul3A_30 = arith.constant 16 : i32
      %mul3A_31 = arith.muli %add3A_29, %mul3A_30 : i32
      %swap3A = arith.index_cast %mul3A_31 : i32 to index
      %swap3A_32 = tpu.vector_load %arg7[%swap3A] {strides = array<i32>} : memref<320xf32, #tpu.memory_space<vmem>>, vector<16xf32>,
      tpu.vector_store %arg7[%swap3A], %broadcast_in_dim3A_3 {strides = array<i32>} : memref<320xf32, #tpu.memory_space<vmem>>, vector<16xf32>,
    }
    %scan3A_12 = arith.constant 20 : i32
    %scan3A_13 = arith.constant 0 : i32
    %scan3A_14 = arith.constant 32 : i32
    %scan3A_15 = arith.addi %scan3A_13, %scan3A_14 : i32
    %scan3A_16 = arith.constant 1 : i32
    scf.for %scan3A_25 = %scan3A_13 to %scan3A_15 step %scan3A_16  : i32 {
      %mul3A_26 = arith.constant 1 : i32
      %mul3A_27 = arith.muli %scan3A_25, %mul3A_26 : i32
      %add3A_28 = arith.constant 0 : i32
      %add3A_29 = arith.addi %add3A_28, %mul3A_27 : i32
      %mul3A_30 = arith.constant 163840 : i32
      %mul3A_31 = arith.muli %add3A_29, %mul3A_30 : i32
      %mul3A_32 = arith.constant 16 : i32
      %mul3A_33 = arith.muli %mul3A_2, %mul3A_32 : i32
      %add3A_34 = arith.addi %mul3A_31, %mul3A_33 : i32
      "tpu.region"() ({
        %run_scoped3A = tpu.sem_alloc : memref<!tpu.dma_semaphore, #tpu.memory_space<semaphore_mem>>
        %dma_start3A = tpu.memref_slice %arg2[%add3A_34] : memref<5242880xf32, #tpu.memory_space<hbm>> -> memref<5120xf32, #tpu.memory_space<hbm>>
        %dma_start3A_48 = tpu.memref_slice %arg2[%add3A_34] : memref<5242880xf32, #tpu.memory_space<hbm>> -> memref<5120xf32, #tpu.memory_space<hbm>>
        tpu.enqueue_dma source(%dma_start3A_48 : memref<5120xf32, #tpu.memory_space<hbm>>) target(%arg6 : memref<5120xf32, #tpu.memory_space<vmem>>) target_semaphore(%run_scoped3A : memref<!tpu.dma_semaphore, #tpu.memory_space<semaphore_mem>>)
        %dma_wait3A = tpu.memref_slice %arg2[%add3A_34] : memref<5242880xf32, #tpu.memory_space<hbm>> -> memref<5120xf32, #tpu.memory_space<hbm>>
        %dma_wait3A_49 = tpu.memref_slice %arg2[%add3A_34] : memref<5242880xf32, #tpu.memory_space<hbm>> -> memref<5120xf32, #tpu.memory_space<hbm>>
        tpu.wait_dma2 semaphore(%run_scoped3A : memref<!tpu.dma_semaphore, #tpu.memory_space<semaphore_mem>>) src(%dma_wait3A_49 : memref<5120xf32, #tpu.memory_space<hbm>>) dst(%arg6 : memref<5120xf32, #tpu.memory_space<vmem>>)
        tpu.yield
      }) : () -> ()
      %mul3A_35 = arith.constant 10240 : i32
      %mul3A_36 = arith.muli %add3A_29, %mul3A_35 : i32
      %add3A_37 = arith.addi %mul3A_36, %mul3A_2 : i32
      "tpu.region"() ({
        %run_scoped3A = tpu.sem_alloc : memref<!tpu.dma_semaphore, #tpu.memory_space<semaphore_mem>>
        %dma_start3A = tpu.memref_slice %arg3[%add3A_37] : memref<327680xf32, #tpu.memory_space<hbm>> -> memref<320xf32, #tpu.memory_space<hbm>>
        %dma_start3A_48 = tpu.memref_slice %arg3[%add3A_37] : memref<327680xf32, #tpu.memory_space<hbm>> -> memref<320xf32, #tpu.memory_space<hbm>>
        tpu.enqueue_dma source(%dma_start3A_48 : memref<320xf32, #tpu.memory_space<hbm>>) target(%arg8 : memref<320xf32, #tpu.memory_space<vmem>>) target_semaphore(%run_scoped3A : memref<!tpu.dma_semaphore, #tpu.memory_space<semaphore_mem>>)
        %dma_wait3A = tpu.memref_slice %arg3[%add3A_37] : memref<327680xf32, #tpu.memory_space<hbm>> -> memref<320xf32, #tpu.memory_space<hbm>>
        %dma_wait3A_49 = tpu.memref_slice %arg3[%add3A_37] : memref<327680xf32, #tpu.memory_space<hbm>> -> memref<320xf32, #tpu.memory_space<hbm>>
        tpu.wait_dma2 semaphore(%run_scoped3A : memref<!tpu.dma_semaphore, #tpu.memory_space<semaphore_mem>>) src(%dma_wait3A_49 : memref<320xf32, #tpu.memory_space<hbm>>) dst(%arg8 : memref<320xf32, #tpu.memory_space<vmem>>)
        tpu.yield
      }) : () -> ()
      %scan3A_38 = arith.constant 0 : i32
      %scan3A_39 = arith.constant 320 : i32
      %scan3A_40 = arith.addi %scan3A_38, %scan3A_39 : i32
      %scan3A_41 = arith.constant 1 : i32
      scf.for %scan3A_48 = %scan3A_38 to %scan3A_40 step %scan3A_41  : i32 {
        %mul3A_49 = arith.constant 1 : i32
        %mul3A_50 = arith.muli %scan3A_48, %mul3A_49 : i32
        %add3A_51 = arith.constant 0 : i32
        %add3A_52 = arith.addi %add3A_51, %mul3A_50 : i32
        %mul3A_53 = arith.constant 16 : i32
        %mul3A_54 = arith.muli %add3A_52, %mul3A_53 : i32
        %get3A = arith.index_cast %mul3A_54 : i32 to index
        %get3A_55 = tpu.vector_load %arg5[%get3A] {strides = array<i32>} : memref<5120xf32, #tpu.memory_space<vmem>>, vector<16xf32>,
        %get3A_56 = arith.index_cast %mul3A_54 : i32 to index
        %get3A_57 = tpu.vector_load %arg6[%get3A_56] {strides = array<i32>} : memref<5120xf32, #tpu.memory_space<vmem>>, vector<16xf32>,
        %add3A_58 = arith.addf %get3A_55, %get3A_57 : vector<16xf32>
        %swap3A = arith.index_cast %mul3A_54 : i32 to index
        %swap3A_59 = tpu.vector_load %arg5[%swap3A] {strides = array<i32>} : memref<5120xf32, #tpu.memory_space<vmem>>, vector<16xf32>,
        tpu.vector_store %arg5[%swap3A], %add3A_58 {strides = array<i32>} : memref<5120xf32, #tpu.memory_space<vmem>>, vector<16xf32>,
      }
      %scan3A_42 = arith.constant 320 : i32
      %scan3A_43 = arith.constant 0 : i32
      %scan3A_44 = arith.constant 20 : i32
      %scan3A_45 = arith.addi %scan3A_43, %scan3A_44 : i32
      %scan3A_46 = arith.constant 1 : i32
      scf.for %scan3A_48 = %scan3A_43 to %scan3A_45 step %scan3A_46  : i32 {
        %mul3A_49 = arith.constant 1 : i32
        %mul3A_50 = arith.muli %scan3A_48, %mul3A_49 : i32
        %add3A_51 = arith.constant 0 : i32
        %add3A_52 = arith.addi %add3A_51, %mul3A_50 : i32
        %mul3A_53 = arith.constant 16 : i32
        %mul3A_54 = arith.muli %add3A_52, %mul3A_53 : i32
        %get3A = arith.index_cast %mul3A_54 : i32 to index
        %get3A_55 = tpu.vector_load %arg7[%get3A] {strides = array<i32>} : memref<320xf32, #tpu.memory_space<vmem>>, vector<16xf32>,
        %get3A_56 = arith.index_cast %mul3A_54 : i32 to index
        %get3A_57 = tpu.vector_load %arg8[%get3A_56] {strides = array<i32>} : memref<320xf32, #tpu.memory_space<vmem>>, vector<16xf32>,
        %add3A_58 = arith.addf %get3A_55, %get3A_57 : vector<16xf32>
        %swap3A = arith.index_cast %mul3A_54 : i32 to index
        %swap3A_59 = tpu.vector_load %arg7[%swap3A] {strides = array<i32>} : memref<320xf32, #tpu.memory_space<vmem>>, vector<16xf32>,
        tpu.vector_store %arg7[%swap3A], %add3A_58 {strides = array<i32>} : memref<320xf32, #tpu.memory_space<vmem>>, vector<16xf32>,
      }
      %scan3A_47 = arith.constant 20 : i32
    }
    %scan3A_17 = arith.constant 32 : i32
    %scan3A_18 = arith.constant 0 : i32
    %scan3A_19 = arith.constant 320 : i32
    %scan3A_20 = arith.addi %scan3A_18, %scan3A_19 : i32
    %scan3A_21 = arith.constant 1 : i32
    scf.for %scan3A_25 = %scan3A_18 to %scan3A_20 step %scan3A_21  : i32 {
      %mul3A_26 = arith.constant 1 : i32
      %mul3A_27 = arith.muli %scan3A_25, %mul3A_26 : i32
      %add3A_28 = arith.constant 0 : i32
      %add3A_29 = arith.addi %add3A_28, %mul3A_27 : i32
      %broadcast_in_dim3A_30 = arith.constant 0 : i32
      %broadcast_in_dim3A_31 = vector.broadcast %broadcast_in_dim3A_30 : i32 to vector<16xi32>
      %add3A_32 = vector.broadcast %add3A_29 : i32 to vector<16xi32>
      %add3A_33 = arith.addi %broadcast_in_dim3A_31, %add3A_32 : vector<16xi32>
      %gather3A = tpu.vector_load_idx %arg7[%add3A_33] : memref<320xf32, #tpu.memory_space<vmem>>[vector<16xi32>], vector<16xf32>,
      %mul3A_34 = arith.constant 16 : i32
      %mul3A_35 = arith.muli %add3A_29, %mul3A_34 : i32
      %get3A = arith.index_cast %mul3A_35 : i32 to index
      %get3A_36 = tpu.vector_load %arg5[%get3A] {strides = array<i32>} : memref<5120xf32, #tpu.memory_space<vmem>>, vector<16xf32>,
      %max3A = arith.constant 1.000000e+00 : f32
      %max3A_37 = vector.broadcast %max3A : f32 to vector<16xf32>
      %max3A_38 = arith.maximumf %gather3A, %max3A_37 : vector<16xf32>
      %div3A = arith.divf %get3A_36, %max3A_38 : vector<16xf32>
      %swap3A = arith.index_cast %mul3A_35 : i32 to index
      %swap3A_39 = tpu.vector_load %arg5[%swap3A] {strides = array<i32>} : memref<5120xf32, #tpu.memory_space<vmem>>, vector<16xf32>,
      tpu.vector_store %arg5[%swap3A], %div3A {strides = array<i32>} : memref<5120xf32, #tpu.memory_space<vmem>>, vector<16xf32>,
    }
    %scan3A_22 = arith.constant 320 : i32
    %mul3A_23 = arith.constant 16 : i32
    %mul3A_24 = arith.muli %mul3A_2, %mul3A_23 : i32
    "tpu.region"() ({
      %run_scoped3A = tpu.sem_alloc : memref<!tpu.dma_semaphore, #tpu.memory_space<semaphore_mem>>
      %dma_start3A = tpu.memref_slice %arg4[%mul3A_24] : memref<163840xf32, #tpu.memory_space<hbm>> -> memref<5120xf32, #tpu.memory_space<hbm>>
      %dma_start3A_25 = tpu.memref_slice %arg4[%mul3A_24] : memref<163840xf32, #tpu.memory_space<hbm>> -> memref<5120xf32, #tpu.memory_space<hbm>>
      tpu.enqueue_dma source(%arg5 : memref<5120xf32, #tpu.memory_space<vmem>>) target(%dma_start3A_25 : memref<5120xf32, #tpu.memory_space<hbm>>) target_semaphore(%run_scoped3A : memref<!tpu.dma_semaphore, #tpu.memory_space<semaphore_mem>>)
      %dma_wait3A = tpu.memref_slice %arg4[%mul3A_24] : memref<163840xf32, #tpu.memory_space<hbm>> -> memref<5120xf32, #tpu.memory_space<hbm>>
      %dma_wait3A_26 = tpu.memref_slice %arg4[%mul3A_24] : memref<163840xf32, #tpu.memory_space<hbm>> -> memref<5120xf32, #tpu.memory_space<hbm>>
      tpu.wait_dma2 semaphore(%run_scoped3A : memref<!tpu.dma_semaphore, #tpu.memory_space<semaphore_mem>>) src(%arg5 : memref<5120xf32, #tpu.memory_space<vmem>>) dst(%dma_wait3A_26 : memref<5120xf32, #tpu.memory_space<hbm>>)
      tpu.yield
    }) : () -> ()
    return
  }
}

#map = affine_map<(d0, d1) -> (0, 0)>
#map1 = affine_map<(d0, d1) -> (0)>
module attributes {stable_mosaic.version = 14 : i64} {
  func.func @_gather_call(%arg0: i32, %arg1: i32, %arg2: memref<10000x128xf32, #tpu.memory_space<hbm>>, %arg3: memref<10000x128xf32, #tpu.memory_space<hbm>>, %arg4: memref<320000xi32, #tpu.memory_space<hbm>>, %arg5: memref<320000xi32, #tpu.memory_space<hbm>>, %arg6: memref<320000x128xf32, #tpu.memory_space<hbm>>, %arg7: memref<10000xi32, #tpu.memory_space<vmem>>, %arg8: memref<10000xi32, #tpu.memory_space<vmem>>, %arg9: memref<2x200x128xf32, #tpu.memory_space<vmem>>, %arg10: memref<2x200x128xf32, #tpu.memory_space<vmem>>, %arg11: memref<2x!tpu.dma_semaphore, #tpu.memory_space<semaphore_mem>>, %arg12: memref<2x!tpu.dma_semaphore, #tpu.memory_space<semaphore_mem>>) attributes {dimension_semantics = [#tpu.dimension_semantics<core_parallel>, #tpu.dimension_semantics<subcore_parallel>], iteration_bounds = array<i64: 2, 16>, scalar_prefetch = 0 : i64, scratch_operands = 6 : i64, tpu.core_type = #tpu.core_type<sc_vector_subcore>, window_params = [{transform_indices = #map}, {transform_indices = #map}, {transform_indices = #map1}, {transform_indices = #map1}, {transform_indices = #map}]} {
    %mul3A = arith.constant 2 : i32
    %mul3A_0 = arith.muli %arg1, %mul3A : i32
    %add3A = arith.addi %mul3A_0, %arg0 : i32
    %mul3A_1 = arith.constant 10000 : i32
    %mul3A_2 = arith.muli %add3A, %mul3A_1 : i32
    "tpu.region"() ({
      %run_scoped3A = tpu.sem_alloc : memref<!tpu.dma_semaphore, #tpu.memory_space<semaphore_mem>>
      %dma_start3A_67 = tpu.memref_slice %arg4[%mul3A_2] : memref<320000xi32, #tpu.memory_space<hbm>> -> memref<10000xi32, #tpu.memory_space<hbm>>
      %dma_start3A_68 = tpu.memref_slice %arg4[%mul3A_2] : memref<320000xi32, #tpu.memory_space<hbm>> -> memref<10000xi32, #tpu.memory_space<hbm>>
      tpu.enqueue_dma source(%dma_start3A_68 : memref<10000xi32, #tpu.memory_space<hbm>>) target(%arg7 : memref<10000xi32, #tpu.memory_space<vmem>>) target_semaphore(%run_scoped3A : memref<!tpu.dma_semaphore, #tpu.memory_space<semaphore_mem>>)
      %dma_wait3A_69 = tpu.memref_slice %arg4[%mul3A_2] : memref<320000xi32, #tpu.memory_space<hbm>> -> memref<10000xi32, #tpu.memory_space<hbm>>
      %dma_wait3A_70 = tpu.memref_slice %arg4[%mul3A_2] : memref<320000xi32, #tpu.memory_space<hbm>> -> memref<10000xi32, #tpu.memory_space<hbm>>
      tpu.wait_dma2 semaphore(%run_scoped3A : memref<!tpu.dma_semaphore, #tpu.memory_space<semaphore_mem>>) src(%dma_wait3A_70 : memref<10000xi32, #tpu.memory_space<hbm>>) dst(%arg7 : memref<10000xi32, #tpu.memory_space<vmem>>)
      tpu.yield
    }) : () -> ()
    "tpu.region"() ({
      %run_scoped3A = tpu.sem_alloc : memref<!tpu.dma_semaphore, #tpu.memory_space<semaphore_mem>>
      %dma_start3A_67 = tpu.memref_slice %arg5[%mul3A_2] : memref<320000xi32, #tpu.memory_space<hbm>> -> memref<10000xi32, #tpu.memory_space<hbm>>
      %dma_start3A_68 = tpu.memref_slice %arg5[%mul3A_2] : memref<320000xi32, #tpu.memory_space<hbm>> -> memref<10000xi32, #tpu.memory_space<hbm>>
      tpu.enqueue_dma source(%dma_start3A_68 : memref<10000xi32, #tpu.memory_space<hbm>>) target(%arg8 : memref<10000xi32, #tpu.memory_space<vmem>>) target_semaphore(%run_scoped3A : memref<!tpu.dma_semaphore, #tpu.memory_space<semaphore_mem>>)
      %dma_wait3A_69 = tpu.memref_slice %arg5[%mul3A_2] : memref<320000xi32, #tpu.memory_space<hbm>> -> memref<10000xi32, #tpu.memory_space<hbm>>
      %dma_wait3A_70 = tpu.memref_slice %arg5[%mul3A_2] : memref<320000xi32, #tpu.memory_space<hbm>> -> memref<10000xi32, #tpu.memory_space<hbm>>
      tpu.wait_dma2 semaphore(%run_scoped3A : memref<!tpu.dma_semaphore, #tpu.memory_space<semaphore_mem>>) src(%dma_wait3A_70 : memref<10000xi32, #tpu.memory_space<hbm>>) dst(%arg8 : memref<10000xi32, #tpu.memory_space<vmem>>)
      tpu.yield
    }) : () -> ()
    %dma_start3A = arith.constant 0 : i32
    %dma_start3A_3 = arith.constant 0 : i32
    %dma_start3A_4 = arith.constant 0 : i32
    %dma_start3A_5 = arith.constant 0 : i32
    %dma_start3A_6 = tpu.memref_slice %arg9[%dma_start3A, %dma_start3A_4, %dma_start3A_5] : memref<2x200x128xf32, #tpu.memory_space<vmem>> -> memref<1x200x128xf32, #tpu.memory_space<vmem>>
    %dma_start3A_7 = tpu.memref_squeeze %dma_start3A_6 : memref<1x200x128xf32, #tpu.memory_space<vmem>> -> memref<200x128xf32, #tpu.memory_space<vmem>>
    %dma_start3A_8 = arith.constant 0 : i32
    %dma_start3A_9 = tpu.memref_slice %arg7[%dma_start3A_8] : memref<10000xi32, #tpu.memory_space<vmem>> -> memref<200xi32, #tpu.memory_space<vmem>>
    %dma_start3A_10 = arith.constant 0 : i32
    %dma_start3A_11 = arith.constant 0 : i32
    %dma_start3A_12 = tpu.memref_slice %arg2[%dma_start3A_10, %dma_start3A_11] : memref<10000x128xf32, #tpu.memory_space<hbm>> -> memref<10000x128xf32, #tpu.memory_space<hbm>>
    %dma_start3A_13 = tpu.memref_slice %arg11[%dma_start3A_3] : memref<2x!tpu.dma_semaphore, #tpu.memory_space<semaphore_mem>> -> memref<1x!tpu.dma_semaphore, #tpu.memory_space<semaphore_mem>>
    %dma_start3A_14 = tpu.memref_squeeze %dma_start3A_13 : memref<1x!tpu.dma_semaphore, #tpu.memory_space<semaphore_mem>> -> memref<!tpu.dma_semaphore, #tpu.memory_space<semaphore_mem>>
    tpu.enqueue_indirect_dma source(%dma_start3A_12 : memref<10000x128xf32, #tpu.memory_space<hbm>>) target(%dma_start3A_7 : memref<200x128xf32, #tpu.memory_space<vmem>>) offsets(%dma_start3A_9 : memref<200xi32, #tpu.memory_space<vmem>>) semaphore(%dma_start3A_14 : memref<!tpu.dma_semaphore, #tpu.memory_space<semaphore_mem>>)
    %dma_start3A_15 = arith.constant 0 : i32
    %dma_start3A_16 = arith.constant 0 : i32
    %dma_start3A_17 = arith.constant 0 : i32
    %dma_start3A_18 = arith.constant 0 : i32
    %dma_start3A_19 = tpu.memref_slice %arg10[%dma_start3A_15, %dma_start3A_17, %dma_start3A_18] : memref<2x200x128xf32, #tpu.memory_space<vmem>> -> memref<1x200x128xf32, #tpu.memory_space<vmem>>
    %dma_start3A_20 = tpu.memref_squeeze %dma_start3A_19 : memref<1x200x128xf32, #tpu.memory_space<vmem>> -> memref<200x128xf32, #tpu.memory_space<vmem>>
    %dma_start3A_21 = arith.constant 0 : i32
    %dma_start3A_22 = tpu.memref_slice %arg8[%dma_start3A_21] : memref<10000xi32, #tpu.memory_space<vmem>> -> memref<200xi32, #tpu.memory_space<vmem>>
    %dma_start3A_23 = arith.constant 0 : i32
    %dma_start3A_24 = arith.constant 0 : i32
    %dma_start3A_25 = tpu.memref_slice %arg3[%dma_start3A_23, %dma_start3A_24] : memref<10000x128xf32, #tpu.memory_space<hbm>> -> memref<10000x128xf32, #tpu.memory_space<hbm>>
    %dma_start3A_26 = tpu.memref_slice %arg11[%dma_start3A_16] : memref<2x!tpu.dma_semaphore, #tpu.memory_space<semaphore_mem>> -> memref<1x!tpu.dma_semaphore, #tpu.memory_space<semaphore_mem>>
    %dma_start3A_27 = tpu.memref_squeeze %dma_start3A_26 : memref<1x!tpu.dma_semaphore, #tpu.memory_space<semaphore_mem>> -> memref<!tpu.dma_semaphore, #tpu.memory_space<semaphore_mem>>
    tpu.enqueue_indirect_dma source(%dma_start3A_25 : memref<10000x128xf32, #tpu.memory_space<hbm>>) target(%dma_start3A_20 : memref<200x128xf32, #tpu.memory_space<vmem>>) offsets(%dma_start3A_22 : memref<200xi32, #tpu.memory_space<vmem>>) semaphore(%dma_start3A_27 : memref<!tpu.dma_semaphore, #tpu.memory_space<semaphore_mem>>)
    %scan3A = arith.constant 0 : i32
    %scan3A_28 = arith.constant 50 : i32
    %scan3A_29 = arith.addi %scan3A, %scan3A_28 : i32
    %scan3A_30 = arith.constant 1 : i32
    scf.for %scan3A_67 = %scan3A to %scan3A_29 step %scan3A_30  : i32 {
      %mul3A_68 = arith.constant 1 : i32
      %mul3A_69 = arith.muli %scan3A_67, %mul3A_68 : i32
      %add3A_70 = arith.constant 0 : i32
      %add3A_71 = arith.addi %add3A_70, %mul3A_69 : i32
      %rem3A = arith.constant 2 : i32
      %rem3A_72 = arith.remsi %add3A_71, %rem3A : i32
      %dma_wait3A_73 = arith.constant 0 : i32
      %dma_wait3A_74 = arith.constant 0 : i32
      %dma_wait3A_75 = tpu.memref_slice %arg9[%rem3A_72, %dma_wait3A_73, %dma_wait3A_74] : memref<2x200x128xf32, #tpu.memory_space<vmem>> -> memref<1x200x128xf32, #tpu.memory_space<vmem>>
      %dma_wait3A_76 = tpu.memref_squeeze %dma_wait3A_75 : memref<1x200x128xf32, #tpu.memory_space<vmem>> -> memref<200x128xf32, #tpu.memory_space<vmem>>
      %dma_wait3A_77 = arith.constant 0 : i32
      %dma_wait3A_78 = arith.constant 0 : i32
      %dma_wait3A_79 = tpu.memref_slice %arg2[%dma_wait3A_77, %dma_wait3A_78] : memref<10000x128xf32, #tpu.memory_space<hbm>> -> memref<200x128xf32, #tpu.memory_space<hbm>>
      %dma_wait3A_80 = tpu.memref_slice %arg11[%rem3A_72] : memref<2x!tpu.dma_semaphore, #tpu.memory_space<semaphore_mem>> -> memref<1x!tpu.dma_semaphore, #tpu.memory_space<semaphore_mem>>
      %dma_wait3A_81 = tpu.memref_squeeze %dma_wait3A_80 : memref<1x!tpu.dma_semaphore, #tpu.memory_space<semaphore_mem>> -> memref<!tpu.dma_semaphore, #tpu.memory_space<semaphore_mem>>
      %dma_wait3A_82 = arith.constant 0 : i32
      %dma_wait3A_83 = arith.constant 0 : i32
      %dma_wait3A_84 = tpu.memref_slice %arg9[%rem3A_72, %dma_wait3A_82, %dma_wait3A_83] : memref<2x200x128xf32, #tpu.memory_space<vmem>> -> memref<1x200x128xf32, #tpu.memory_space<vmem>>
      %dma_wait3A_85 = tpu.memref_squeeze %dma_wait3A_84 : memref<1x200x128xf32, #tpu.memory_space<vmem>> -> memref<200x128xf32, #tpu.memory_space<vmem>>
      %dma_wait3A_86 = arith.constant 0 : i32
      %dma_wait3A_87 = arith.constant 0 : i32
      %dma_wait3A_88 = tpu.memref_slice %arg2[%dma_wait3A_86, %dma_wait3A_87] : memref<10000x128xf32, #tpu.memory_space<hbm>> -> memref<200x128xf32, #tpu.memory_space<hbm>>
      tpu.wait_dma2 semaphore(%dma_wait3A_81 : memref<!tpu.dma_semaphore, #tpu.memory_space<semaphore_mem>>) src(%dma_wait3A_88 : memref<200x128xf32, #tpu.memory_space<hbm>>) dst(%dma_wait3A_85 : memref<200x128xf32, #tpu.memory_space<vmem>>)
      %dma_wait3A_89 = arith.constant 0 : i32
      %dma_wait3A_90 = arith.constant 0 : i32
      %dma_wait3A_91 = tpu.memref_slice %arg10[%rem3A_72, %dma_wait3A_89, %dma_wait3A_90] : memref<2x200x128xf32, #tpu.memory_space<vmem>> -> memref<1x200x128xf32, #tpu.memory_space<vmem>>
      %dma_wait3A_92 = tpu.memref_squeeze %dma_wait3A_91 : memref<1x200x128xf32, #tpu.memory_space<vmem>> -> memref<200x128xf32, #tpu.memory_space<vmem>>
      %dma_wait3A_93 = arith.constant 0 : i32
      %dma_wait3A_94 = arith.constant 0 : i32
      %dma_wait3A_95 = tpu.memref_slice %arg2[%dma_wait3A_93, %dma_wait3A_94] : memref<10000x128xf32, #tpu.memory_space<hbm>> -> memref<200x128xf32, #tpu.memory_space<hbm>>
      %dma_wait3A_96 = tpu.memref_slice %arg11[%rem3A_72] : memref<2x!tpu.dma_semaphore, #tpu.memory_space<semaphore_mem>> -> memref<1x!tpu.dma_semaphore, #tpu.memory_space<semaphore_mem>>
      %dma_wait3A_97 = tpu.memref_squeeze %dma_wait3A_96 : memref<1x!tpu.dma_semaphore, #tpu.memory_space<semaphore_mem>> -> memref<!tpu.dma_semaphore, #tpu.memory_space<semaphore_mem>>
      %dma_wait3A_98 = arith.constant 0 : i32
      %dma_wait3A_99 = arith.constant 0 : i32
      %dma_wait3A_100 = tpu.memref_slice %arg10[%rem3A_72, %dma_wait3A_98, %dma_wait3A_99] : memref<2x200x128xf32, #tpu.memory_space<vmem>> -> memref<1x200x128xf32, #tpu.memory_space<vmem>>
      %dma_wait3A_101 = tpu.memref_squeeze %dma_wait3A_100 : memref<1x200x128xf32, #tpu.memory_space<vmem>> -> memref<200x128xf32, #tpu.memory_space<vmem>>
      %dma_wait3A_102 = arith.constant 0 : i32
      %dma_wait3A_103 = arith.constant 0 : i32
      %dma_wait3A_104 = tpu.memref_slice %arg2[%dma_wait3A_102, %dma_wait3A_103] : memref<10000x128xf32, #tpu.memory_space<hbm>> -> memref<200x128xf32, #tpu.memory_space<hbm>>
      tpu.wait_dma2 semaphore(%dma_wait3A_97 : memref<!tpu.dma_semaphore, #tpu.memory_space<semaphore_mem>>) src(%dma_wait3A_104 : memref<200x128xf32, #tpu.memory_space<hbm>>) dst(%dma_wait3A_101 : memref<200x128xf32, #tpu.memory_space<vmem>>)
      %add3A_105 = arith.constant 2 : i32
      %add3A_106 = arith.addi %add3A_71, %add3A_105 : i32
      %sub3A = arith.constant 1 : i32
      %sub3A_107 = arith.subi %add3A_106, %sub3A : i32
      %lt3A = arith.constant 50 : i32
      %lt3A_108 = arith.cmpi slt, %sub3A_107, %lt3A : i32
      %convert_element_type3A = arith.extui %lt3A_108 : i1 to i32
      %cond3A = arith.constant 0 : i32
      %cond3A_109 = arith.cmpi ne, %convert_element_type3A, %cond3A : i32
      scf.if %cond3A_109 {
        %add3A_132 = arith.constant 2 : i32
        %add3A_133 = arith.addi %add3A_71, %add3A_132 : i32
        %sub3A_134 = arith.constant 1 : i32
        %sub3A_135 = arith.subi %add3A_133, %sub3A_134 : i32
        %rem3A_136 = arith.constant 2 : i32
        %rem3A_137 = arith.remsi %sub3A_135, %rem3A_136 : i32
        %ge3A = arith.constant 1 : i32
        %ge3A_138 = arith.cmpi sge, %add3A_71, %ge3A : i32
        %convert_element_type3A_139 = arith.extui %ge3A_138 : i1 to i32
        %cond3A_140 = arith.constant 0 : i32
        %cond3A_141 = arith.cmpi ne, %convert_element_type3A_139, %cond3A_140 : i32
        scf.if %cond3A_141 {
          %dma_wait3A_170 = arith.constant 0 : i32
          %dma_wait3A_171 = arith.constant 0 : i32
          %dma_wait3A_172 = tpu.memref_slice %arg9[%rem3A_137, %dma_wait3A_170, %dma_wait3A_171] : memref<2x200x128xf32, #tpu.memory_space<vmem>> -> memref<1x200x128xf32, #tpu.memory_space<vmem>>
          %dma_wait3A_173 = tpu.memref_squeeze %dma_wait3A_172 : memref<1x200x128xf32, #tpu.memory_space<vmem>> -> memref<200x128xf32, #tpu.memory_space<vmem>>
          %dma_wait3A_174 = arith.constant 0 : i32
          %dma_wait3A_175 = arith.constant 0 : i32
          %dma_wait3A_176 = tpu.memref_slice %arg6[%dma_wait3A_174, %dma_wait3A_175] : memref<320000x128xf32, #tpu.memory_space<hbm>> -> memref<200x128xf32, #tpu.memory_space<hbm>>
          %dma_wait3A_177 = tpu.memref_slice %arg12[%rem3A_137] : memref<2x!tpu.dma_semaphore, #tpu.memory_space<semaphore_mem>> -> memref<1x!tpu.dma_semaphore, #tpu.memory_space<semaphore_mem>>
          %dma_wait3A_178 = tpu.memref_squeeze %dma_wait3A_177 : memref<1x!tpu.dma_semaphore, #tpu.memory_space<semaphore_mem>> -> memref<!tpu.dma_semaphore, #tpu.memory_space<semaphore_mem>>
          %dma_wait3A_179 = arith.constant 0 : i32
          %dma_wait3A_180 = arith.constant 0 : i32
          %dma_wait3A_181 = tpu.memref_slice %arg6[%dma_wait3A_179, %dma_wait3A_180] : memref<320000x128xf32, #tpu.memory_space<hbm>> -> memref<200x128xf32, #tpu.memory_space<hbm>>
          %dma_wait3A_182 = arith.constant 0 : i32
          %dma_wait3A_183 = arith.constant 0 : i32
          %dma_wait3A_184 = tpu.memref_slice %arg9[%rem3A_137, %dma_wait3A_182, %dma_wait3A_183] : memref<2x200x128xf32, #tpu.memory_space<vmem>> -> memref<1x200x128xf32, #tpu.memory_space<vmem>>
          %dma_wait3A_185 = tpu.memref_squeeze %dma_wait3A_184 : memref<1x200x128xf32, #tpu.memory_space<vmem>> -> memref<200x128xf32, #tpu.memory_space<vmem>>
          tpu.wait_dma2 semaphore(%dma_wait3A_178 : memref<!tpu.dma_semaphore, #tpu.memory_space<semaphore_mem>>) src(%dma_wait3A_185 : memref<200x128xf32, #tpu.memory_space<vmem>>) dst(%dma_wait3A_181 : memref<200x128xf32, #tpu.memory_space<hbm>>)
        } else {
        }
        %add3A_142 = arith.constant 2 : i32
        %add3A_143 = arith.addi %add3A_71, %add3A_142 : i32
        %sub3A_144 = arith.constant 1 : i32
        %sub3A_145 = arith.subi %add3A_143, %sub3A_144 : i32
        %mul3A_146 = arith.constant 200 : i32
        %mul3A_147 = arith.muli %sub3A_145, %mul3A_146 : i32
        %dma_start3A_148 = arith.constant 0 : i32
        %dma_start3A_149 = arith.constant 0 : i32
        %dma_start3A_150 = tpu.memref_slice %arg9[%rem3A_137, %dma_start3A_148, %dma_start3A_149] : memref<2x200x128xf32, #tpu.memory_space<vmem>> -> memref<1x200x128xf32, #tpu.memory_space<vmem>>
        %dma_start3A_151 = tpu.memref_squeeze %dma_start3A_150 : memref<1x200x128xf32, #tpu.memory_space<vmem>> -> memref<200x128xf32, #tpu.memory_space<vmem>>
        %dma_start3A_152 = tpu.memref_slice %arg7[%mul3A_147] : memref<10000xi32, #tpu.memory_space<vmem>> -> memref<200xi32, #tpu.memory_space<vmem>>
        %dma_start3A_153 = arith.constant 0 : i32
        %dma_start3A_154 = arith.constant 0 : i32
        %dma_start3A_155 = tpu.memref_slice %arg2[%dma_start3A_153, %dma_start3A_154] : memref<10000x128xf32, #tpu.memory_space<hbm>> -> memref<10000x128xf32, #tpu.memory_space<hbm>>
        %dma_start3A_156 = tpu.memref_slice %arg11[%rem3A_137] : memref<2x!tpu.dma_semaphore, #tpu.memory_space<semaphore_mem>> -> memref<1x!tpu.dma_semaphore, #tpu.memory_space<semaphore_mem>>
        %dma_start3A_157 = tpu.memref_squeeze %dma_start3A_156 : memref<1x!tpu.dma_semaphore, #tpu.memory_space<semaphore_mem>> -> memref<!tpu.dma_semaphore, #tpu.memory_space<semaphore_mem>>
        tpu.enqueue_indirect_dma source(%dma_start3A_155 : memref<10000x128xf32, #tpu.memory_space<hbm>>) target(%dma_start3A_151 : memref<200x128xf32, #tpu.memory_space<vmem>>) offsets(%dma_start3A_152 : memref<200xi32, #tpu.memory_space<vmem>>) semaphore(%dma_start3A_157 : memref<!tpu.dma_semaphore, #tpu.memory_space<semaphore_mem>>)
        %mul3A_158 = arith.constant 200 : i32
        %mul3A_159 = arith.muli %sub3A_145, %mul3A_158 : i32
        %dma_start3A_160 = arith.constant 0 : i32
        %dma_start3A_161 = arith.constant 0 : i32
        %dma_start3A_162 = tpu.memref_slice %arg10[%rem3A_137, %dma_start3A_160, %dma_start3A_161] : memref<2x200x128xf32, #tpu.memory_space<vmem>> -> memref<1x200x128xf32, #tpu.memory_space<vmem>>
        %dma_start3A_163 = tpu.memref_squeeze %dma_start3A_162 : memref<1x200x128xf32, #tpu.memory_space<vmem>> -> memref<200x128xf32, #tpu.memory_space<vmem>>
        %dma_start3A_164 = tpu.memref_slice %arg8[%mul3A_159] : memref<10000xi32, #tpu.memory_space<vmem>> -> memref<200xi32, #tpu.memory_space<vmem>>
        %dma_start3A_165 = arith.constant 0 : i32
        %dma_start3A_166 = arith.constant 0 : i32
        %dma_start3A_167 = tpu.memref_slice %arg3[%dma_start3A_165, %dma_start3A_166] : memref<10000x128xf32, #tpu.memory_space<hbm>> -> memref<10000x128xf32, #tpu.memory_space<hbm>>
        %dma_start3A_168 = tpu.memref_slice %arg11[%rem3A_137] : memref<2x!tpu.dma_semaphore, #tpu.memory_space<semaphore_mem>> -> memref<1x!tpu.dma_semaphore, #tpu.memory_space<semaphore_mem>>
        %dma_start3A_169 = tpu.memref_squeeze %dma_start3A_168 : memref<1x!tpu.dma_semaphore, #tpu.memory_space<semaphore_mem>> -> memref<!tpu.dma_semaphore, #tpu.memory_space<semaphore_mem>>
        tpu.enqueue_indirect_dma source(%dma_start3A_167 : memref<10000x128xf32, #tpu.memory_space<hbm>>) target(%dma_start3A_163 : memref<200x128xf32, #tpu.memory_space<vmem>>) offsets(%dma_start3A_164 : memref<200xi32, #tpu.memory_space<vmem>>) semaphore(%dma_start3A_169 : memref<!tpu.dma_semaphore, #tpu.memory_space<semaphore_mem>>)
      } else {
      }
      %scan3A_110 = arith.constant 0 : i32
      %scan3A_111 = arith.constant 200 : i32
      %scan3A_112 = arith.addi %scan3A_110, %scan3A_111 : i32
      %scan3A_113 = arith.constant 1 : i32
      scf.for %scan3A_132 = %scan3A_110 to %scan3A_112 step %scan3A_113  : i32 {
        %mul3A_133 = arith.constant 1 : i32
        %mul3A_134 = arith.muli %scan3A_132, %mul3A_133 : i32
        %add3A_135 = arith.constant 0 : i32
        %add3A_136 = arith.addi %add3A_135, %mul3A_134 : i32
        %get3A = arith.index_cast %rem3A_72 : i32 to index
        %get3A_137 = arith.index_cast %add3A_136 : i32 to index
        %get3A_138 = arith.constant 0 : index
        %get3A_139 = tpu.vector_load %arg9[%get3A, %get3A_137, %get3A_138] {strides = array<i32>} : memref<2x200x128xf32, #tpu.memory_space<vmem>>, vector<1x1x16xf32>,
        %get3A_140 = vector.shape_cast %get3A_139 : vector<1x1x16xf32> to vector<16xf32>
        %get3A_141 = arith.index_cast %rem3A_72 : i32 to index
        %get3A_142 = arith.index_cast %add3A_136 : i32 to index
        %get3A_143 = arith.constant 0 : index
        %get3A_144 = tpu.vector_load %arg10[%get3A_141, %get3A_142, %get3A_143] {strides = array<i32>} : memref<2x200x128xf32, #tpu.memory_space<vmem>>, vector<1x1x16xf32>,
        %get3A_145 = vector.shape_cast %get3A_144 : vector<1x1x16xf32> to vector<16xf32>
        %add3A_146 = arith.addf %get3A_140, %get3A_145 : vector<16xf32>
        %swap3A = arith.index_cast %rem3A_72 : i32 to index
        %swap3A_147 = arith.index_cast %add3A_136 : i32 to index
        %swap3A_148 = arith.constant 0 : index
        %swap3A_149 = tpu.vector_load %arg9[%swap3A, %swap3A_147, %swap3A_148] {strides = array<i32>} : memref<2x200x128xf32, #tpu.memory_space<vmem>>, vector<1x1x16xf32>,
        %swap3A_150 = vector.shape_cast %swap3A_149 : vector<1x1x16xf32> to vector<16xf32>
        %swap3A_151 = vector.shape_cast %add3A_146 : vector<16xf32> to vector<1x1x16xf32>
        tpu.vector_store %arg9[%swap3A, %swap3A_147, %swap3A_148], %swap3A_151 {strides = array<i32>} : memref<2x200x128xf32, #tpu.memory_space<vmem>>, vector<1x1x16xf32>,
        %get3A_152 = arith.index_cast %rem3A_72 : i32 to index
        %get3A_153 = arith.index_cast %add3A_136 : i32 to index
        %get3A_154 = arith.constant 16 : index
        %get3A_155 = tpu.vector_load %arg9[%get3A_152, %get3A_153, %get3A_154] {strides = array<i32>} : memref<2x200x128xf32, #tpu.memory_space<vmem>>, vector<1x1x16xf32>,
        %get3A_156 = vector.shape_cast %get3A_155 : vector<1x1x16xf32> to vector<16xf32>
        %get3A_157 = arith.index_cast %rem3A_72 : i32 to index
        %get3A_158 = arith.index_cast %add3A_136 : i32 to index
        %get3A_159 = arith.constant 16 : index
        %get3A_160 = tpu.vector_load %arg10[%get3A_157, %get3A_158, %get3A_159] {strides = array<i32>} : memref<2x200x128xf32, #tpu.memory_space<vmem>>, vector<1x1x16xf32>,
        %get3A_161 = vector.shape_cast %get3A_160 : vector<1x1x16xf32> to vector<16xf32>
        %add3A_162 = arith.addf %get3A_156, %get3A_161 : vector<16xf32>
        %swap3A_163 = arith.index_cast %rem3A_72 : i32 to index
        %swap3A_164 = arith.index_cast %add3A_136 : i32 to index
        %swap3A_165 = arith.constant 16 : index
        %swap3A_166 = tpu.vector_load %arg9[%swap3A_163, %swap3A_164, %swap3A_165] {strides = array<i32>} : memref<2x200x128xf32, #tpu.memory_space<vmem>>, vector<1x1x16xf32>,
        %swap3A_167 = vector.shape_cast %swap3A_166 : vector<1x1x16xf32> to vector<16xf32>
        %swap3A_168 = vector.shape_cast %add3A_162 : vector<16xf32> to vector<1x1x16xf32>
        tpu.vector_store %arg9[%swap3A_163, %swap3A_164, %swap3A_165], %swap3A_168 {strides = array<i32>} : memref<2x200x128xf32, #tpu.memory_space<vmem>>, vector<1x1x16xf32>,
        %get3A_169 = arith.index_cast %rem3A_72 : i32 to index
        %get3A_170 = arith.index_cast %add3A_136 : i32 to index
        %get3A_171 = arith.constant 32 : index
        %get3A_172 = tpu.vector_load %arg9[%get3A_169, %get3A_170, %get3A_171] {strides = array<i32>} : memref<2x200x128xf32, #tpu.memory_space<vmem>>, vector<1x1x16xf32>,
        %get3A_173 = vector.shape_cast %get3A_172 : vector<1x1x16xf32> to vector<16xf32>
        %get3A_174 = arith.index_cast %rem3A_72 : i32 to index
        %get3A_175 = arith.index_cast %add3A_136 : i32 to index
        %get3A_176 = arith.constant 32 : index
        %get3A_177 = tpu.vector_load %arg10[%get3A_174, %get3A_175, %get3A_176] {strides = array<i32>} : memref<2x200x128xf32, #tpu.memory_space<vmem>>, vector<1x1x16xf32>,
        %get3A_178 = vector.shape_cast %get3A_177 : vector<1x1x16xf32> to vector<16xf32>
        %add3A_179 = arith.addf %get3A_173, %get3A_178 : vector<16xf32>
        %swap3A_180 = arith.index_cast %rem3A_72 : i32 to index
        %swap3A_181 = arith.index_cast %add3A_136 : i32 to index
        %swap3A_182 = arith.constant 32 : index
        %swap3A_183 = tpu.vector_load %arg9[%swap3A_180, %swap3A_181, %swap3A_182] {strides = array<i32>} : memref<2x200x128xf32, #tpu.memory_space<vmem>>, vector<1x1x16xf32>,
        %swap3A_184 = vector.shape_cast %swap3A_183 : vector<1x1x16xf32> to vector<16xf32>
        %swap3A_185 = vector.shape_cast %add3A_179 : vector<16xf32> to vector<1x1x16xf32>
        tpu.vector_store %arg9[%swap3A_180, %swap3A_181, %swap3A_182], %swap3A_185 {strides = array<i32>} : memref<2x200x128xf32, #tpu.memory_space<vmem>>, vector<1x1x16xf32>,
        %get3A_186 = arith.index_cast %rem3A_72 : i32 to index
        %get3A_187 = arith.index_cast %add3A_136 : i32 to index
        %get3A_188 = arith.constant 48 : index
        %get3A_189 = tpu.vector_load %arg9[%get3A_186, %get3A_187, %get3A_188] {strides = array<i32>} : memref<2x200x128xf32, #tpu.memory_space<vmem>>, vector<1x1x16xf32>,
        %get3A_190 = vector.shape_cast %get3A_189 : vector<1x1x16xf32> to vector<16xf32>
        %get3A_191 = arith.index_cast %rem3A_72 : i32 to index
        %get3A_192 = arith.index_cast %add3A_136 : i32 to index
        %get3A_193 = arith.constant 48 : index
        %get3A_194 = tpu.vector_load %arg10[%get3A_191, %get3A_192, %get3A_193] {strides = array<i32>} : memref<2x200x128xf32, #tpu.memory_space<vmem>>, vector<1x1x16xf32>,
        %get3A_195 = vector.shape_cast %get3A_194 : vector<1x1x16xf32> to vector<16xf32>
        %add3A_196 = arith.addf %get3A_190, %get3A_195 : vector<16xf32>
        %swap3A_197 = arith.index_cast %rem3A_72 : i32 to index
        %swap3A_198 = arith.index_cast %add3A_136 : i32 to index
        %swap3A_199 = arith.constant 48 : index
        %swap3A_200 = tpu.vector_load %arg9[%swap3A_197, %swap3A_198, %swap3A_199] {strides = array<i32>} : memref<2x200x128xf32, #tpu.memory_space<vmem>>, vector<1x1x16xf32>,
        %swap3A_201 = vector.shape_cast %swap3A_200 : vector<1x1x16xf32> to vector<16xf32>
        %swap3A_202 = vector.shape_cast %add3A_196 : vector<16xf32> to vector<1x1x16xf32>
        tpu.vector_store %arg9[%swap3A_197, %swap3A_198, %swap3A_199], %swap3A_202 {strides = array<i32>} : memref<2x200x128xf32, #tpu.memory_space<vmem>>, vector<1x1x16xf32>,
        %get3A_203 = arith.index_cast %rem3A_72 : i32 to index
        %get3A_204 = arith.index_cast %add3A_136 : i32 to index
        %get3A_205 = arith.constant 64 : index
        %get3A_206 = tpu.vector_load %arg9[%get3A_203, %get3A_204, %get3A_205] {strides = array<i32>} : memref<2x200x128xf32, #tpu.memory_space<vmem>>, vector<1x1x16xf32>,
        %get3A_207 = vector.shape_cast %get3A_206 : vector<1x1x16xf32> to vector<16xf32>
        %get3A_208 = arith.index_cast %rem3A_72 : i32 to index
        %get3A_209 = arith.index_cast %add3A_136 : i32 to index
        %get3A_210 = arith.constant 64 : index
        %get3A_211 = tpu.vector_load %arg10[%get3A_208, %get3A_209, %get3A_210] {strides = array<i32>} : memref<2x200x128xf32, #tpu.memory_space<vmem>>, vector<1x1x16xf32>,
        %get3A_212 = vector.shape_cast %get3A_211 : vector<1x1x16xf32> to vector<16xf32>
        %add3A_213 = arith.addf %get3A_207, %get3A_212 : vector<16xf32>
        %swap3A_214 = arith.index_cast %rem3A_72 : i32 to index
        %swap3A_215 = arith.index_cast %add3A_136 : i32 to index
        %swap3A_216 = arith.constant 64 : index
        %swap3A_217 = tpu.vector_load %arg9[%swap3A_214, %swap3A_215, %swap3A_216] {strides = array<i32>} : memref<2x200x128xf32, #tpu.memory_space<vmem>>, vector<1x1x16xf32>,
        %swap3A_218 = vector.shape_cast %swap3A_217 : vector<1x1x16xf32> to vector<16xf32>
        %swap3A_219 = vector.shape_cast %add3A_213 : vector<16xf32> to vector<1x1x16xf32>
        tpu.vector_store %arg9[%swap3A_214, %swap3A_215, %swap3A_216], %swap3A_219 {strides = array<i32>} : memref<2x200x128xf32, #tpu.memory_space<vmem>>, vector<1x1x16xf32>,
        %get3A_220 = arith.index_cast %rem3A_72 : i32 to index
        %get3A_221 = arith.index_cast %add3A_136 : i32 to index
        %get3A_222 = arith.constant 80 : index
        %get3A_223 = tpu.vector_load %arg9[%get3A_220, %get3A_221, %get3A_222] {strides = array<i32>} : memref<2x200x128xf32, #tpu.memory_space<vmem>>, vector<1x1x16xf32>,
        %get3A_224 = vector.shape_cast %get3A_223 : vector<1x1x16xf32> to vector<16xf32>
        %get3A_225 = arith.index_cast %rem3A_72 : i32 to index
        %get3A_226 = arith.index_cast %add3A_136 : i32 to index
        %get3A_227 = arith.constant 80 : index
        %get3A_228 = tpu.vector_load %arg10[%get3A_225, %get3A_226, %get3A_227] {strides = array<i32>} : memref<2x200x128xf32, #tpu.memory_space<vmem>>, vector<1x1x16xf32>,
        %get3A_229 = vector.shape_cast %get3A_228 : vector<1x1x16xf32> to vector<16xf32>
        %add3A_230 = arith.addf %get3A_224, %get3A_229 : vector<16xf32>
        %swap3A_231 = arith.index_cast %rem3A_72 : i32 to index
        %swap3A_232 = arith.index_cast %add3A_136 : i32 to index
        %swap3A_233 = arith.constant 80 : index
        %swap3A_234 = tpu.vector_load %arg9[%swap3A_231, %swap3A_232, %swap3A_233] {strides = array<i32>} : memref<2x200x128xf32, #tpu.memory_space<vmem>>, vector<1x1x16xf32>,
        %swap3A_235 = vector.shape_cast %swap3A_234 : vector<1x1x16xf32> to vector<16xf32>
        %swap3A_236 = vector.shape_cast %add3A_230 : vector<16xf32> to vector<1x1x16xf32>
        tpu.vector_store %arg9[%swap3A_231, %swap3A_232, %swap3A_233], %swap3A_236 {strides = array<i32>} : memref<2x200x128xf32, #tpu.memory_space<vmem>>, vector<1x1x16xf32>,
        %get3A_237 = arith.index_cast %rem3A_72 : i32 to index
        %get3A_238 = arith.index_cast %add3A_136 : i32 to index
        %get3A_239 = arith.constant 96 : index
        %get3A_240 = tpu.vector_load %arg9[%get3A_237, %get3A_238, %get3A_239] {strides = array<i32>} : memref<2x200x128xf32, #tpu.memory_space<vmem>>, vector<1x1x16xf32>,
        %get3A_241 = vector.shape_cast %get3A_240 : vector<1x1x16xf32> to vector<16xf32>
        %get3A_242 = arith.index_cast %rem3A_72 : i32 to index
        %get3A_243 = arith.index_cast %add3A_136 : i32 to index
        %get3A_244 = arith.constant 96 : index
        %get3A_245 = tpu.vector_load %arg10[%get3A_242, %get3A_243, %get3A_244] {strides = array<i32>} : memref<2x200x128xf32, #tpu.memory_space<vmem>>, vector<1x1x16xf32>,
        %get3A_246 = vector.shape_cast %get3A_245 : vector<1x1x16xf32> to vector<16xf32>
        %add3A_247 = arith.addf %get3A_241, %get3A_246 : vector<16xf32>
        %swap3A_248 = arith.index_cast %rem3A_72 : i32 to index
        %swap3A_249 = arith.index_cast %add3A_136 : i32 to index
        %swap3A_250 = arith.constant 96 : index
        %swap3A_251 = tpu.vector_load %arg9[%swap3A_248, %swap3A_249, %swap3A_250] {strides = array<i32>} : memref<2x200x128xf32, #tpu.memory_space<vmem>>, vector<1x1x16xf32>,
        %swap3A_252 = vector.shape_cast %swap3A_251 : vector<1x1x16xf32> to vector<16xf32>
        %swap3A_253 = vector.shape_cast %add3A_247 : vector<16xf32> to vector<1x1x16xf32>
        tpu.vector_store %arg9[%swap3A_248, %swap3A_249, %swap3A_250], %swap3A_253 {strides = array<i32>} : memref<2x200x128xf32, #tpu.memory_space<vmem>>, vector<1x1x16xf32>,
        %get3A_254 = arith.index_cast %rem3A_72 : i32 to index
        %get3A_255 = arith.index_cast %add3A_136 : i32 to index
        %get3A_256 = arith.constant 112 : index
        %get3A_257 = tpu.vector_load %arg9[%get3A_254, %get3A_255, %get3A_256] {strides = array<i32>} : memref<2x200x128xf32, #tpu.memory_space<vmem>>, vector<1x1x16xf32>,
        %get3A_258 = vector.shape_cast %get3A_257 : vector<1x1x16xf32> to vector<16xf32>
        %get3A_259 = arith.index_cast %rem3A_72 : i32 to index
        %get3A_260 = arith.index_cast %add3A_136 : i32 to index
        %get3A_261 = arith.constant 112 : index
        %get3A_262 = tpu.vector_load %arg10[%get3A_259, %get3A_260, %get3A_261] {strides = array<i32>} : memref<2x200x128xf32, #tpu.memory_space<vmem>>, vector<1x1x16xf32>,
        %get3A_263 = vector.shape_cast %get3A_262 : vector<1x1x16xf32> to vector<16xf32>
        %add3A_264 = arith.addf %get3A_258, %get3A_263 : vector<16xf32>
        %swap3A_265 = arith.index_cast %rem3A_72 : i32 to index
        %swap3A_266 = arith.index_cast %add3A_136 : i32 to index
        %swap3A_267 = arith.constant 112 : index
        %swap3A_268 = tpu.vector_load %arg9[%swap3A_265, %swap3A_266, %swap3A_267] {strides = array<i32>} : memref<2x200x128xf32, #tpu.memory_space<vmem>>, vector<1x1x16xf32>,
        %swap3A_269 = vector.shape_cast %swap3A_268 : vector<1x1x16xf32> to vector<16xf32>
        %swap3A_270 = vector.shape_cast %add3A_264 : vector<16xf32> to vector<1x1x16xf32>
        tpu.vector_store %arg9[%swap3A_265, %swap3A_266, %swap3A_267], %swap3A_270 {strides = array<i32>} : memref<2x200x128xf32, #tpu.memory_space<vmem>>, vector<1x1x16xf32>,
      }
      %scan3A_114 = arith.constant 200 : i32
      %mul3A_115 = arith.constant 200 : i32
      %mul3A_116 = arith.muli %add3A_71, %mul3A_115 : i32
      %add3A_117 = arith.addi %mul3A_2, %mul3A_116 : i32
      %dma_start3A_118 = arith.constant 0 : i32
      %dma_start3A_119 = arith.constant 0 : i32
      %dma_start3A_120 = tpu.memref_slice %arg9[%rem3A_72, %dma_start3A_118, %dma_start3A_119] : memref<2x200x128xf32, #tpu.memory_space<vmem>> -> memref<1x200x128xf32, #tpu.memory_space<vmem>>
      %dma_start3A_121 = tpu.memref_squeeze %dma_start3A_120 : memref<1x200x128xf32, #tpu.memory_space<vmem>> -> memref<200x128xf32, #tpu.memory_space<vmem>>
      %dma_start3A_122 = arith.constant 0 : i32
      %dma_start3A_123 = tpu.memref_slice %arg6[%add3A_117, %dma_start3A_122] : memref<320000x128xf32, #tpu.memory_space<hbm>> -> memref<200x128xf32, #tpu.memory_space<hbm>>
      %dma_start3A_124 = tpu.memref_slice %arg12[%rem3A_72] : memref<2x!tpu.dma_semaphore, #tpu.memory_space<semaphore_mem>> -> memref<1x!tpu.dma_semaphore, #tpu.memory_space<semaphore_mem>>
      %dma_start3A_125 = tpu.memref_squeeze %dma_start3A_124 : memref<1x!tpu.dma_semaphore, #tpu.memory_space<semaphore_mem>> -> memref<!tpu.dma_semaphore, #tpu.memory_space<semaphore_mem>>
      %dma_start3A_126 = arith.constant 0 : i32
      %dma_start3A_127 = tpu.memref_slice %arg6[%add3A_117, %dma_start3A_126] : memref<320000x128xf32, #tpu.memory_space<hbm>> -> memref<200x128xf32, #tpu.memory_space<hbm>>
      %dma_start3A_128 = arith.constant 0 : i32
      %dma_start3A_129 = arith.constant 0 : i32
      %dma_start3A_130 = tpu.memref_slice %arg9[%rem3A_72, %dma_start3A_128, %dma_start3A_129] : memref<2x200x128xf32, #tpu.memory_space<vmem>> -> memref<1x200x128xf32, #tpu.memory_space<vmem>>
      %dma_start3A_131 = tpu.memref_squeeze %dma_start3A_130 : memref<1x200x128xf32, #tpu.memory_space<vmem>> -> memref<200x128xf32, #tpu.memory_space<vmem>>
      tpu.enqueue_dma source(%dma_start3A_131 : memref<200x128xf32, #tpu.memory_space<vmem>>) target(%dma_start3A_127 : memref<200x128xf32, #tpu.memory_space<hbm>>) target_semaphore(%dma_start3A_125 : memref<!tpu.dma_semaphore, #tpu.memory_space<semaphore_mem>>)
    }
    %scan3A_31 = arith.constant 50 : i32
    %dma_wait3A = arith.constant 0 : i32
    %dma_wait3A_32 = arith.constant 0 : i32
    %dma_wait3A_33 = arith.constant 0 : i32
    %dma_wait3A_34 = arith.constant 0 : i32
    %dma_wait3A_35 = tpu.memref_slice %arg9[%dma_wait3A, %dma_wait3A_33, %dma_wait3A_34] : memref<2x200x128xf32, #tpu.memory_space<vmem>> -> memref<1x200x128xf32, #tpu.memory_space<vmem>>
    %dma_wait3A_36 = tpu.memref_squeeze %dma_wait3A_35 : memref<1x200x128xf32, #tpu.memory_space<vmem>> -> memref<200x128xf32, #tpu.memory_space<vmem>>
    %dma_wait3A_37 = arith.constant 0 : i32
    %dma_wait3A_38 = arith.constant 0 : i32
    %dma_wait3A_39 = tpu.memref_slice %arg6[%dma_wait3A_37, %dma_wait3A_38] : memref<320000x128xf32, #tpu.memory_space<hbm>> -> memref<200x128xf32, #tpu.memory_space<hbm>>
    %dma_wait3A_40 = tpu.memref_slice %arg12[%dma_wait3A_32] : memref<2x!tpu.dma_semaphore, #tpu.memory_space<semaphore_mem>> -> memref<1x!tpu.dma_semaphore, #tpu.memory_space<semaphore_mem>>
    %dma_wait3A_41 = tpu.memref_squeeze %dma_wait3A_40 : memref<1x!tpu.dma_semaphore, #tpu.memory_space<semaphore_mem>> -> memref<!tpu.dma_semaphore, #tpu.memory_space<semaphore_mem>>
    %dma_wait3A_42 = arith.constant 0 : i32
    %dma_wait3A_43 = arith.constant 0 : i32
    %dma_wait3A_44 = tpu.memref_slice %arg6[%dma_wait3A_42, %dma_wait3A_43] : memref<320000x128xf32, #tpu.memory_space<hbm>> -> memref<200x128xf32, #tpu.memory_space<hbm>>
    %dma_wait3A_45 = arith.constant 0 : i32
    %dma_wait3A_46 = arith.constant 0 : i32
    %dma_wait3A_47 = tpu.memref_slice %arg9[%dma_wait3A, %dma_wait3A_45, %dma_wait3A_46] : memref<2x200x128xf32, #tpu.memory_space<vmem>> -> memref<1x200x128xf32, #tpu.memory_space<vmem>>
    %dma_wait3A_48 = tpu.memref_squeeze %dma_wait3A_47 : memref<1x200x128xf32, #tpu.memory_space<vmem>> -> memref<200x128xf32, #tpu.memory_space<vmem>>
    tpu.wait_dma2 semaphore(%dma_wait3A_41 : memref<!tpu.dma_semaphore, #tpu.memory_space<semaphore_mem>>) src(%dma_wait3A_48 : memref<200x128xf32, #tpu.memory_space<vmem>>) dst(%dma_wait3A_44 : memref<200x128xf32, #tpu.memory_space<hbm>>)
    %dma_wait3A_49 = arith.constant 1 : i32
    %dma_wait3A_50 = arith.constant 1 : i32
    %dma_wait3A_51 = arith.constant 0 : i32
    %dma_wait3A_52 = arith.constant 0 : i32
    %dma_wait3A_53 = tpu.memref_slice %arg9[%dma_wait3A_49, %dma_wait3A_51, %dma_wait3A_52] : memref<2x200x128xf32, #tpu.memory_space<vmem>> -> memref<1x200x128xf32, #tpu.memory_space<vmem>>
    %dma_wait3A_54 = tpu.memref_squeeze %dma_wait3A_53 : memref<1x200x128xf32, #tpu.memory_space<vmem>> -> memref<200x128xf32, #tpu.memory_space<vmem>>
    %dma_wait3A_55 = arith.constant 0 : i32
    %dma_wait3A_56 = arith.constant 0 : i32
    %dma_wait3A_57 = tpu.memref_slice %arg6[%dma_wait3A_55, %dma_wait3A_56] : memref<320000x128xf32, #tpu.memory_space<hbm>> -> memref<200x128xf32, #tpu.memory_space<hbm>>
    %dma_wait3A_58 = tpu.memref_slice %arg12[%dma_wait3A_50] : memref<2x!tpu.dma_semaphore, #tpu.memory_space<semaphore_mem>> -> memref<1x!tpu.dma_semaphore, #tpu.memory_space<semaphore_mem>>
    %dma_wait3A_59 = tpu.memref_squeeze %dma_wait3A_58 : memref<1x!tpu.dma_semaphore, #tpu.memory_space<semaphore_mem>> -> memref<!tpu.dma_semaphore, #tpu.memory_space<semaphore_mem>>
    %dma_wait3A_60 = arith.constant 0 : i32
    %dma_wait3A_61 = arith.constant 0 : i32
    %dma_wait3A_62 = tpu.memref_slice %arg6[%dma_wait3A_60, %dma_wait3A_61] : memref<320000x128xf32, #tpu.memory_space<hbm>> -> memref<200x128xf32, #tpu.memory_space<hbm>>
    %dma_wait3A_63 = arith.constant 0 : i32
    %dma_wait3A_64 = arith.constant 0 : i32
    %dma_wait3A_65 = tpu.memref_slice %arg9[%dma_wait3A_49, %dma_wait3A_63, %dma_wait3A_64] : memref<2x200x128xf32, #tpu.memory_space<vmem>> -> memref<1x200x128xf32, #tpu.memory_space<vmem>>
    %dma_wait3A_66 = tpu.memref_squeeze %dma_wait3A_65 : memref<1x200x128xf32, #tpu.memory_space<vmem>> -> memref<200x128xf32, #tpu.memory_space<vmem>>
    tpu.wait_dma2 semaphore(%dma_wait3A_59 : memref<!tpu.dma_semaphore, #tpu.memory_space<semaphore_mem>>) src(%dma_wait3A_66 : memref<200x128xf32, #tpu.memory_space<vmem>>) dst(%dma_wait3A_62 : memref<200x128xf32, #tpu.memory_space<hbm>>)
    return
  }
}

#map = affine_map<(d0, d1) -> (0)>
module attributes {stable_mosaic.version = 14 : i64} {
  func.func @_scatter_call(%arg0: i32, %arg1: i32, %arg2: memref<5120000xf32, #tpu.memory_space<hbm>>, %arg3: memref<320000xi32, #tpu.memory_space<hbm>>, %arg4: memref<5242880xf32, #tpu.memory_space<hbm>>, %arg5: memref<327680xf32, #tpu.memory_space<hbm>>, %arg6: memref<2000xi32, #tpu.memory_space<vmem>>, %arg7: memref<32000xf32, #tpu.memory_space<vmem>>, %arg8: memref<81920xf32, #tpu.memory_space<vmem>>, %arg9: memref<5120xf32, #tpu.memory_space<vmem>>) attributes {dimension_semantics = [#tpu.dimension_semantics<core_parallel>, #tpu.dimension_semantics<subcore_parallel>], iteration_bounds = array<i64: 2, 16>, scalar_prefetch = 0 : i64, scratch_operands = 4 : i64, tpu.core_type = #tpu.core_type<sc_vector_subcore>, window_params = [{transform_indices = #map}, {transform_indices = #map}, {transform_indices = #map}, {transform_indices = #map}]} {
    %mul3A = arith.constant 2 : i32
    %mul3A_0 = arith.muli %arg1, %mul3A : i32
    %add3A = arith.addi %mul3A_0, %arg0 : i32
    %mul3A_1 = arith.constant 10000 : i32
    %mul3A_2 = arith.muli %add3A, %mul3A_1 : i32
    %broadcast_in_dim3A = arith.constant 0.000000e+00 : f32
    %broadcast_in_dim3A_3 = vector.broadcast %broadcast_in_dim3A : f32 to vector<16xf32>
    %broadcast_in_dim3A_4 = arith.constant 1.000000e+00 : f32
    %broadcast_in_dim3A_5 = vector.broadcast %broadcast_in_dim3A_4 : f32 to vector<16xf32>
    %iota3A = tpu.iota {dimensions = array<i32: 0>} : vector<16xi32>
    %mul3A_6 = arith.constant 16 : i32
    %mul3A_7 = vector.broadcast %mul3A_6 : i32 to vector<16xi32>
    %mul3A_8 = arith.muli %iota3A, %mul3A_7 : vector<16xi32>
    %scan3A = arith.constant 0 : i32
    %scan3A_9 = arith.constant 5120 : i32
    %scan3A_10 = arith.addi %scan3A, %scan3A_9 : i32
    %scan3A_11 = arith.constant 1 : i32
    scf.for %scan3A_58 = %scan3A to %scan3A_10 step %scan3A_11  : i32 {
      %mul3A_59 = arith.constant 1 : i32
      %mul3A_60 = arith.muli %scan3A_58, %mul3A_59 : i32
      %add3A_61 = arith.constant 0 : i32
      %add3A_62 = arith.addi %add3A_61, %mul3A_60 : i32
      %mul3A_63 = arith.constant 16 : i32
      %mul3A_64 = arith.muli %add3A_62, %mul3A_63 : i32
      %swap3A = arith.index_cast %mul3A_64 : i32 to index
      %swap3A_65 = tpu.vector_load %arg8[%swap3A] {strides = array<i32>} : memref<81920xf32, #tpu.memory_space<vmem>>, vector<16xf32>,
      tpu.vector_store %arg8[%swap3A], %broadcast_in_dim3A_3 {strides = array<i32>} : memref<81920xf32, #tpu.memory_space<vmem>>, vector<16xf32>,
    }
    %scan3A_12 = arith.constant 5120 : i32
    %scan3A_13 = arith.constant 0 : i32
    %scan3A_14 = arith.constant 320 : i32
    %scan3A_15 = arith.addi %scan3A_13, %scan3A_14 : i32
    %scan3A_16 = arith.constant 1 : i32
    scf.for %scan3A_58 = %scan3A_13 to %scan3A_15 step %scan3A_16  : i32 {
      %mul3A_59 = arith.constant 1 : i32
      %mul3A_60 = arith.muli %scan3A_58, %mul3A_59 : i32
      %add3A_61 = arith.constant 0 : i32
      %add3A_62 = arith.addi %add3A_61, %mul3A_60 : i32
      %mul3A_63 = arith.constant 16 : i32
      %mul3A_64 = arith.muli %add3A_62, %mul3A_63 : i32
      %swap3A = arith.index_cast %mul3A_64 : i32 to index
      %swap3A_65 = tpu.vector_load %arg9[%swap3A] {strides = array<i32>} : memref<5120xf32, #tpu.memory_space<vmem>>, vector<16xf32>,
      tpu.vector_store %arg9[%swap3A], %broadcast_in_dim3A_3 {strides = array<i32>} : memref<5120xf32, #tpu.memory_space<vmem>>, vector<16xf32>,
    }
    %scan3A_17 = arith.constant 320 : i32
    %scan3A_18 = arith.constant 0 : i32
    %scan3A_19 = arith.constant 5 : i32
    %scan3A_20 = arith.addi %scan3A_18, %scan3A_19 : i32
    %scan3A_21 = arith.constant 1 : i32
    scf.for %scan3A_58 = %scan3A_18 to %scan3A_20 step %scan3A_21  : i32 {
      %mul3A_59 = arith.constant 1 : i32
      %mul3A_60 = arith.muli %scan3A_58, %mul3A_59 : i32
      %add3A_61 = arith.constant 0 : i32
      %add3A_62 = arith.addi %add3A_61, %mul3A_60 : i32
      %mul3A_63 = arith.constant 2000 : i32
      %mul3A_64 = arith.muli %add3A_62, %mul3A_63 : i32
      %add3A_65 = arith.addi %mul3A_2, %mul3A_64 : i32
      "tpu.region"() ({
        %run_scoped3A = tpu.sem_alloc : memref<!tpu.dma_semaphore, #tpu.memory_space<semaphore_mem>>
        %dma_start3A = tpu.memref_slice %arg3[%add3A_65] : memref<320000xi32, #tpu.memory_space<hbm>> -> memref<2000xi32, #tpu.memory_space<hbm>>
        %dma_start3A_73 = tpu.memref_slice %arg3[%add3A_65] : memref<320000xi32, #tpu.memory_space<hbm>> -> memref<2000xi32, #tpu.memory_space<hbm>>
        tpu.enqueue_dma source(%dma_start3A_73 : memref<2000xi32, #tpu.memory_space<hbm>>) target(%arg6 : memref<2000xi32, #tpu.memory_space<vmem>>) target_semaphore(%run_scoped3A : memref<!tpu.dma_semaphore, #tpu.memory_space<semaphore_mem>>)
        %dma_wait3A = tpu.memref_slice %arg3[%add3A_65] : memref<320000xi32, #tpu.memory_space<hbm>> -> memref<2000xi32, #tpu.memory_space<hbm>>
        %dma_wait3A_74 = tpu.memref_slice %arg3[%add3A_65] : memref<320000xi32, #tpu.memory_space<hbm>> -> memref<2000xi32, #tpu.memory_space<hbm>>
        tpu.wait_dma2 semaphore(%run_scoped3A : memref<!tpu.dma_semaphore, #tpu.memory_space<semaphore_mem>>) src(%dma_wait3A_74 : memref<2000xi32, #tpu.memory_space<hbm>>) dst(%arg6 : memref<2000xi32, #tpu.memory_space<vmem>>)
        tpu.yield
      }) : () -> ()
      %mul3A_66 = arith.constant 16 : i32
      %mul3A_67 = arith.muli %add3A_65, %mul3A_66 : i32
      "tpu.region"() ({
        %run_scoped3A = tpu.sem_alloc : memref<!tpu.dma_semaphore, #tpu.memory_space<semaphore_mem>>
        %dma_start3A = tpu.memref_slice %arg2[%mul3A_67] : memref<5120000xf32, #tpu.memory_space<hbm>> -> memref<32000xf32, #tpu.memory_space<hbm>>
        %dma_start3A_73 = tpu.memref_slice %arg2[%mul3A_67] : memref<5120000xf32, #tpu.memory_space<hbm>> -> memref<32000xf32, #tpu.memory_space<hbm>>
        tpu.enqueue_dma source(%dma_start3A_73 : memref<32000xf32, #tpu.memory_space<hbm>>) target(%arg7 : memref<32000xf32, #tpu.memory_space<vmem>>) target_semaphore(%run_scoped3A : memref<!tpu.dma_semaphore, #tpu.memory_space<semaphore_mem>>)
        %dma_wait3A = tpu.memref_slice %arg2[%mul3A_67] : memref<5120000xf32, #tpu.memory_space<hbm>> -> memref<32000xf32, #tpu.memory_space<hbm>>
        %dma_wait3A_74 = tpu.memref_slice %arg2[%mul3A_67] : memref<5120000xf32, #tpu.memory_space<hbm>> -> memref<32000xf32, #tpu.memory_space<hbm>>
        tpu.wait_dma2 semaphore(%run_scoped3A : memref<!tpu.dma_semaphore, #tpu.memory_space<semaphore_mem>>) src(%dma_wait3A_74 : memref<32000xf32, #tpu.memory_space<hbm>>) dst(%arg7 : memref<32000xf32, #tpu.memory_space<vmem>>)
        tpu.yield
      }) : () -> ()
      %scan3A_68 = arith.constant 0 : i32
      %scan3A_69 = arith.constant 125 : i32
      %scan3A_70 = arith.addi %scan3A_68, %scan3A_69 : i32
      %scan3A_71 = arith.constant 1 : i32
      scf.for %scan3A_73 = %scan3A_68 to %scan3A_70 step %scan3A_71  : i32 {
        %mul3A_74 = arith.constant 1 : i32
        %mul3A_75 = arith.muli %scan3A_73, %mul3A_74 : i32
        %add3A_76 = arith.constant 0 : i32
        %add3A_77 = arith.addi %add3A_76, %mul3A_75 : i32
        %mul3A_78 = arith.constant 16 : i32
        %mul3A_79 = arith.muli %add3A_77, %mul3A_78 : i32
        %get3A = arith.index_cast %mul3A_79 : i32 to index
        %get3A_80 = tpu.vector_load %arg6[%get3A] {strides = array<i32>} : memref<2000xi32, #tpu.memory_space<vmem>>, vector<16xi32>,
        %sub3A = arith.constant 0 : i32
        %sub3A_81 = vector.broadcast %sub3A : i32 to vector<16xi32>
        %sub3A_82 = arith.subi %get3A_80, %sub3A_81 : vector<16xi32>
        %ge3A = arith.constant 0 : i32
        %ge3A_83 = vector.broadcast %ge3A : i32 to vector<16xi32>
        %ge3A_84 = arith.cmpi sge, %sub3A_82, %ge3A_83 : vector<16xi32>
        %lt3A = arith.constant 5120 : i32
        %lt3A_85 = vector.broadcast %lt3A : i32 to vector<16xi32>
        %lt3A_86 = arith.cmpi slt, %sub3A_82, %lt3A_85 : vector<16xi32>
        %and3A = arith.andi %ge3A_84, %lt3A_86 : vector<16xi1>
        %jit3A = arith.constant 0 : i32
        %broadcast_in_dim3A_87 = vector.broadcast %jit3A : i32 to vector<16xi32>
        %select_n3A = arith.select %and3A, %sub3A_82, %broadcast_in_dim3A_87 : vector<16xi1>, vector<16xi32>
        tpu.vector_store_idx %arg9[%select_n3A], %broadcast_in_dim3A_5 masked %and3A {add = true} : memref<5120xf32, #tpu.memory_space<vmem>>[vector<16xi32>], vector<16xf32>, vector<16xi1>
        %mul3A_88 = arith.constant 16 : i32
        %mul3A_89 = vector.broadcast %mul3A_88 : i32 to vector<16xi32>
        %mul3A_90 = arith.muli %select_n3A, %mul3A_89 : vector<16xi32>
        %mul3A_91 = arith.constant 256 : i32
        %mul3A_92 = arith.muli %add3A_77, %mul3A_91 : i32
        %add3A_93 = vector.broadcast %mul3A_92 : i32 to vector<16xi32>
        %add3A_94 = arith.addi %add3A_93, %mul3A_8 : vector<16xi32>
        %add3A_95 = arith.constant 0 : i32
        %add3A_96 = vector.broadcast %add3A_95 : i32 to vector<16xi32>
        %add3A_97 = arith.addi %add3A_94, %add3A_96 : vector<16xi32>
        %gather3A = tpu.vector_load_idx %arg7[%add3A_97] : memref<32000xf32, #tpu.memory_space<vmem>>[vector<16xi32>], vector<16xf32>,
        %add3A_98 = arith.constant 0 : i32
        %add3A_99 = vector.broadcast %add3A_98 : i32 to vector<16xi32>
        %add3A_100 = arith.addi %mul3A_90, %add3A_99 : vector<16xi32>
        tpu.vector_store_idx %arg8[%add3A_100], %gather3A masked %and3A {add = true} : memref<81920xf32, #tpu.memory_space<vmem>>[vector<16xi32>], vector<16xf32>, vector<16xi1>
        %add3A_101 = vector.broadcast %mul3A_92 : i32 to vector<16xi32>
        %add3A_102 = arith.addi %add3A_101, %mul3A_8 : vector<16xi32>
        %add3A_103 = arith.constant 1 : i32
        %add3A_104 = vector.broadcast %add3A_103 : i32 to vector<16xi32>
        %add3A_105 = arith.addi %add3A_102, %add3A_104 : vector<16xi32>
        %gather3A_106 = tpu.vector_load_idx %arg7[%add3A_105] : memref<32000xf32, #tpu.memory_space<vmem>>[vector<16xi32>], vector<16xf32>,
        %add3A_107 = arith.constant 1 : i32
        %add3A_108 = vector.broadcast %add3A_107 : i32 to vector<16xi32>
        %add3A_109 = arith.addi %mul3A_90, %add3A_108 : vector<16xi32>
        tpu.vector_store_idx %arg8[%add3A_109], %gather3A_106 masked %and3A {add = true} : memref<81920xf32, #tpu.memory_space<vmem>>[vector<16xi32>], vector<16xf32>, vector<16xi1>
        %add3A_110 = vector.broadcast %mul3A_92 : i32 to vector<16xi32>
        %add3A_111 = arith.addi %add3A_110, %mul3A_8 : vector<16xi32>
        %add3A_112 = arith.constant 2 : i32
        %add3A_113 = vector.broadcast %add3A_112 : i32 to vector<16xi32>
        %add3A_114 = arith.addi %add3A_111, %add3A_113 : vector<16xi32>
        %gather3A_115 = tpu.vector_load_idx %arg7[%add3A_114] : memref<32000xf32, #tpu.memory_space<vmem>>[vector<16xi32>], vector<16xf32>,
        %add3A_116 = arith.constant 2 : i32
        %add3A_117 = vector.broadcast %add3A_116 : i32 to vector<16xi32>
        %add3A_118 = arith.addi %mul3A_90, %add3A_117 : vector<16xi32>
        tpu.vector_store_idx %arg8[%add3A_118], %gather3A_115 masked %and3A {add = true} : memref<81920xf32, #tpu.memory_space<vmem>>[vector<16xi32>], vector<16xf32>, vector<16xi1>
        %add3A_119 = vector.broadcast %mul3A_92 : i32 to vector<16xi32>
        %add3A_120 = arith.addi %add3A_119, %mul3A_8 : vector<16xi32>
        %add3A_121 = arith.constant 3 : i32
        %add3A_122 = vector.broadcast %add3A_121 : i32 to vector<16xi32>
        %add3A_123 = arith.addi %add3A_120, %add3A_122 : vector<16xi32>
        %gather3A_124 = tpu.vector_load_idx %arg7[%add3A_123] : memref<32000xf32, #tpu.memory_space<vmem>>[vector<16xi32>], vector<16xf32>,
        %add3A_125 = arith.constant 3 : i32
        %add3A_126 = vector.broadcast %add3A_125 : i32 to vector<16xi32>
        %add3A_127 = arith.addi %mul3A_90, %add3A_126 : vector<16xi32>
        tpu.vector_store_idx %arg8[%add3A_127], %gather3A_124 masked %and3A {add = true} : memref<81920xf32, #tpu.memory_space<vmem>>[vector<16xi32>], vector<16xf32>, vector<16xi1>
        %add3A_128 = vector.broadcast %mul3A_92 : i32 to vector<16xi32>
        %add3A_129 = arith.addi %add3A_128, %mul3A_8 : vector<16xi32>
        %add3A_130 = arith.constant 4 : i32
        %add3A_131 = vector.broadcast %add3A_130 : i32 to vector<16xi32>
        %add3A_132 = arith.addi %add3A_129, %add3A_131 : vector<16xi32>
        %gather3A_133 = tpu.vector_load_idx %arg7[%add3A_132] : memref<32000xf32, #tpu.memory_space<vmem>>[vector<16xi32>], vector<16xf32>,
        %add3A_134 = arith.constant 4 : i32
        %add3A_135 = vector.broadcast %add3A_134 : i32 to vector<16xi32>
        %add3A_136 = arith.addi %mul3A_90, %add3A_135 : vector<16xi32>
        tpu.vector_store_idx %arg8[%add3A_136], %gather3A_133 masked %and3A {add = true} : memref<81920xf32, #tpu.memory_space<vmem>>[vector<16xi32>], vector<16xf32>, vector<16xi1>
        %add3A_137 = vector.broadcast %mul3A_92 : i32 to vector<16xi32>
        %add3A_138 = arith.addi %add3A_137, %mul3A_8 : vector<16xi32>
        %add3A_139 = arith.constant 5 : i32
        %add3A_140 = vector.broadcast %add3A_139 : i32 to vector<16xi32>
        %add3A_141 = arith.addi %add3A_138, %add3A_140 : vector<16xi32>
        %gather3A_142 = tpu.vector_load_idx %arg7[%add3A_141] : memref<32000xf32, #tpu.memory_space<vmem>>[vector<16xi32>], vector<16xf32>,
        %add3A_143 = arith.constant 5 : i32
        %add3A_144 = vector.broadcast %add3A_143 : i32 to vector<16xi32>
        %add3A_145 = arith.addi %mul3A_90, %add3A_144 : vector<16xi32>
        tpu.vector_store_idx %arg8[%add3A_145], %gather3A_142 masked %and3A {add = true} : memref<81920xf32, #tpu.memory_space<vmem>>[vector<16xi32>], vector<16xf32>, vector<16xi1>
        %add3A_146 = vector.broadcast %mul3A_92 : i32 to vector<16xi32>
        %add3A_147 = arith.addi %add3A_146, %mul3A_8 : vector<16xi32>
        %add3A_148 = arith.constant 6 : i32
        %add3A_149 = vector.broadcast %add3A_148 : i32 to vector<16xi32>
        %add3A_150 = arith.addi %add3A_147, %add3A_149 : vector<16xi32>
        %gather3A_151 = tpu.vector_load_idx %arg7[%add3A_150] : memref<32000xf32, #tpu.memory_space<vmem>>[vector<16xi32>], vector<16xf32>,
        %add3A_152 = arith.constant 6 : i32
        %add3A_153 = vector.broadcast %add3A_152 : i32 to vector<16xi32>
        %add3A_154 = arith.addi %mul3A_90, %add3A_153 : vector<16xi32>
        tpu.vector_store_idx %arg8[%add3A_154], %gather3A_151 masked %and3A {add = true} : memref<81920xf32, #tpu.memory_space<vmem>>[vector<16xi32>], vector<16xf32>, vector<16xi1>
        %add3A_155 = vector.broadcast %mul3A_92 : i32 to vector<16xi32>
        %add3A_156 = arith.addi %add3A_155, %mul3A_8 : vector<16xi32>
        %add3A_157 = arith.constant 7 : i32
        %add3A_158 = vector.broadcast %add3A_157 : i32 to vector<16xi32>
        %add3A_159 = arith.addi %add3A_156, %add3A_158 : vector<16xi32>
        %gather3A_160 = tpu.vector_load_idx %arg7[%add3A_159] : memref<32000xf32, #tpu.memory_space<vmem>>[vector<16xi32>], vector<16xf32>,
        %add3A_161 = arith.constant 7 : i32
        %add3A_162 = vector.broadcast %add3A_161 : i32 to vector<16xi32>
        %add3A_163 = arith.addi %mul3A_90, %add3A_162 : vector<16xi32>
        tpu.vector_store_idx %arg8[%add3A_163], %gather3A_160 masked %and3A {add = true} : memref<81920xf32, #tpu.memory_space<vmem>>[vector<16xi32>], vector<16xf32>, vector<16xi1>
        %add3A_164 = vector.broadcast %mul3A_92 : i32 to vector<16xi32>
        %add3A_165 = arith.addi %add3A_164, %mul3A_8 : vector<16xi32>
        %add3A_166 = arith.constant 8 : i32
        %add3A_167 = vector.broadcast %add3A_166 : i32 to vector<16xi32>
        %add3A_168 = arith.addi %add3A_165, %add3A_167 : vector<16xi32>
        %gather3A_169 = tpu.vector_load_idx %arg7[%add3A_168] : memref<32000xf32, #tpu.memory_space<vmem>>[vector<16xi32>], vector<16xf32>,
        %add3A_170 = arith.constant 8 : i32
        %add3A_171 = vector.broadcast %add3A_170 : i32 to vector<16xi32>
        %add3A_172 = arith.addi %mul3A_90, %add3A_171 : vector<16xi32>
        tpu.vector_store_idx %arg8[%add3A_172], %gather3A_169 masked %and3A {add = true} : memref<81920xf32, #tpu.memory_space<vmem>>[vector<16xi32>], vector<16xf32>, vector<16xi1>
        %add3A_173 = vector.broadcast %mul3A_92 : i32 to vector<16xi32>
        %add3A_174 = arith.addi %add3A_173, %mul3A_8 : vector<16xi32>
        %add3A_175 = arith.constant 9 : i32
        %add3A_176 = vector.broadcast %add3A_175 : i32 to vector<16xi32>
        %add3A_177 = arith.addi %add3A_174, %add3A_176 : vector<16xi32>
        %gather3A_178 = tpu.vector_load_idx %arg7[%add3A_177] : memref<32000xf32, #tpu.memory_space<vmem>>[vector<16xi32>], vector<16xf32>,
        %add3A_179 = arith.constant 9 : i32
        %add3A_180 = vector.broadcast %add3A_179 : i32 to vector<16xi32>
        %add3A_181 = arith.addi %mul3A_90, %add3A_180 : vector<16xi32>
        tpu.vector_store_idx %arg8[%add3A_181], %gather3A_178 masked %and3A {add = true} : memref<81920xf32, #tpu.memory_space<vmem>>[vector<16xi32>], vector<16xf32>, vector<16xi1>
        %add3A_182 = vector.broadcast %mul3A_92 : i32 to vector<16xi32>
        %add3A_183 = arith.addi %add3A_182, %mul3A_8 : vector<16xi32>
        %add3A_184 = arith.constant 10 : i32
        %add3A_185 = vector.broadcast %add3A_184 : i32 to vector<16xi32>
        %add3A_186 = arith.addi %add3A_183, %add3A_185 : vector<16xi32>
        %gather3A_187 = tpu.vector_load_idx %arg7[%add3A_186] : memref<32000xf32, #tpu.memory_space<vmem>>[vector<16xi32>], vector<16xf32>,
        %add3A_188 = arith.constant 10 : i32
        %add3A_189 = vector.broadcast %add3A_188 : i32 to vector<16xi32>
        %add3A_190 = arith.addi %mul3A_90, %add3A_189 : vector<16xi32>
        tpu.vector_store_idx %arg8[%add3A_190], %gather3A_187 masked %and3A {add = true} : memref<81920xf32, #tpu.memory_space<vmem>>[vector<16xi32>], vector<16xf32>, vector<16xi1>
        %add3A_191 = vector.broadcast %mul3A_92 : i32 to vector<16xi32>
        %add3A_192 = arith.addi %add3A_191, %mul3A_8 : vector<16xi32>
        %add3A_193 = arith.constant 11 : i32
        %add3A_194 = vector.broadcast %add3A_193 : i32 to vector<16xi32>
        %add3A_195 = arith.addi %add3A_192, %add3A_194 : vector<16xi32>
        %gather3A_196 = tpu.vector_load_idx %arg7[%add3A_195] : memref<32000xf32, #tpu.memory_space<vmem>>[vector<16xi32>], vector<16xf32>,
        %add3A_197 = arith.constant 11 : i32
        %add3A_198 = vector.broadcast %add3A_197 : i32 to vector<16xi32>
        %add3A_199 = arith.addi %mul3A_90, %add3A_198 : vector<16xi32>
        tpu.vector_store_idx %arg8[%add3A_199], %gather3A_196 masked %and3A {add = true} : memref<81920xf32, #tpu.memory_space<vmem>>[vector<16xi32>], vector<16xf32>, vector<16xi1>
        %add3A_200 = vector.broadcast %mul3A_92 : i32 to vector<16xi32>
        %add3A_201 = arith.addi %add3A_200, %mul3A_8 : vector<16xi32>
        %add3A_202 = arith.constant 12 : i32
        %add3A_203 = vector.broadcast %add3A_202 : i32 to vector<16xi32>
        %add3A_204 = arith.addi %add3A_201, %add3A_203 : vector<16xi32>
        %gather3A_205 = tpu.vector_load_idx %arg7[%add3A_204] : memref<32000xf32, #tpu.memory_space<vmem>>[vector<16xi32>], vector<16xf32>,
        %add3A_206 = arith.constant 12 : i32
        %add3A_207 = vector.broadcast %add3A_206 : i32 to vector<16xi32>
        %add3A_208 = arith.addi %mul3A_90, %add3A_207 : vector<16xi32>
        tpu.vector_store_idx %arg8[%add3A_208], %gather3A_205 masked %and3A {add = true} : memref<81920xf32, #tpu.memory_space<vmem>>[vector<16xi32>], vector<16xf32>, vector<16xi1>
        %add3A_209 = vector.broadcast %mul3A_92 : i32 to vector<16xi32>
        %add3A_210 = arith.addi %add3A_209, %mul3A_8 : vector<16xi32>
        %add3A_211 = arith.constant 13 : i32
        %add3A_212 = vector.broadcast %add3A_211 : i32 to vector<16xi32>
        %add3A_213 = arith.addi %add3A_210, %add3A_212 : vector<16xi32>
        %gather3A_214 = tpu.vector_load_idx %arg7[%add3A_213] : memref<32000xf32, #tpu.memory_space<vmem>>[vector<16xi32>], vector<16xf32>,
        %add3A_215 = arith.constant 13 : i32
        %add3A_216 = vector.broadcast %add3A_215 : i32 to vector<16xi32>
        %add3A_217 = arith.addi %mul3A_90, %add3A_216 : vector<16xi32>
        tpu.vector_store_idx %arg8[%add3A_217], %gather3A_214 masked %and3A {add = true} : memref<81920xf32, #tpu.memory_space<vmem>>[vector<16xi32>], vector<16xf32>, vector<16xi1>
        %add3A_218 = vector.broadcast %mul3A_92 : i32 to vector<16xi32>
        %add3A_219 = arith.addi %add3A_218, %mul3A_8 : vector<16xi32>
        %add3A_220 = arith.constant 14 : i32
        %add3A_221 = vector.broadcast %add3A_220 : i32 to vector<16xi32>
        %add3A_222 = arith.addi %add3A_219, %add3A_221 : vector<16xi32>
        %gather3A_223 = tpu.vector_load_idx %arg7[%add3A_222] : memref<32000xf32, #tpu.memory_space<vmem>>[vector<16xi32>], vector<16xf32>,
        %add3A_224 = arith.constant 14 : i32
        %add3A_225 = vector.broadcast %add3A_224 : i32 to vector<16xi32>
        %add3A_226 = arith.addi %mul3A_90, %add3A_225 : vector<16xi32>
        tpu.vector_store_idx %arg8[%add3A_226], %gather3A_223 masked %and3A {add = true} : memref<81920xf32, #tpu.memory_space<vmem>>[vector<16xi32>], vector<16xf32>, vector<16xi1>
        %add3A_227 = vector.broadcast %mul3A_92 : i32 to vector<16xi32>
        %add3A_228 = arith.addi %add3A_227, %mul3A_8 : vector<16xi32>
        %add3A_229 = arith.constant 15 : i32
        %add3A_230 = vector.broadcast %add3A_229 : i32 to vector<16xi32>
        %add3A_231 = arith.addi %add3A_228, %add3A_230 : vector<16xi32>
        %gather3A_232 = tpu.vector_load_idx %arg7[%add3A_231] : memref<32000xf32, #tpu.memory_space<vmem>>[vector<16xi32>], vector<16xf32>,
        %add3A_233 = arith.constant 15 : i32
        %add3A_234 = vector.broadcast %add3A_233 : i32 to vector<16xi32>
        %add3A_235 = arith.addi %mul3A_90, %add3A_234 : vector<16xi32>
        tpu.vector_store_idx %arg8[%add3A_235], %gather3A_232 masked %and3A {add = true} : memref<81920xf32, #tpu.memory_space<vmem>>[vector<16xi32>], vector<16xf32>, vector<16xi1>
      }
      %scan3A_72 = arith.constant 125 : i32
    }
    %scan3A_22 = arith.constant 5 : i32
    %mul3A_23 = arith.constant 10240 : i32
    %mul3A_24 = arith.muli %add3A, %mul3A_23 : i32
    %add3A_25 = arith.constant 0 : i32
    %add3A_26 = arith.addi %mul3A_24, %add3A_25 : i32
    %mul3A_27 = arith.constant 16 : i32
    %mul3A_28 = arith.muli %add3A_26, %mul3A_27 : i32
    "tpu.region"() ({
      %run_scoped3A = tpu.sem_alloc : memref<!tpu.dma_semaphore, #tpu.memory_space<semaphore_mem>>
      %dma_start3A = tpu.memref_slice %arg4[%mul3A_28] : memref<5242880xf32, #tpu.memory_space<hbm>> -> memref<81920xf32, #tpu.memory_space<hbm>>
      %dma_start3A_58 = tpu.memref_slice %arg4[%mul3A_28] : memref<5242880xf32, #tpu.memory_space<hbm>> -> memref<81920xf32, #tpu.memory_space<hbm>>
      tpu.enqueue_dma source(%arg8 : memref<81920xf32, #tpu.memory_space<vmem>>) target(%dma_start3A_58 : memref<81920xf32, #tpu.memory_space<hbm>>) target_semaphore(%run_scoped3A : memref<!tpu.dma_semaphore, #tpu.memory_space<semaphore_mem>>)
      %dma_wait3A = tpu.memref_slice %arg4[%mul3A_28] : memref<5242880xf32, #tpu.memory_space<hbm>> -> memref<81920xf32, #tpu.memory_space<hbm>>
      %dma_wait3A_59 = tpu.memref_slice %arg4[%mul3A_28] : memref<5242880xf32, #tpu.memory_space<hbm>> -> memref<81920xf32, #tpu.memory_space<hbm>>
      tpu.wait_dma2 semaphore(%run_scoped3A : memref<!tpu.dma_semaphore, #tpu.memory_space<semaphore_mem>>) src(%arg8 : memref<81920xf32, #tpu.memory_space<vmem>>) dst(%dma_wait3A_59 : memref<81920xf32, #tpu.memory_space<hbm>>)
      tpu.yield
    }) : () -> ()
    %mul3A_29 = arith.constant 10240 : i32
    %mul3A_30 = arith.muli %add3A, %mul3A_29 : i32
    %add3A_31 = arith.constant 0 : i32
    %add3A_32 = arith.addi %mul3A_30, %add3A_31 : i32
    "tpu.region"() ({
      %run_scoped3A = tpu.sem_alloc : memref<!tpu.dma_semaphore, #tpu.memory_space<semaphore_mem>>
      %dma_start3A = tpu.memref_slice %arg5[%add3A_32] : memref<327680xf32, #tpu.memory_space<hbm>> -> memref<5120xf32, #tpu.memory_space<hbm>>
      %dma_start3A_58 = tpu.memref_slice %arg5[%add3A_32] : memref<327680xf32, #tpu.memory_space<hbm>> -> memref<5120xf32, #tpu.memory_space<hbm>>
      tpu.enqueue_dma source(%arg9 : memref<5120xf32, #tpu.memory_space<vmem>>) target(%dma_start3A_58 : memref<5120xf32, #tpu.memory_space<hbm>>) target_semaphore(%run_scoped3A : memref<!tpu.dma_semaphore, #tpu.memory_space<semaphore_mem>>)
      %dma_wait3A = tpu.memref_slice %arg5[%add3A_32] : memref<327680xf32, #tpu.memory_space<hbm>> -> memref<5120xf32, #tpu.memory_space<hbm>>
      %dma_wait3A_59 = tpu.memref_slice %arg5[%add3A_32] : memref<327680xf32, #tpu.memory_space<hbm>> -> memref<5120xf32, #tpu.memory_space<hbm>>
      tpu.wait_dma2 semaphore(%run_scoped3A : memref<!tpu.dma_semaphore, #tpu.memory_space<semaphore_mem>>) src(%arg9 : memref<5120xf32, #tpu.memory_space<vmem>>) dst(%dma_wait3A_59 : memref<5120xf32, #tpu.memory_space<hbm>>)
      tpu.yield
    }) : () -> ()
    %scan3A_33 = arith.constant 0 : i32
    %scan3A_34 = arith.constant 5120 : i32
    %scan3A_35 = arith.addi %scan3A_33, %scan3A_34 : i32
    %scan3A_36 = arith.constant 1 : i32
    scf.for %scan3A_58 = %scan3A_33 to %scan3A_35 step %scan3A_36  : i32 {
      %mul3A_59 = arith.constant 1 : i32
      %mul3A_60 = arith.muli %scan3A_58, %mul3A_59 : i32
      %add3A_61 = arith.constant 0 : i32
      %add3A_62 = arith.addi %add3A_61, %mul3A_60 : i32
      %mul3A_63 = arith.constant 16 : i32
      %mul3A_64 = arith.muli %add3A_62, %mul3A_63 : i32
      %swap3A = arith.index_cast %mul3A_64 : i32 to index
      %swap3A_65 = tpu.vector_load %arg8[%swap3A] {strides = array<i32>} : memref<81920xf32, #tpu.memory_space<vmem>>, vector<16xf32>,
      tpu.vector_store %arg8[%swap3A], %broadcast_in_dim3A_3 {strides = array<i32>} : memref<81920xf32, #tpu.memory_space<vmem>>, vector<16xf32>,
    }
    %scan3A_37 = arith.constant 5120 : i32
    %scan3A_38 = arith.constant 0 : i32
    %scan3A_39 = arith.constant 320 : i32
    %scan3A_40 = arith.addi %scan3A_38, %scan3A_39 : i32
    %scan3A_41 = arith.constant 1 : i32
    scf.for %scan3A_58 = %scan3A_38 to %scan3A_40 step %scan3A_41  : i32 {
      %mul3A_59 = arith.constant 1 : i32
      %mul3A_60 = arith.muli %scan3A_58, %mul3A_59 : i32
      %add3A_61 = arith.constant 0 : i32
      %add3A_62 = arith.addi %add3A_61, %mul3A_60 : i32
      %mul3A_63 = arith.constant 16 : i32
      %mul3A_64 = arith.muli %add3A_62, %mul3A_63 : i32
      %swap3A = arith.index_cast %mul3A_64 : i32 to index
      %swap3A_65 = tpu.vector_load %arg9[%swap3A] {strides = array<i32>} : memref<5120xf32, #tpu.memory_space<vmem>>, vector<16xf32>,
      tpu.vector_store %arg9[%swap3A], %broadcast_in_dim3A_3 {strides = array<i32>} : memref<5120xf32, #tpu.memory_space<vmem>>, vector<16xf32>,
    }
    %scan3A_42 = arith.constant 320 : i32
    %scan3A_43 = arith.constant 0 : i32
    %scan3A_44 = arith.constant 5 : i32
    %scan3A_45 = arith.addi %scan3A_43, %scan3A_44 : i32
    %scan3A_46 = arith.constant 1 : i32
    scf.for %scan3A_58 = %scan3A_43 to %scan3A_45 step %scan3A_46  : i32 {
      %mul3A_59 = arith.constant 1 : i32
      %mul3A_60 = arith.muli %scan3A_58, %mul3A_59 : i32
      %add3A_61 = arith.constant 0 : i32
      %add3A_62 = arith.addi %add3A_61, %mul3A_60 : i32
      %mul3A_63 = arith.constant 2000 : i32
      %mul3A_64 = arith.muli %add3A_62, %mul3A_63 : i32
      %add3A_65 = arith.addi %mul3A_2, %mul3A_64 : i32
      "tpu.region"() ({
        %run_scoped3A = tpu.sem_alloc : memref<!tpu.dma_semaphore, #tpu.memory_space<semaphore_mem>>
        %dma_start3A = tpu.memref_slice %arg3[%add3A_65] : memref<320000xi32, #tpu.memory_space<hbm>> -> memref<2000xi32, #tpu.memory_space<hbm>>
        %dma_start3A_73 = tpu.memref_slice %arg3[%add3A_65] : memref<320000xi32, #tpu.memory_space<hbm>> -> memref<2000xi32, #tpu.memory_space<hbm>>
        tpu.enqueue_dma source(%dma_start3A_73 : memref<2000xi32, #tpu.memory_space<hbm>>) target(%arg6 : memref<2000xi32, #tpu.memory_space<vmem>>) target_semaphore(%run_scoped3A : memref<!tpu.dma_semaphore, #tpu.memory_space<semaphore_mem>>)
        %dma_wait3A = tpu.memref_slice %arg3[%add3A_65] : memref<320000xi32, #tpu.memory_space<hbm>> -> memref<2000xi32, #tpu.memory_space<hbm>>
        %dma_wait3A_74 = tpu.memref_slice %arg3[%add3A_65] : memref<320000xi32, #tpu.memory_space<hbm>> -> memref<2000xi32, #tpu.memory_space<hbm>>
        tpu.wait_dma2 semaphore(%run_scoped3A : memref<!tpu.dma_semaphore, #tpu.memory_space<semaphore_mem>>) src(%dma_wait3A_74 : memref<2000xi32, #tpu.memory_space<hbm>>) dst(%arg6 : memref<2000xi32, #tpu.memory_space<vmem>>)
        tpu.yield
      }) : () -> ()
      %mul3A_66 = arith.constant 16 : i32
      %mul3A_67 = arith.muli %add3A_65, %mul3A_66 : i32
      "tpu.region"() ({
        %run_scoped3A = tpu.sem_alloc : memref<!tpu.dma_semaphore, #tpu.memory_space<semaphore_mem>>
        %dma_start3A = tpu.memref_slice %arg2[%mul3A_67] : memref<5120000xf32, #tpu.memory_space<hbm>> -> memref<32000xf32, #tpu.memory_space<hbm>>
        %dma_start3A_73 = tpu.memref_slice %arg2[%mul3A_67] : memref<5120000xf32, #tpu.memory_space<hbm>> -> memref<32000xf32, #tpu.memory_space<hbm>>
        tpu.enqueue_dma source(%dma_start3A_73 : memref<32000xf32, #tpu.memory_space<hbm>>) target(%arg7 : memref<32000xf32, #tpu.memory_space<vmem>>) target_semaphore(%run_scoped3A : memref<!tpu.dma_semaphore, #tpu.memory_space<semaphore_mem>>)
        %dma_wait3A = tpu.memref_slice %arg2[%mul3A_67] : memref<5120000xf32, #tpu.memory_space<hbm>> -> memref<32000xf32, #tpu.memory_space<hbm>>
        %dma_wait3A_74 = tpu.memref_slice %arg2[%mul3A_67] : memref<5120000xf32, #tpu.memory_space<hbm>> -> memref<32000xf32, #tpu.memory_space<hbm>>
        tpu.wait_dma2 semaphore(%run_scoped3A : memref<!tpu.dma_semaphore, #tpu.memory_space<semaphore_mem>>) src(%dma_wait3A_74 : memref<32000xf32, #tpu.memory_space<hbm>>) dst(%arg7 : memref<32000xf32, #tpu.memory_space<vmem>>)
        tpu.yield
      }) : () -> ()
      %scan3A_68 = arith.constant 0 : i32
      %scan3A_69 = arith.constant 125 : i32
      %scan3A_70 = arith.addi %scan3A_68, %scan3A_69 : i32
      %scan3A_71 = arith.constant 1 : i32
      scf.for %scan3A_73 = %scan3A_68 to %scan3A_70 step %scan3A_71  : i32 {
        %mul3A_74 = arith.constant 1 : i32
        %mul3A_75 = arith.muli %scan3A_73, %mul3A_74 : i32
        %add3A_76 = arith.constant 0 : i32
        %add3A_77 = arith.addi %add3A_76, %mul3A_75 : i32
        %mul3A_78 = arith.constant 16 : i32
        %mul3A_79 = arith.muli %add3A_77, %mul3A_78 : i32
        %get3A = arith.index_cast %mul3A_79 : i32 to index
        %get3A_80 = tpu.vector_load %arg6[%get3A] {strides = array<i32>} : memref<2000xi32, #tpu.memory_space<vmem>>, vector<16xi32>,
        %sub3A = arith.constant 5120 : i32
        %sub3A_81 = vector.broadcast %sub3A : i32 to vector<16xi32>
        %sub3A_82 = arith.subi %get3A_80, %sub3A_81 : vector<16xi32>
        %ge3A = arith.constant 0 : i32
        %ge3A_83 = vector.broadcast %ge3A : i32 to vector<16xi32>
        %ge3A_84 = arith.cmpi sge, %sub3A_82, %ge3A_83 : vector<16xi32>
        %lt3A = arith.constant 5120 : i32
        %lt3A_85 = vector.broadcast %lt3A : i32 to vector<16xi32>
        %lt3A_86 = arith.cmpi slt, %sub3A_82, %lt3A_85 : vector<16xi32>
        %and3A = arith.andi %ge3A_84, %lt3A_86 : vector<16xi1>
        %jit3A = arith.constant 0 : i32
        %broadcast_in_dim3A_87 = vector.broadcast %jit3A : i32 to vector<16xi32>
        %select_n3A = arith.select %and3A, %sub3A_82, %broadcast_in_dim3A_87 : vector<16xi1>, vector<16xi32>
        tpu.vector_store_idx %arg9[%select_n3A], %broadcast_in_dim3A_5 masked %and3A {add = true} : memref<5120xf32, #tpu.memory_space<vmem>>[vector<16xi32>], vector<16xf32>, vector<16xi1>
        %mul3A_88 = arith.constant 16 : i32
        %mul3A_89 = vector.broadcast %mul3A_88 : i32 to vector<16xi32>
        %mul3A_90 = arith.muli %select_n3A, %mul3A_89 : vector<16xi32>
        %mul3A_91 = arith.constant 256 : i32
        %mul3A_92 = arith.muli %add3A_77, %mul3A_91 : i32
        %add3A_93 = vector.broadcast %mul3A_92 : i32 to vector<16xi32>
        %add3A_94 = arith.addi %add3A_93, %mul3A_8 : vector<16xi32>
        %add3A_95 = arith.constant 0 : i32
        %add3A_96 = vector.broadcast %add3A_95 : i32 to vector<16xi32>
        %add3A_97 = arith.addi %add3A_94, %add3A_96 : vector<16xi32>
        %gather3A = tpu.vector_load_idx %arg7[%add3A_97] : memref<32000xf32, #tpu.memory_space<vmem>>[vector<16xi32>], vector<16xf32>,
        %add3A_98 = arith.constant 0 : i32
        %add3A_99 = vector.broadcast %add3A_98 : i32 to vector<16xi32>
        %add3A_100 = arith.addi %mul3A_90, %add3A_99 : vector<16xi32>
        tpu.vector_store_idx %arg8[%add3A_100], %gather3A masked %and3A {add = true} : memref<81920xf32, #tpu.memory_space<vmem>>[vector<16xi32>], vector<16xf32>, vector<16xi1>
        %add3A_101 = vector.broadcast %mul3A_92 : i32 to vector<16xi32>
        %add3A_102 = arith.addi %add3A_101, %mul3A_8 : vector<16xi32>
        %add3A_103 = arith.constant 1 : i32
        %add3A_104 = vector.broadcast %add3A_103 : i32 to vector<16xi32>
        %add3A_105 = arith.addi %add3A_102, %add3A_104 : vector<16xi32>
        %gather3A_106 = tpu.vector_load_idx %arg7[%add3A_105] : memref<32000xf32, #tpu.memory_space<vmem>>[vector<16xi32>], vector<16xf32>,
        %add3A_107 = arith.constant 1 : i32
        %add3A_108 = vector.broadcast %add3A_107 : i32 to vector<16xi32>
        %add3A_109 = arith.addi %mul3A_90, %add3A_108 : vector<16xi32>
        tpu.vector_store_idx %arg8[%add3A_109], %gather3A_106 masked %and3A {add = true} : memref<81920xf32, #tpu.memory_space<vmem>>[vector<16xi32>], vector<16xf32>, vector<16xi1>
        %add3A_110 = vector.broadcast %mul3A_92 : i32 to vector<16xi32>
        %add3A_111 = arith.addi %add3A_110, %mul3A_8 : vector<16xi32>
        %add3A_112 = arith.constant 2 : i32
        %add3A_113 = vector.broadcast %add3A_112 : i32 to vector<16xi32>
        %add3A_114 = arith.addi %add3A_111, %add3A_113 : vector<16xi32>
        %gather3A_115 = tpu.vector_load_idx %arg7[%add3A_114] : memref<32000xf32, #tpu.memory_space<vmem>>[vector<16xi32>], vector<16xf32>,
        %add3A_116 = arith.constant 2 : i32
        %add3A_117 = vector.broadcast %add3A_116 : i32 to vector<16xi32>
        %add3A_118 = arith.addi %mul3A_90, %add3A_117 : vector<16xi32>
        tpu.vector_store_idx %arg8[%add3A_118], %gather3A_115 masked %and3A {add = true} : memref<81920xf32, #tpu.memory_space<vmem>>[vector<16xi32>], vector<16xf32>, vector<16xi1>
        %add3A_119 = vector.broadcast %mul3A_92 : i32 to vector<16xi32>
        %add3A_120 = arith.addi %add3A_119, %mul3A_8 : vector<16xi32>
        %add3A_121 = arith.constant 3 : i32
        %add3A_122 = vector.broadcast %add3A_121 : i32 to vector<16xi32>
        %add3A_123 = arith.addi %add3A_120, %add3A_122 : vector<16xi32>
        %gather3A_124 = tpu.vector_load_idx %arg7[%add3A_123] : memref<32000xf32, #tpu.memory_space<vmem>>[vector<16xi32>], vector<16xf32>,
        %add3A_125 = arith.constant 3 : i32
        %add3A_126 = vector.broadcast %add3A_125 : i32 to vector<16xi32>
        %add3A_127 = arith.addi %mul3A_90, %add3A_126 : vector<16xi32>
        tpu.vector_store_idx %arg8[%add3A_127], %gather3A_124 masked %and3A {add = true} : memref<81920xf32, #tpu.memory_space<vmem>>[vector<16xi32>], vector<16xf32>, vector<16xi1>
        %add3A_128 = vector.broadcast %mul3A_92 : i32 to vector<16xi32>
        %add3A_129 = arith.addi %add3A_128, %mul3A_8 : vector<16xi32>
        %add3A_130 = arith.constant 4 : i32
        %add3A_131 = vector.broadcast %add3A_130 : i32 to vector<16xi32>
        %add3A_132 = arith.addi %add3A_129, %add3A_131 : vector<16xi32>
        %gather3A_133 = tpu.vector_load_idx %arg7[%add3A_132] : memref<32000xf32, #tpu.memory_space<vmem>>[vector<16xi32>], vector<16xf32>,
        %add3A_134 = arith.constant 4 : i32
        %add3A_135 = vector.broadcast %add3A_134 : i32 to vector<16xi32>
        %add3A_136 = arith.addi %mul3A_90, %add3A_135 : vector<16xi32>
        tpu.vector_store_idx %arg8[%add3A_136], %gather3A_133 masked %and3A {add = true} : memref<81920xf32, #tpu.memory_space<vmem>>[vector<16xi32>], vector<16xf32>, vector<16xi1>
        %add3A_137 = vector.broadcast %mul3A_92 : i32 to vector<16xi32>
        %add3A_138 = arith.addi %add3A_137, %mul3A_8 : vector<16xi32>
        %add3A_139 = arith.constant 5 : i32
        %add3A_140 = vector.broadcast %add3A_139 : i32 to vector<16xi32>
        %add3A_141 = arith.addi %add3A_138, %add3A_140 : vector<16xi32>
        %gather3A_142 = tpu.vector_load_idx %arg7[%add3A_141] : memref<32000xf32, #tpu.memory_space<vmem>>[vector<16xi32>], vector<16xf32>,
        %add3A_143 = arith.constant 5 : i32
        %add3A_144 = vector.broadcast %add3A_143 : i32 to vector<16xi32>
        %add3A_145 = arith.addi %mul3A_90, %add3A_144 : vector<16xi32>
        tpu.vector_store_idx %arg8[%add3A_145], %gather3A_142 masked %and3A {add = true} : memref<81920xf32, #tpu.memory_space<vmem>>[vector<16xi32>], vector<16xf32>, vector<16xi1>
        %add3A_146 = vector.broadcast %mul3A_92 : i32 to vector<16xi32>
        %add3A_147 = arith.addi %add3A_146, %mul3A_8 : vector<16xi32>
        %add3A_148 = arith.constant 6 : i32
        %add3A_149 = vector.broadcast %add3A_148 : i32 to vector<16xi32>
        %add3A_150 = arith.addi %add3A_147, %add3A_149 : vector<16xi32>
        %gather3A_151 = tpu.vector_load_idx %arg7[%add3A_150] : memref<32000xf32, #tpu.memory_space<vmem>>[vector<16xi32>], vector<16xf32>,
        %add3A_152 = arith.constant 6 : i32
        %add3A_153 = vector.broadcast %add3A_152 : i32 to vector<16xi32>
        %add3A_154 = arith.addi %mul3A_90, %add3A_153 : vector<16xi32>
        tpu.vector_store_idx %arg8[%add3A_154], %gather3A_151 masked %and3A {add = true} : memref<81920xf32, #tpu.memory_space<vmem>>[vector<16xi32>], vector<16xf32>, vector<16xi1>
        %add3A_155 = vector.broadcast %mul3A_92 : i32 to vector<16xi32>
        %add3A_156 = arith.addi %add3A_155, %mul3A_8 : vector<16xi32>
        %add3A_157 = arith.constant 7 : i32
        %add3A_158 = vector.broadcast %add3A_157 : i32 to vector<16xi32>
        %add3A_159 = arith.addi %add3A_156, %add3A_158 : vector<16xi32>
        %gather3A_160 = tpu.vector_load_idx %arg7[%add3A_159] : memref<32000xf32, #tpu.memory_space<vmem>>[vector<16xi32>], vector<16xf32>,
        %add3A_161 = arith.constant 7 : i32
        %add3A_162 = vector.broadcast %add3A_161 : i32 to vector<16xi32>
        %add3A_163 = arith.addi %mul3A_90, %add3A_162 : vector<16xi32>
        tpu.vector_store_idx %arg8[%add3A_163], %gather3A_160 masked %and3A {add = true} : memref<81920xf32, #tpu.memory_space<vmem>>[vector<16xi32>], vector<16xf32>, vector<16xi1>
        %add3A_164 = vector.broadcast %mul3A_92 : i32 to vector<16xi32>
        %add3A_165 = arith.addi %add3A_164, %mul3A_8 : vector<16xi32>
        %add3A_166 = arith.constant 8 : i32
        %add3A_167 = vector.broadcast %add3A_166 : i32 to vector<16xi32>
        %add3A_168 = arith.addi %add3A_165, %add3A_167 : vector<16xi32>
        %gather3A_169 = tpu.vector_load_idx %arg7[%add3A_168] : memref<32000xf32, #tpu.memory_space<vmem>>[vector<16xi32>], vector<16xf32>,
        %add3A_170 = arith.constant 8 : i32
        %add3A_171 = vector.broadcast %add3A_170 : i32 to vector<16xi32>
        %add3A_172 = arith.addi %mul3A_90, %add3A_171 : vector<16xi32>
        tpu.vector_store_idx %arg8[%add3A_172], %gather3A_169 masked %and3A {add = true} : memref<81920xf32, #tpu.memory_space<vmem>>[vector<16xi32>], vector<16xf32>, vector<16xi1>
        %add3A_173 = vector.broadcast %mul3A_92 : i32 to vector<16xi32>
        %add3A_174 = arith.addi %add3A_173, %mul3A_8 : vector<16xi32>
        %add3A_175 = arith.constant 9 : i32
        %add3A_176 = vector.broadcast %add3A_175 : i32 to vector<16xi32>
        %add3A_177 = arith.addi %add3A_174, %add3A_176 : vector<16xi32>
        %gather3A_178 = tpu.vector_load_idx %arg7[%add3A_177] : memref<32000xf32, #tpu.memory_space<vmem>>[vector<16xi32>], vector<16xf32>,
        %add3A_179 = arith.constant 9 : i32
        %add3A_180 = vector.broadcast %add3A_179 : i32 to vector<16xi32>
        %add3A_181 = arith.addi %mul3A_90, %add3A_180 : vector<16xi32>
        tpu.vector_store_idx %arg8[%add3A_181], %gather3A_178 masked %and3A {add = true} : memref<81920xf32, #tpu.memory_space<vmem>>[vector<16xi32>], vector<16xf32>, vector<16xi1>
        %add3A_182 = vector.broadcast %mul3A_92 : i32 to vector<16xi32>
        %add3A_183 = arith.addi %add3A_182, %mul3A_8 : vector<16xi32>
        %add3A_184 = arith.constant 10 : i32
        %add3A_185 = vector.broadcast %add3A_184 : i32 to vector<16xi32>
        %add3A_186 = arith.addi %add3A_183, %add3A_185 : vector<16xi32>
        %gather3A_187 = tpu.vector_load_idx %arg7[%add3A_186] : memref<32000xf32, #tpu.memory_space<vmem>>[vector<16xi32>], vector<16xf32>,
        %add3A_188 = arith.constant 10 : i32
        %add3A_189 = vector.broadcast %add3A_188 : i32 to vector<16xi32>
        %add3A_190 = arith.addi %mul3A_90, %add3A_189 : vector<16xi32>
        tpu.vector_store_idx %arg8[%add3A_190], %gather3A_187 masked %and3A {add = true} : memref<81920xf32, #tpu.memory_space<vmem>>[vector<16xi32>], vector<16xf32>, vector<16xi1>
        %add3A_191 = vector.broadcast %mul3A_92 : i32 to vector<16xi32>
        %add3A_192 = arith.addi %add3A_191, %mul3A_8 : vector<16xi32>
        %add3A_193 = arith.constant 11 : i32
        %add3A_194 = vector.broadcast %add3A_193 : i32 to vector<16xi32>
        %add3A_195 = arith.addi %add3A_192, %add3A_194 : vector<16xi32>
        %gather3A_196 = tpu.vector_load_idx %arg7[%add3A_195] : memref<32000xf32, #tpu.memory_space<vmem>>[vector<16xi32>], vector<16xf32>,
        %add3A_197 = arith.constant 11 : i32
        %add3A_198 = vector.broadcast %add3A_197 : i32 to vector<16xi32>
        %add3A_199 = arith.addi %mul3A_90, %add3A_198 : vector<16xi32>
        tpu.vector_store_idx %arg8[%add3A_199], %gather3A_196 masked %and3A {add = true} : memref<81920xf32, #tpu.memory_space<vmem>>[vector<16xi32>], vector<16xf32>, vector<16xi1>
        %add3A_200 = vector.broadcast %mul3A_92 : i32 to vector<16xi32>
        %add3A_201 = arith.addi %add3A_200, %mul3A_8 : vector<16xi32>
        %add3A_202 = arith.constant 12 : i32
        %add3A_203 = vector.broadcast %add3A_202 : i32 to vector<16xi32>
        %add3A_204 = arith.addi %add3A_201, %add3A_203 : vector<16xi32>
        %gather3A_205 = tpu.vector_load_idx %arg7[%add3A_204] : memref<32000xf32, #tpu.memory_space<vmem>>[vector<16xi32>], vector<16xf32>,
        %add3A_206 = arith.constant 12 : i32
        %add3A_207 = vector.broadcast %add3A_206 : i32 to vector<16xi32>
        %add3A_208 = arith.addi %mul3A_90, %add3A_207 : vector<16xi32>
        tpu.vector_store_idx %arg8[%add3A_208], %gather3A_205 masked %and3A {add = true} : memref<81920xf32, #tpu.memory_space<vmem>>[vector<16xi32>], vector<16xf32>, vector<16xi1>
        %add3A_209 = vector.broadcast %mul3A_92 : i32 to vector<16xi32>
        %add3A_210 = arith.addi %add3A_209, %mul3A_8 : vector<16xi32>
        %add3A_211 = arith.constant 13 : i32
        %add3A_212 = vector.broadcast %add3A_211 : i32 to vector<16xi32>
        %add3A_213 = arith.addi %add3A_210, %add3A_212 : vector<16xi32>
        %gather3A_214 = tpu.vector_load_idx %arg7[%add3A_213] : memref<32000xf32, #tpu.memory_space<vmem>>[vector<16xi32>], vector<16xf32>,
        %add3A_215 = arith.constant 13 : i32
        %add3A_216 = vector.broadcast %add3A_215 : i32 to vector<16xi32>
        %add3A_217 = arith.addi %mul3A_90, %add3A_216 : vector<16xi32>
        tpu.vector_store_idx %arg8[%add3A_217], %gather3A_214 masked %and3A {add = true} : memref<81920xf32, #tpu.memory_space<vmem>>[vector<16xi32>], vector<16xf32>, vector<16xi1>
        %add3A_218 = vector.broadcast %mul3A_92 : i32 to vector<16xi32>
        %add3A_219 = arith.addi %add3A_218, %mul3A_8 : vector<16xi32>
        %add3A_220 = arith.constant 14 : i32
        %add3A_221 = vector.broadcast %add3A_220 : i32 to vector<16xi32>
        %add3A_222 = arith.addi %add3A_219, %add3A_221 : vector<16xi32>
        %gather3A_223 = tpu.vector_load_idx %arg7[%add3A_222] : memref<32000xf32, #tpu.memory_space<vmem>>[vector<16xi32>], vector<16xf32>,
        %add3A_224 = arith.constant 14 : i32
        %add3A_225 = vector.broadcast %add3A_224 : i32 to vector<16xi32>
        %add3A_226 = arith.addi %mul3A_90, %add3A_225 : vector<16xi32>
        tpu.vector_store_idx %arg8[%add3A_226], %gather3A_223 masked %and3A {add = true} : memref<81920xf32, #tpu.memory_space<vmem>>[vector<16xi32>], vector<16xf32>, vector<16xi1>
        %add3A_227 = vector.broadcast %mul3A_92 : i32 to vector<16xi32>
        %add3A_228 = arith.addi %add3A_227, %mul3A_8 : vector<16xi32>
        %add3A_229 = arith.constant 15 : i32
        %add3A_230 = vector.broadcast %add3A_229 : i32 to vector<16xi32>
        %add3A_231 = arith.addi %add3A_228, %add3A_230 : vector<16xi32>
        %gather3A_232 = tpu.vector_load_idx %arg7[%add3A_231] : memref<32000xf32, #tpu.memory_space<vmem>>[vector<16xi32>], vector<16xf32>,
        %add3A_233 = arith.constant 15 : i32
        %add3A_234 = vector.broadcast %add3A_233 : i32 to vector<16xi32>
        %add3A_235 = arith.addi %mul3A_90, %add3A_234 : vector<16xi32>
        tpu.vector_store_idx %arg8[%add3A_235], %gather3A_232 masked %and3A {add = true} : memref<81920xf32, #tpu.memory_space<vmem>>[vector<16xi32>], vector<16xf32>, vector<16xi1>
      }
      %scan3A_72 = arith.constant 125 : i32
    }
    %scan3A_47 = arith.constant 5 : i32
    %mul3A_48 = arith.constant 10240 : i32
    %mul3A_49 = arith.muli %add3A, %mul3A_48 : i32
    %add3A_50 = arith.constant 5120 : i32
    %add3A_51 = arith.addi %mul3A_49, %add3A_50 : i32
    %mul3A_52 = arith.constant 16 : i32
    %mul3A_53 = arith.muli %add3A_51, %mul3A_52 : i32
    "tpu.region"() ({
      %run_scoped3A = tpu.sem_alloc : memref<!tpu.dma_semaphore, #tpu.memory_space<semaphore_mem>>
      %dma_start3A = tpu.memref_slice %arg4[%mul3A_53] : memref<5242880xf32, #tpu.memory_space<hbm>> -> memref<81920xf32, #tpu.memory_space<hbm>>
      %dma_start3A_58 = tpu.memref_slice %arg4[%mul3A_53] : memref<5242880xf32, #tpu.memory_space<hbm>> -> memref<81920xf32, #tpu.memory_space<hbm>>
      tpu.enqueue_dma source(%arg8 : memref<81920xf32, #tpu.memory_space<vmem>>) target(%dma_start3A_58 : memref<81920xf32, #tpu.memory_space<hbm>>) target_semaphore(%run_scoped3A : memref<!tpu.dma_semaphore, #tpu.memory_space<semaphore_mem>>)
      %dma_wait3A = tpu.memref_slice %arg4[%mul3A_53] : memref<5242880xf32, #tpu.memory_space<hbm>> -> memref<81920xf32, #tpu.memory_space<hbm>>
      %dma_wait3A_59 = tpu.memref_slice %arg4[%mul3A_53] : memref<5242880xf32, #tpu.memory_space<hbm>> -> memref<81920xf32, #tpu.memory_space<hbm>>
      tpu.wait_dma2 semaphore(%run_scoped3A : memref<!tpu.dma_semaphore, #tpu.memory_space<semaphore_mem>>) src(%arg8 : memref<81920xf32, #tpu.memory_space<vmem>>) dst(%dma_wait3A_59 : memref<81920xf32, #tpu.memory_space<hbm>>)
      tpu.yield
    }) : () -> ()
    %mul3A_54 = arith.constant 10240 : i32
    %mul3A_55 = arith.muli %add3A, %mul3A_54 : i32
    %add3A_56 = arith.constant 5120 : i32
    %add3A_57 = arith.addi %mul3A_55, %add3A_56 : i32
    "tpu.region"() ({
      %run_scoped3A = tpu.sem_alloc : memref<!tpu.dma_semaphore, #tpu.memory_space<semaphore_mem>>
      %dma_start3A = tpu.memref_slice %arg5[%add3A_57] : memref<327680xf32, #tpu.memory_space<hbm>> -> memref<5120xf32, #tpu.memory_space<hbm>>
      %dma_start3A_58 = tpu.memref_slice %arg5[%add3A_57] : memref<327680xf32, #tpu.memory_space<hbm>> -> memref<5120xf32, #tpu.memory_space<hbm>>
      tpu.enqueue_dma source(%arg9 : memref<5120xf32, #tpu.memory_space<vmem>>) target(%dma_start3A_58 : memref<5120xf32, #tpu.memory_space<hbm>>) target_semaphore(%run_scoped3A : memref<!tpu.dma_semaphore, #tpu.memory_space<semaphore_mem>>)
      %dma_wait3A = tpu.memref_slice %arg5[%add3A_57] : memref<327680xf32, #tpu.memory_space<hbm>> -> memref<5120xf32, #tpu.memory_space<hbm>>
      %dma_wait3A_59 = tpu.memref_slice %arg5[%add3A_57] : memref<327680xf32, #tpu.memory_space<hbm>> -> memref<5120xf32, #tpu.memory_space<hbm>>
      tpu.wait_dma2 semaphore(%run_scoped3A : memref<!tpu.dma_semaphore, #tpu.memory_space<semaphore_mem>>) src(%arg9 : memref<5120xf32, #tpu.memory_space<vmem>>) dst(%dma_wait3A_59 : memref<5120xf32, #tpu.memory_space<hbm>>)
      tpu.yield
    }) : () -> ()
    return
  }
}

module attributes {stable_mosaic.version = 14 : i64} {
  func.func @_pq_body(%arg0: memref<10000x128xf32, #tpu.memory_space<vmem>>, %arg1: memref<256x128xf32, #tpu.memory_space<vmem>>, %arg2: memref<1x128xf32, #tpu.memory_space<vmem>>, %arg3: memref<10000x128xf32, #tpu.memory_space<vmem>>, %arg4: memref<10000x128xf32, #tpu.memory_space<vmem>>) attributes {dimension_semantics = [], scalar_prefetch = 0 : i64, scratch_operands = 0 : i64, tpu.core_type = #tpu.core_type<tc>} {
    %get3A = arith.constant 0 : index
    %get3A_0 = arith.constant 0 : index
    %get3A_1 = vector.load %arg0[%get3A, %get3A_0] : memref<10000x128xf32, #tpu.memory_space<vmem>>, vector<10000x128xf32>
    %get3A_2 = arith.constant 0 : index
    %get3A_3 = arith.constant 0 : index
    %get3A_4 = vector.load %arg1[%get3A_2, %get3A_3] : memref<256x128xf32, #tpu.memory_space<vmem>>, vector<128x128xf32>
    %dot_general3A = arith.constant dense<0.000000e+00> : vector<10000x128xf32>
    %dot_general3A_5 = tpu.matmul %get3A_1, %get3A_4, %dot_general3A {dimension_numbers = #tpu.dot_dimension_numbers<[1], [0], [0], [1], [0, 0, 1, 1], [], []>, precision = #tpu.contract_precision<fp32>, transpose_lhs_hint = false} : vector<10000x128xf32>, vector<128x128xf32>, vector<10000x128xf32> -> vector<10000x128xf32>
    %swap3A = arith.constant 0 : index
    %swap3A_6 = arith.constant 0 : index
    %swap3A_7 = vector.load %arg3[%swap3A, %swap3A_6] : memref<10000x128xf32, #tpu.memory_space<vmem>>, vector<10000x128xf32>
    tpu.vector_store %arg3[%swap3A, %swap3A_6], %dot_general3A_5 {strides = array<i32>} : memref<10000x128xf32, #tpu.memory_space<vmem>>, vector<10000x128xf32>,
    %get3A_8 = arith.constant 128 : index
    %get3A_9 = arith.constant 0 : index
    %get3A_10 = vector.load %arg1[%get3A_8, %get3A_9] : memref<256x128xf32, #tpu.memory_space<vmem>>, vector<128x128xf32>
    %dot_general3A_11 = arith.constant dense<0.000000e+00> : vector<10000x128xf32>
    %dot_general3A_12 = tpu.matmul %get3A_1, %get3A_10, %dot_general3A_11 {dimension_numbers = #tpu.dot_dimension_numbers<[1], [0], [0], [1], [0, 0, 1, 1], [], []>, precision = #tpu.contract_precision<fp32>, transpose_lhs_hint = false} : vector<10000x128xf32>, vector<128x128xf32>, vector<10000x128xf32> -> vector<10000x128xf32>
    %get3A_13 = arith.constant 0 : index
    %get3A_14 = arith.constant 0 : index
    %get3A_15 = vector.load %arg2[%get3A_13, %get3A_14] : memref<1x128xf32, #tpu.memory_space<vmem>>, vector<1x128xf32>
    %add3A = vector.broadcast %get3A_15 : vector<1x128xf32> to vector<10000x128xf32>
    %add3A_16 = arith.addf %dot_general3A_12, %add3A : vector<10000x128xf32>
    %swap3A_17 = arith.constant 0 : index
    %swap3A_18 = arith.constant 0 : index
    %swap3A_19 = vector.load %arg4[%swap3A_17, %swap3A_18] : memref<10000x128xf32, #tpu.memory_space<vmem>>, vector<10000x128xf32>
    tpu.vector_store %arg4[%swap3A_17, %swap3A_18], %add3A_16 {strides = array<i32>} : memref<10000x128xf32, #tpu.memory_space<vmem>>, vector<10000x128xf32>,
    return
  }
}

module attributes {stable_mosaic.version = 14 : i64} {
  func.func @_edge_body(%arg0: i32, %arg1: memref<6400x128xf32, #tpu.memory_space<vmem>>, %arg2: memref<6400x16xf32, #tpu.memory_space<vmem>>, %arg3: memref<16x128xf32, #tpu.memory_space<vmem>>, %arg4: memref<128x16xf32, #tpu.memory_space<vmem>>, %arg5: memref<1x16xf32, #tpu.memory_space<vmem>>, %arg6: memref<1x16xf32, #tpu.memory_space<vmem>>, %arg7: memref<1x16xf32, #tpu.memory_space<vmem>>, %arg8: memref<6400x16xf32, #tpu.memory_space<vmem>>, %arg9: memref<6400x16xf32, #tpu.memory_space<vmem>>) attributes {dimension_semantics = [#tpu.dimension_semantics<arbitrary>], iteration_bounds = array<i64: 50>, scalar_prefetch = 0 : i64, scratch_operands = 0 : i64, tpu.core_type = #tpu.core_type<tc>, window_params = [{transform_indices = @transform_0, window_bounds = array<i64: 6400, 128>}, {transform_indices = @transform_1, window_bounds = array<i64: 6400, 16>}, {pipeline_mode = #tpu.pipeline_mode<synchronous>, transform_indices = @transform_2, window_bounds = array<i64: 16, 128>}, {pipeline_mode = #tpu.pipeline_mode<synchronous>, transform_indices = @transform_3, window_bounds = array<i64: 128, 16>}, {pipeline_mode = #tpu.pipeline_mode<synchronous>, transform_indices = @transform_4, window_bounds = array<i64: 1, 16>}, {pipeline_mode = #tpu.pipeline_mode<synchronous>, transform_indices = @transform_5, window_bounds = array<i64: 1, 16>}, {pipeline_mode = #tpu.pipeline_mode<synchronous>, transform_indices = @transform_6, window_bounds = array<i64: 1, 16>}, {transform_indices = @transform_7, window_bounds = array<i64: 6400, 16>}, {transform_indices = @transform_8, window_bounds = array<i64: 6400, 16>}]} {
    %get3A = arith.constant 0 : index
    %get3A_0 = arith.constant 0 : index
    %get3A_1 = vector.load %arg2[%get3A, %get3A_0] : memref<6400x16xf32, #tpu.memory_space<vmem>>, vector<6400x16xf32>
    %get3A_2 = arith.constant 0 : index
    %get3A_3 = arith.constant 0 : index
    %get3A_4 = vector.load %arg1[%get3A_2, %get3A_3] : memref<6400x128xf32, #tpu.memory_space<vmem>>, vector<6400x128xf32>
    %get3A_5 = arith.constant 0 : index
    %get3A_6 = arith.constant 0 : index
    %get3A_7 = vector.load %arg3[%get3A_5, %get3A_6] : memref<16x128xf32, #tpu.memory_space<vmem>>, vector<16x128xf32>
    %dot_general3A = arith.constant dense<0.000000e+00> : vector<6400x128xf32>
    %dot_general3A_8 = tpu.matmul %get3A_1, %get3A_7, %dot_general3A {dimension_numbers = #tpu.dot_dimension_numbers<[1], [0], [0], [1], [0, 0, 1, 1], [], []>, transpose_lhs_hint = false} : vector<6400x16xf32>, vector<16x128xf32>, vector<6400x128xf32> -> vector<6400x128xf32>
    %add3A = arith.addf %get3A_4, %dot_general3A_8 : vector<6400x128xf32>
    %logistic3A = arith.negf %add3A : vector<6400x128xf32>
    %logistic3A_9 = math.exp %logistic3A : vector<6400x128xf32>
    %logistic3A_10 = arith.constant 1.000000e+00 : f32
    %logistic3A_11 = vector.broadcast %logistic3A_10 : f32 to vector<6400x128xf32>
    %logistic3A_12 = arith.addf %logistic3A_11, %logistic3A_9 : vector<6400x128xf32>
    %logistic3A_13 = arith.divf %logistic3A_11, %logistic3A_12 : vector<6400x128xf32>
    %mul3A = arith.mulf %add3A, %logistic3A_13 : vector<6400x128xf32>
    %get3A_14 = arith.constant 0 : index
    %get3A_15 = arith.constant 0 : index
    %get3A_16 = vector.load %arg4[%get3A_14, %get3A_15] : memref<128x16xf32, #tpu.memory_space<vmem>>, vector<128x16xf32>
    %dot_general3A_17 = arith.constant dense<0.000000e+00> : vector<6400x16xf32>
    %dot_general3A_18 = tpu.matmul %mul3A, %get3A_16, %dot_general3A_17 {dimension_numbers = #tpu.dot_dimension_numbers<[1], [0], [0], [1], [0, 0, 1, 1], [], []>, transpose_lhs_hint = false} : vector<6400x128xf32>, vector<128x16xf32>, vector<6400x16xf32> -> vector<6400x16xf32>
    %get3A_19 = arith.constant 0 : index
    %get3A_20 = arith.constant 0 : index
    %get3A_21 = vector.load %arg5[%get3A_19, %get3A_20] : memref<1x16xf32, #tpu.memory_space<vmem>>, vector<1x16xf32>
    %add3A_22 = vector.broadcast %get3A_21 : vector<1x16xf32> to vector<6400x16xf32>
    %add3A_23 = arith.addf %dot_general3A_18, %add3A_22 : vector<6400x16xf32>
    %reduce_sum3A = arith.constant dense<0.000000e+00> : vector<6400xf32>
    %reduce_sum3A_24 = vector.multi_reduction <add>, %add3A_23, %reduce_sum3A [1] : vector<6400x16xf32> to vector<6400xf32>
    %broadcast_in_dim3A = vector.shape_cast %reduce_sum3A_24 : vector<6400xf32> to vector<6400x1xf32>
    %div3A = arith.constant 1.600000e+01 : f32
    %div3A_25 = vector.broadcast %div3A : f32 to vector<6400x1xf32>
    %div3A_26 = arith.divf %broadcast_in_dim3A, %div3A_25 : vector<6400x1xf32>
    %sub3A = vector.broadcast %div3A_26 : vector<6400x1xf32> to vector<6400x16xf32>
    %sub3A_27 = arith.subf %add3A_23, %sub3A : vector<6400x16xf32>
    %sub3A_28 = vector.broadcast %div3A_26 : vector<6400x1xf32> to vector<6400x16xf32>
    %sub3A_29 = arith.subf %add3A_23, %sub3A_28 : vector<6400x16xf32>
    %mul3A_30 = arith.mulf %sub3A_27, %sub3A_29 : vector<6400x16xf32>
    %reduce_sum3A_31 = arith.constant dense<0.000000e+00> : vector<6400xf32>
    %reduce_sum3A_32 = vector.multi_reduction <add>, %mul3A_30, %reduce_sum3A_31 [1] : vector<6400x16xf32> to vector<6400xf32>
    %broadcast_in_dim3A_33 = vector.shape_cast %reduce_sum3A_32 : vector<6400xf32> to vector<6400x1xf32>
    %div3A_34 = arith.constant 1.600000e+01 : f32
    %div3A_35 = vector.broadcast %div3A_34 : f32 to vector<6400x1xf32>
    %div3A_36 = arith.divf %broadcast_in_dim3A_33, %div3A_35 : vector<6400x1xf32>
    %get3A_37 = arith.constant 0 : index
    %get3A_38 = arith.constant 0 : index
    %get3A_39 = vector.load %arg6[%get3A_37, %get3A_38] : memref<1x16xf32, #tpu.memory_space<vmem>>, vector<1x16xf32>
    %sub3A_40 = vector.broadcast %div3A_26 : vector<6400x1xf32> to vector<6400x16xf32>
    %sub3A_41 = arith.subf %add3A_23, %sub3A_40 : vector<6400x16xf32>
    %mul3A_42 = vector.broadcast %get3A_39 : vector<1x16xf32> to vector<6400x16xf32>
    %mul3A_43 = arith.mulf %mul3A_42, %sub3A_41 : vector<6400x16xf32>
    %add3A_44 = arith.constant 9.99999974E-6 : f32
    %add3A_45 = vector.broadcast %add3A_44 : f32 to vector<6400x1xf32>
    %add3A_46 = arith.addf %div3A_36, %add3A_45 : vector<6400x1xf32>
    %rsqrt3A = math.rsqrt %add3A_46 : vector<6400x1xf32>
    %mul3A_47 = vector.broadcast %rsqrt3A : vector<6400x1xf32> to vector<6400x16xf32>
    %mul3A_48 = arith.mulf %mul3A_43, %mul3A_47 : vector<6400x16xf32>
    %get3A_49 = arith.constant 0 : index
    %get3A_50 = arith.constant 0 : index
    %get3A_51 = vector.load %arg7[%get3A_49, %get3A_50] : memref<1x16xf32, #tpu.memory_space<vmem>>, vector<1x16xf32>
    %add3A_52 = vector.broadcast %get3A_51 : vector<1x16xf32> to vector<6400x16xf32>
    %add3A_53 = arith.addf %mul3A_48, %add3A_52 : vector<6400x16xf32>
    %swap3A = arith.constant 0 : index
    %swap3A_54 = arith.constant 0 : index
    %swap3A_55 = vector.load %arg8[%swap3A, %swap3A_54] : memref<6400x16xf32, #tpu.memory_space<vmem>>, vector<6400x16xf32>
    tpu.vector_store %arg8[%swap3A, %swap3A_54], %add3A_53 {strides = array<i32>} : memref<6400x16xf32, #tpu.memory_space<vmem>>, vector<6400x16xf32>,
    %add3A_56 = arith.addf %get3A_1, %add3A_53 : vector<6400x16xf32>
    %swap3A_57 = arith.constant 0 : index
    %swap3A_58 = arith.constant 0 : index
    %swap3A_59 = vector.load %arg9[%swap3A_57, %swap3A_58] : memref<6400x16xf32, #tpu.memory_space<vmem>>, vector<6400x16xf32>
    tpu.vector_store %arg9[%swap3A_57, %swap3A_58], %add3A_56 {strides = array<i32>} : memref<6400x16xf32, #tpu.memory_space<vmem>>, vector<6400x16xf32>,
    return
  }
  func.func @transform_0(%arg0: i32) -> (i32, i32) {
    %c0_i32 = arith.constant 0 : i32
    %c0_i32_0 = arith.constant 0 : i32
    return %arg0, %c0_i32 : i32, i32
  }
  func.func @transform_1(%arg0: i32) -> (i32, i32) {
    %c0_i32 = arith.constant 0 : i32
    %c0_i32_0 = arith.constant 0 : i32
    return %arg0, %c0_i32 : i32, i32
  }
  func.func @transform_2(%arg0: i32) -> (i32, i32) {
    %c0_i32 = arith.constant 0 : i32
    %c0_i32_0 = arith.constant 0 : i32
    %c0_i32_1 = arith.constant 0 : i32
    return %c0_i32, %c0_i32_0 : i32, i32
  }
  func.func @transform_3(%arg0: i32) -> (i32, i32) {
    %c0_i32 = arith.constant 0 : i32
    %c0_i32_0 = arith.constant 0 : i32
    %c0_i32_1 = arith.constant 0 : i32
    return %c0_i32, %c0_i32_0 : i32, i32
  }
  func.func @transform_4(%arg0: i32) -> (i32, i32) {
    %c0_i32 = arith.constant 0 : i32
    %c0_i32_0 = arith.constant 0 : i32
    %c0_i32_1 = arith.constant 0 : i32
    return %c0_i32, %c0_i32_0 : i32, i32
  }
  func.func @transform_5(%arg0: i32) -> (i32, i32) {
    %c0_i32 = arith.constant 0 : i32
    %c0_i32_0 = arith.constant 0 : i32
    %c0_i32_1 = arith.constant 0 : i32
    return %c0_i32, %c0_i32_0 : i32, i32
  }
  func.func @transform_6(%arg0: i32) -> (i32, i32) {
    %c0_i32 = arith.constant 0 : i32
    %c0_i32_0 = arith.constant 0 : i32
    %c0_i32_1 = arith.constant 0 : i32
    return %c0_i32, %c0_i32_0 : i32, i32
  }
  func.func @transform_7(%arg0: i32) -> (i32, i32) {
    %c0_i32 = arith.constant 0 : i32
    %c0_i32_0 = arith.constant 0 : i32
    return %arg0, %c0_i32 : i32, i32
  }
  func.func @transform_8(%arg0: i32) -> (i32, i32) {
    %c0_i32 = arith.constant 0 : i32
    %c0_i32_0 = arith.constant 0 : i32
    return %arg0, %c0_i32 : i32, i32
  }
}

module attributes {stable_mosaic.version = 14 : i64} {
  func.func @_node_body(%arg0: i32, %arg1: memref<2000x128xf32, #tpu.memory_space<vmem>>, %arg2: memref<2000x16xf32, #tpu.memory_space<vmem>>, %arg3: memref<128x128xf32, #tpu.memory_space<vmem>>, %arg4: memref<16x128xf32, #tpu.memory_space<vmem>>, %arg5: memref<1x128xf32, #tpu.memory_space<vmem>>, %arg6: memref<128x128xf32, #tpu.memory_space<vmem>>, %arg7: memref<1x128xf32, #tpu.memory_space<vmem>>, %arg8: memref<1x128xf32, #tpu.memory_space<vmem>>, %arg9: memref<1x128xf32, #tpu.memory_space<vmem>>, %arg10: memref<2000x128xf32, #tpu.memory_space<vmem>>) attributes {dimension_semantics = [#tpu.dimension_semantics<arbitrary>], iteration_bounds = array<i64: 5>, scalar_prefetch = 0 : i64, scratch_operands = 0 : i64, tpu.core_type = #tpu.core_type<tc>, window_params = [{transform_indices = @transform_0, window_bounds = array<i64: 2000, 128>}, {transform_indices = @transform_1, window_bounds = array<i64: 2000, 16>}, {pipeline_mode = #tpu.pipeline_mode<synchronous>, transform_indices = @transform_2, window_bounds = array<i64: 128, 128>}, {pipeline_mode = #tpu.pipeline_mode<synchronous>, transform_indices = @transform_3, window_bounds = array<i64: 16, 128>}, {pipeline_mode = #tpu.pipeline_mode<synchronous>, transform_indices = @transform_4, window_bounds = array<i64: 1, 128>}, {pipeline_mode = #tpu.pipeline_mode<synchronous>, transform_indices = @transform_5, window_bounds = array<i64: 128, 128>}, {pipeline_mode = #tpu.pipeline_mode<synchronous>, transform_indices = @transform_6, window_bounds = array<i64: 1, 128>}, {pipeline_mode = #tpu.pipeline_mode<synchronous>, transform_indices = @transform_7, window_bounds = array<i64: 1, 128>}, {pipeline_mode = #tpu.pipeline_mode<synchronous>, transform_indices = @transform_8, window_bounds = array<i64: 1, 128>}, {transform_indices = @transform_9, window_bounds = array<i64: 2000, 128>}]} {
    %get3A = arith.constant 0 : index
    %get3A_0 = arith.constant 0 : index
    %get3A_1 = vector.load %arg2[%get3A, %get3A_0] : memref<2000x16xf32, #tpu.memory_space<vmem>>, vector<2000x16xf32>
    %get3A_2 = arith.constant 0 : index
    %get3A_3 = arith.constant 0 : index
    %get3A_4 = vector.load %arg1[%get3A_2, %get3A_3] : memref<2000x128xf32, #tpu.memory_space<vmem>>, vector<2000x128xf32>
    %get3A_5 = arith.constant 0 : index
    %get3A_6 = arith.constant 0 : index
    %get3A_7 = vector.load %arg3[%get3A_5, %get3A_6] : memref<128x128xf32, #tpu.memory_space<vmem>>, vector<128x128xf32>
    %dot_general3A = arith.constant dense<0.000000e+00> : vector<2000x128xf32>
    %dot_general3A_8 = tpu.matmul %get3A_4, %get3A_7, %dot_general3A {dimension_numbers = #tpu.dot_dimension_numbers<[1], [0], [0], [1], [0, 0, 1, 1], [], []>, precision = #tpu.contract_precision<fp32>, transpose_lhs_hint = false} : vector<2000x128xf32>, vector<128x128xf32>, vector<2000x128xf32> -> vector<2000x128xf32>
    %get3A_9 = arith.constant 0 : index
    %get3A_10 = arith.constant 0 : index
    %get3A_11 = vector.load %arg4[%get3A_9, %get3A_10] : memref<16x128xf32, #tpu.memory_space<vmem>>, vector<16x128xf32>
    %dot_general3A_12 = arith.constant dense<0.000000e+00> : vector<2000x128xf32>
    %dot_general3A_13 = tpu.matmul %get3A_1, %get3A_11, %dot_general3A_12 {dimension_numbers = #tpu.dot_dimension_numbers<[1], [0], [0], [1], [0, 0, 1, 1], [], []>, precision = #tpu.contract_precision<fp32>, transpose_lhs_hint = false} : vector<2000x16xf32>, vector<16x128xf32>, vector<2000x128xf32> -> vector<2000x128xf32>
    %add3A = arith.addf %dot_general3A_8, %dot_general3A_13 : vector<2000x128xf32>
    %get3A_14 = arith.constant 0 : index
    %get3A_15 = arith.constant 0 : index
    %get3A_16 = vector.load %arg5[%get3A_14, %get3A_15] : memref<1x128xf32, #tpu.memory_space<vmem>>, vector<1x128xf32>
    %add3A_17 = vector.broadcast %get3A_16 : vector<1x128xf32> to vector<2000x128xf32>
    %add3A_18 = arith.addf %add3A, %add3A_17 : vector<2000x128xf32>
    %logistic3A = arith.negf %add3A_18 : vector<2000x128xf32>
    %logistic3A_19 = math.exp %logistic3A : vector<2000x128xf32>
    %logistic3A_20 = arith.constant 1.000000e+00 : f32
    %logistic3A_21 = vector.broadcast %logistic3A_20 : f32 to vector<2000x128xf32>
    %logistic3A_22 = arith.addf %logistic3A_21, %logistic3A_19 : vector<2000x128xf32>
    %logistic3A_23 = arith.divf %logistic3A_21, %logistic3A_22 : vector<2000x128xf32>
    %mul3A = arith.mulf %add3A_18, %logistic3A_23 : vector<2000x128xf32>
    %get3A_24 = arith.constant 0 : index
    %get3A_25 = arith.constant 0 : index
    %get3A_26 = vector.load %arg6[%get3A_24, %get3A_25] : memref<128x128xf32, #tpu.memory_space<vmem>>, vector<128x128xf32>
    %dot_general3A_27 = arith.constant dense<0.000000e+00> : vector<2000x128xf32>
    %dot_general3A_28 = tpu.matmul %mul3A, %get3A_26, %dot_general3A_27 {dimension_numbers = #tpu.dot_dimension_numbers<[1], [0], [0], [1], [0, 0, 1, 1], [], []>, precision = #tpu.contract_precision<fp32>, transpose_lhs_hint = false} : vector<2000x128xf32>, vector<128x128xf32>, vector<2000x128xf32> -> vector<2000x128xf32>
    %get3A_29 = arith.constant 0 : index
    %get3A_30 = arith.constant 0 : index
    %get3A_31 = vector.load %arg7[%get3A_29, %get3A_30] : memref<1x128xf32, #tpu.memory_space<vmem>>, vector<1x128xf32>
    %add3A_32 = vector.broadcast %get3A_31 : vector<1x128xf32> to vector<2000x128xf32>
    %add3A_33 = arith.addf %dot_general3A_28, %add3A_32 : vector<2000x128xf32>
    %reduce_sum3A = arith.constant dense<0.000000e+00> : vector<2000xf32>
    %reduce_sum3A_34 = vector.multi_reduction <add>, %add3A_33, %reduce_sum3A [1] : vector<2000x128xf32> to vector<2000xf32>
    %broadcast_in_dim3A = vector.shape_cast %reduce_sum3A_34 : vector<2000xf32> to vector<2000x1xf32>
    %div3A = arith.constant 1.280000e+02 : f32
    %div3A_35 = vector.broadcast %div3A : f32 to vector<2000x1xf32>
    %div3A_36 = arith.divf %broadcast_in_dim3A, %div3A_35 : vector<2000x1xf32>
    %sub3A = vector.broadcast %div3A_36 : vector<2000x1xf32> to vector<2000x128xf32>
    %sub3A_37 = arith.subf %add3A_33, %sub3A : vector<2000x128xf32>
    %sub3A_38 = vector.broadcast %div3A_36 : vector<2000x1xf32> to vector<2000x128xf32>
    %sub3A_39 = arith.subf %add3A_33, %sub3A_38 : vector<2000x128xf32>
    %mul3A_40 = arith.mulf %sub3A_37, %sub3A_39 : vector<2000x128xf32>
    %reduce_sum3A_41 = arith.constant dense<0.000000e+00> : vector<2000xf32>
    %reduce_sum3A_42 = vector.multi_reduction <add>, %mul3A_40, %reduce_sum3A_41 [1] : vector<2000x128xf32> to vector<2000xf32>
    %broadcast_in_dim3A_43 = vector.shape_cast %reduce_sum3A_42 : vector<2000xf32> to vector<2000x1xf32>
    %div3A_44 = arith.constant 1.280000e+02 : f32
    %div3A_45 = vector.broadcast %div3A_44 : f32 to vector<2000x1xf32>
    %div3A_46 = arith.divf %broadcast_in_dim3A_43, %div3A_45 : vector<2000x1xf32>
    %get3A_47 = arith.constant 0 : index
    %get3A_48 = arith.constant 0 : index
    %get3A_49 = vector.load %arg8[%get3A_47, %get3A_48] : memref<1x128xf32, #tpu.memory_space<vmem>>, vector<1x128xf32>
    %sub3A_50 = vector.broadcast %div3A_36 : vector<2000x1xf32> to vector<2000x128xf32>
    %sub3A_51 = arith.subf %add3A_33, %sub3A_50 : vector<2000x128xf32>
    %mul3A_52 = vector.broadcast %get3A_49 : vector<1x128xf32> to vector<2000x128xf32>
    %mul3A_53 = arith.mulf %mul3A_52, %sub3A_51 : vector<2000x128xf32>
    %add3A_54 = arith.constant 9.99999974E-6 : f32
    %add3A_55 = vector.broadcast %add3A_54 : f32 to vector<2000x1xf32>
    %add3A_56 = arith.addf %div3A_46, %add3A_55 : vector<2000x1xf32>
    %rsqrt3A = math.rsqrt %add3A_56 : vector<2000x1xf32>
    %mul3A_57 = vector.broadcast %rsqrt3A : vector<2000x1xf32> to vector<2000x128xf32>
    %mul3A_58 = arith.mulf %mul3A_53, %mul3A_57 : vector<2000x128xf32>
    %get3A_59 = arith.constant 0 : index
    %get3A_60 = arith.constant 0 : index
    %get3A_61 = vector.load %arg9[%get3A_59, %get3A_60] : memref<1x128xf32, #tpu.memory_space<vmem>>, vector<1x128xf32>
    %add3A_62 = vector.broadcast %get3A_61 : vector<1x128xf32> to vector<2000x128xf32>
    %add3A_63 = arith.addf %mul3A_58, %add3A_62 : vector<2000x128xf32>
    %add3A_64 = arith.addf %get3A_4, %add3A_63 : vector<2000x128xf32>
    %swap3A = arith.constant 0 : index
    %swap3A_65 = arith.constant 0 : index
    %swap3A_66 = vector.load %arg10[%swap3A, %swap3A_65] : memref<2000x128xf32, #tpu.memory_space<vmem>>, vector<2000x128xf32>
    tpu.vector_store %arg10[%swap3A, %swap3A_65], %add3A_64 {strides = array<i32>} : memref<2000x128xf32, #tpu.memory_space<vmem>>, vector<2000x128xf32>,
    return
  }
  func.func @transform_0(%arg0: i32) -> (i32, i32) {
    %c0_i32 = arith.constant 0 : i32
    %c0_i32_0 = arith.constant 0 : i32
    return %arg0, %c0_i32 : i32, i32
  }
  func.func @transform_1(%arg0: i32) -> (i32, i32) {
    %c0_i32 = arith.constant 0 : i32
    %c0_i32_0 = arith.constant 0 : i32
    return %arg0, %c0_i32 : i32, i32
  }
  func.func @transform_2(%arg0: i32) -> (i32, i32) {
    %c0_i32 = arith.constant 0 : i32
    %c0_i32_0 = arith.constant 0 : i32
    %c0_i32_1 = arith.constant 0 : i32
    return %c0_i32, %c0_i32_0 : i32, i32
  }
  func.func @transform_3(%arg0: i32) -> (i32, i32) {
    %c0_i32 = arith.constant 0 : i32
    %c0_i32_0 = arith.constant 0 : i32
    %c0_i32_1 = arith.constant 0 : i32
    return %c0_i32, %c0_i32_0 : i32, i32
  }
  func.func @transform_4(%arg0: i32) -> (i32, i32) {
    %c0_i32 = arith.constant 0 : i32
    %c0_i32_0 = arith.constant 0 : i32
    %c0_i32_1 = arith.constant 0 : i32
    return %c0_i32, %c0_i32_0 : i32, i32
  }
  func.func @transform_5(%arg0: i32) -> (i32, i32) {
    %c0_i32 = arith.constant 0 : i32
    %c0_i32_0 = arith.constant 0 : i32
    %c0_i32_1 = arith.constant 0 : i32
    return %c0_i32, %c0_i32_0 : i32, i32
  }
  func.func @transform_6(%arg0: i32) -> (i32, i32) {
    %c0_i32 = arith.constant 0 : i32
    %c0_i32_0 = arith.constant 0 : i32
    %c0_i32_1 = arith.constant 0 : i32
    return %c0_i32, %c0_i32_0 : i32, i32
  }
  func.func @transform_7(%arg0: i32) -> (i32, i32) {
    %c0_i32 = arith.constant 0 : i32
    %c0_i32_0 = arith.constant 0 : i32
    %c0_i32_1 = arith.constant 0 : i32
    return %c0_i32, %c0_i32_0 : i32, i32
  }
  func.func @transform_8(%arg0: i32) -> (i32, i32) {
    %c0_i32 = arith.constant 0 : i32
    %c0_i32_0 = arith.constant 0 : i32
    %c0_i32_1 = arith.constant 0 : i32
    return %c0_i32, %c0_i32_0 : i32, i32
  }
  func.func @transform_9(%arg0: i32) -> (i32, i32) {
    %c0_i32 = arith.constant 0 : i32
    %c0_i32_0 = arith.constant 0 : i32
    return %arg0, %c0_i32 : i32, i32
  }
}

</mosaic_0001>

<sc_bundles>
// kernel: kernel.11.cloned.1.call-start
scs
__scs_entry_jumppad:
0x0: {  	(pc) =	sbr.rel $0x88, $3  }
0x1: {  	(tag) =	ssettag $0x0;
	lr =	simm.s32 $0x1  }
0x2: {  	[smem:$0x3F92] =	sst lr;
	_ =	strace $0xD0000000  }
0x3: {  	_ = 	snop  }
0x4: {  	_ = 	snop  }
0x5: {  	_ = 	snop  }
0x6: {  	_ = 	snop  }
0x7: {  	_ = 	snop  }
__scs_overlays_trampoline_lowered:
0x8: {  	[smem:$0x3FA1] =	sst s0  }
0x9: {  	[smem:$0x3FA2] =	sst s1  }
0xa: {  	[smem:$0x3FA3] =	sst s2  }
0xb: {  	[smem:$0x3FA4] =	sst s3  }
0xc: {  	[smem:$0x3FA5] =	sst s4  }
0xd: {  	[smem:$0x3FA6] =	sst s5  }
0xe: {  	[smem:$0x3FA7] =	sst s6  }
0xf: {  	[smem:$0x3FA8] =	sst s7  }
0x10: {  	[smem:$0x3FA9] =	sst s8  }
0x11: {  	[smem:$0x3FAA] =	sst s9;
	s0 =	simm.s32 @!p0 $0x0  }
0x12: {  	s1 =	sld [smem:$0x3F90];
	s0 =	simm.s32 @p0 $0x1  }
0x13: {  	[smem:$0x3FAB] =	sst s0;
	s0 =	simm.s32 @!p1 $0x0  }
0x14: {  	s2 =	sld [smem:$0x3F8F];
	s0 =	simm.s32 @p1 $0x1  }
0x15: {  	[smem:$0x3FAC] =	sst s0;
	s0 =	simm.s32 @!p2 $0x0  }
0x16: {  	s3 =	sld [smem:$0x3FDB];
	s0 =	simm.s32 @p2 $0x1  }
0x17: {  	s4 =	simm.s32 $0x1BF5;
	[smem:$0x3FAE] =	sst s0  }
0x18: {  	s0 =	sld [smem:$0x3F91];
	_ =	swait.ge [sflag:s4], $0x0  }
0x19: {  	s7 =	sld [smem:$0x3F92]  }
0x1a: {  	s8 =	sadd.s32 $0xFFFFE003, lr  }
0x1b: {  	s9 =	sadd.s32 $0xFFFFFEF7, lr;
	s5 =	simm.s32 $0xFFFFFFFF;
	p2 =	slt.u32 s8, $0xFFFFF086  }
0x1c: {  	p1 =	slt.u32 s9, $0xF7A;
	s5 =	simm.s32 @!p2 $0x0  }
0x1d: {  	s5 =	simm.s32 @p1 $0x1;
	p0 =	seq.s32 s7, s2  }
0x1e: {  	s7 =	smul.u32 @!p0 $0xF7A, s2;
	p2 =	seq.s32 @!p0 s5, $0x0  }
0x1f: {  	s9 =	smul.u32 $0xF7A, s1;
	s8 =	simm.s32 @!p0 $0x1BF5;
	p2 =	por !p2, p0  }
0x20: {  	[sflag:s8] =	ssyncset.s32 @!p0 $0xFFFFF086;
	s6 =	sadd.s32 @!p0 s3, s7;
	s7 =	simm.s32 @!p0 $0x108  }
0x21: {  	s3 =	sadd.s32 s3, s9;
	s6 =	sadd.s32 @!p0 $0x88, s6;
	s7 =	simm.s32 @p2 $0x1082  }
0x22: {  	[simem:s7], [sflag:s8] =	dma.local @!p0 [hbm:s6], $0xF7A  }
0x23: {  	s9 =	sor.u32 $0xD0000000, s2;
	s6 =	simm.s32 $0x108;
	_ =	swait.ge @!p0 [sflag:s8], $0x0  }
0x24: {  	s3 =	sadd.s32 $0x88, s3;
	s6 =	simm.s32 @!p1 $0x1082;
	[sflag:s4] =	ssyncset.s32 $0xFFFFF086  }
0x25: {  	[simem:s6], [sflag:s4] =	dma.local [hbm:s3], $0xF7A  }
0x26: {  	[smem:$0x3F92] =	sst s1;
	(tag) =	ssettag s2;
	_ =	strace s9  }
0x27: {  	s1 =	sld [smem:$0x3FA2]  }
0x28: {  	s2 =	sld [smem:$0x3FA3]  }
0x29: {  	s4 =	sld [smem:$0x3FA5]  }
0x2a: {  	p0 =	seq.s32 s5, $0x0;
	s5 =	sld [smem:$0x3FA6]  }
0x2b: {  	s6 =	sld [smem:$0x3FA7]  }
0x2c: {  	s7 =	sld [smem:$0x3FA8]  }
0x2d: {  	s3 =	simm.s32 $0x108;
	s8 =	sld [smem:$0x3FA9]  }
0x2e: {  	s3 =	simm.s32 @!p0 $0x1082;
	s9 =	sld [smem:$0x3FAA]  }
0x2f: {  	lr =	sadd.s32 s0, s3;
	s0 =	sld [smem:$0x3FA1]  }
0x30: {  	s3 =	sld [smem:$0x3FA4]  }
0x31: {  	[smem:$0x3FAD] =	sst s10  }
0x32: {  	s10 =	sld [smem:$0x3FAB];
	_ =	sdelay $0x3  }
0x33: {  	p0 =	seq.s32 s10, $0x1;
	s10 =	sld [smem:$0x3FAD];
	_ =	sdelay $0x3  }
0x34: {  	[smem:$0x3FAD] =	sst s10  }
0x35: {  	s10 =	sld [smem:$0x3FAC];
	_ =	sdelay $0x3  }
0x36: {  	p1 =	seq.s32 s10, $0x1;
	s10 =	sld [smem:$0x3FAD];
	_ =	sdelay $0x3  }
0x37: {  	[smem:$0x3FAD] =	sst s10  }
0x38: {  	s10 =	sld [smem:$0x3FAE]  }
0x39: {  	_ = 	snop;
	(pc) =	sbr.ind lr, $3  }
0x3a: {  	_ = 	snop  }
0x3b: {  	_ = 	snop  }
0x3c: {  	p2 =	seq.s32 s10, $0x1;
	s10 =	sld [smem:$0x3FAD]  }
0x3d: {  	_ =	shalt  }
0x3e: {  	_ =	shalt  }
0x3f: {  	_ =	shalt  }
0x40: {  	_ =	shalt  }
0x41: {  	_ =	shalt  }
0x42: {  	_ =	shalt  }
0x43: {  	_ =	shalt  }
0x44: {  	_ =	shalt  }
0x45: {  	_ =	shalt  }
0x46: {  	_ =	shalt  }
0x47: {  	_ =	shalt  }
0x48: {  	_ =	shalt  }
0x49: {  	_ =	shalt  }
0x4a: {  	_ =	shalt  }
0x4b: {  	_ =	shalt  }
0x4c: {  	_ =	shalt  }
0x4d: {  	_ =	shalt  }
0x4e: {  	_ =	shalt  }
0x4f: {  	_ =	shalt  }
0x50: {  	_ =	shalt  }
0x51: {  	_ =	shalt  }
0x52: {  	_ =	shalt  }
0x53: {  	_ =	shalt  }
0x54: {  	_ =	shalt  }
0x55: {  	_ =	shalt  }
0x56: {  	_ =	shalt  }
0x57: {  	_ =	shalt  }
0x58: {  	_ =	shalt  }
0x59: {  	_ =	shalt  }
0x5a: {  	_ =	shalt  }
0x5b: {  	_ =	shalt  }
0x5c: {  	_ =	shalt  }
0x5d: {  	_ =	shalt  }
0x5e: {  	_ =	shalt  }
0x5f: {  	_ =	shalt  }
0x60: {  	_ =	shalt  }
0x61: {  	_ =	shalt  }
0x62: {  	_ =	shalt  }
0x63: {  	_ =	shalt  }
0x64: {  	_ =	shalt  }
0x65: {  	_ =	shalt  }
0x66: {  	_ =	shalt  }
0x67: {  	_ =	shalt  }
0x68: {  	_ =	shalt  }
0x69: {  	_ =	shalt  }
0x6a: {  	_ =	shalt  }
0x6b: {  	_ =	shalt  }
0x6c: {  	_ =	shalt  }
0x6d: {  	_ =	shalt  }
0x6e: {  	_ =	shalt  }
0x6f: {  	_ =	shalt  }
0x70: {  	_ =	shalt  }
0x71: {  	_ =	shalt  }
0x72: {  	_ =	shalt  }
0x73: {  	_ =	shalt  }
0x74: {  	_ =	shalt  }
0x75: {  	_ =	shalt  }
0x76: {  	_ =	shalt  }
0x77: {  	_ =	shalt  }
0x78: {  	_ =	shalt  }
0x79: {  	_ =	shalt  }
0x7a: {  	_ =	shalt  }
0x7b: {  	_ =	shalt  }
0x7c: {  	_ =	shalt  }
0x7d: {  	_ =	shalt  }
0x7e: {  	_ =	shalt  }
0x7f: {  	_ =	shalt  }
0x80: {  	_ =	shalt  }
0x81: {  	_ =	shalt  }
0x82: {  	_ =	shalt  }
0x83: {  	_ =	shalt  }
0x84: {  	_ =	shalt  }
0x85: {  	_ =	shalt  }
0x86: {  	_ =	shalt  }
0x87: {  	_ =	shalt  }
.Lfunc_end0:
.L_simem_size_0:
called_computation.1_lowered:
.L_overlay_start_0:
0x88: {  	s2 =	sld [smem:$0x3FD9]  }
0x89: {  	s3 =	sld [smem:$0x3FFE];
	_ =	sdelay $0x1  }
0x8a: {  	s1 =	srdreg.scid  }
0x8b: {  	s0 =	sand.u32 $0x1, s1  }
0x8c: {  	s14 =	sshll.u32 s0, $0xA;
	s2 =	sadd.s32 s3, s2  }
0x8d: {  	s2 =	sadd.s32 s2, s14  }
0x8e: {  	[smem:$0x3FB9] =	sst s2  }
0x8f: {  	_ = 	snop  }
0x90: {  	s2 =	sld [smem:$0x3FD0];
	_ =	sdelay $0x2  }
0x91: {  	s15 =	simm.s32 $0xA;
	s4 =	simm.s32 $0x10  }
0x92: {  	[smem:s4], [sflag:s15] =	dma.local [hbm:s2], $0x1  }
0x93: {  	_ =	swait.eq [sflag:s15], $0x1  }
0x94: {  	[sflag:s15] =	ssyncset.done $0x0  }
0x95: {  	s16 =	sld [smem:$0x10];
	[sflag:s15] =	ssyncadd.s32 $0xFFFFFFFF  }
0x96: {  	s17 =	sld [smem:$0x11];
	(tm) =	ssettm $0x1  }
0x97: {  	s18 =	sld [smem:$0x3FFB];
	_ =	sdelay $0x3  }
0x98: {  	_ =	strace s18  }
0x99: {  	s4 =	sld [smem:$0x3FFC];
	_ =	sdelay $0x3  }
0x9a: {  	_ =	strace s4  }
0x9b: {  	s4 =	sld [smem:$0x3FFD];
	_ =	sdelay $0x3  }
0x9c: {  	_ =	strace s4  }
0x9d: {  	_ =	strace $0x8FFFFFFF  }
0x9e: {  	s19 =	sld [smem:$0x3FDB];
	_ =	sdelay $0x1  }
0x9f: {  	s5 =	simm.s32 $_scs_section_size  }
0xa0: {  	s6 =	simm.s32 $_size__tile_overlayer_lowered;
	s7 =	simm.s32 $_tile_overlayer_lowered  }
0xa1: {  	s22 =	simm.s32 $0x1BFF;
	s21 =	sshll.u32 s7, $0x1;
	s4 =	sadd.s32 s5, s19  }
0xa2: {  	s8 =	simm.s32 $0x0;
	s20 =	sshll.u32 s6, $0x1;
	s6 =	sadd.s32 s21, s4  }
0xa3: {  	[timem:s8], [sflag:s22] =	dma.local [hbm:s6], s20  }
0xa4: {  	_ =	swait.ge [sflag:s22], s20  }
0xa5: {  	s5 =	ssub.s32 $0x0, s20;
	[sflag:s22] =	ssyncset.done $0x0  }
0xa6: {  	[sflag:s22] =	ssyncadd.s32 s5;
	_ =	sdelay $0x1  }
0xa7: {  	s23 =	simm.s32 $0x1B8B  }
0xa8: {  	_ =	swait.ge [sflag:s23], $0x1  }
0xa9: {  	[sflag:s23] =	ssyncset.done $0x0  }
0xaa: {  	s25 =	simm.s32 $0x1B8E;
	s24 =	sld [smem:$0x3FFE];
	[sflag:s23] =	ssyncadd.s32 $0xFFFFFFFF  }
0xab: {  	s26 =	simm.s32 $execute0_lowered;
	[smem:$0x3FD2] =	sst s25  }
0xac: {  	s6 =	sshll.u32 s26, $0x1;
	_ =	strace $0x80000049;
	[dreg:$0x1] =	wrdreg $0xFFFFFFFF  }
0xad: {  	s28 =	simm.s32 $_size_execute0_lowered;
	s4 =	sadd.s32 s4, s6;
	[dreg:$0x0] =	wrdreg $0x0  }
0xae: {  	s6 =	sshll.u32 s28, $0x1;
	[dreg:$0x2] =	wrdreg s4  }
0xaf: {  	[dreg:$0x3] =	wrdreg s6  }
0xb0: {  	[dreg:$0x4] =	wrdreg $0xC0  }
0xb1: {  	_ =	task [dreg:s8], $0x5FFFF  }
0xb2: {  	[dreg:$0x1] =	wrdreg $0xFFFFFFFF  }
0xb3: {  	[dreg:$0x0] =	wrdreg $0x60  }
0xb4: {  	[dreg:$0x2] =	wrdreg s17  }
0xb5: {  	[dreg:$0x3] =	wrdreg s24  }
0xb6: {  	[dreg:$0x4] =	wrdreg s16  }
0xb7: {  	[dreg:$0x5] =	wrdreg $0x9  }
0xb8: {  	_ =	task.clear_ibuf [dreg:s8], $0x6FFFF;
	_ =	strace $0x90000049  }
0xb9: {  	s29 =	simm.s32 $0x9;
	_ =	strace $0x8000004B  }
0xba: {  	_ =	swait.ge [sflag:s29], $0x1  }
0xbb: {  	[sflag:s29] =	ssyncadd.s32 $0xFFFFFFFF  }
0xbc: {  	_ =	strace $0x9000004B  }
0xbd: {  	_ =	sfence  }
0xbe: {  	s30 =	sld [smem:$0x0];
	_ =	sdelay $0x2  }
0xbf: {  	s31 =	sshll.u32 s1, $0xD;
	s1 =	sshrl.u32 s1, $0x2  }
0xc0: {  	s3 =	sand.u32 $0x4000, s31;
	s1 =	sadd.s32 s1, s30  }
0xc1: {  	s0 =	sor.u32 s3, s0;
	s1 =	sshll.u32 s1, $0x11  }
0xc2: {  	s0 =	sor.u32 s1, s0  }
0xc3: {  	s0 =	sadd.s32 $0x8F2B, s0  }
0xc4: {  	[sflag:s0] =	ssyncadd.remote.s32 $0x1  }
0xc5: {  	_ =	sfence.sel $0xFFFF  }
0xc6: {  	[dreg:$0x0] =	wrdreg $0xFFFFFFFF;
	(pc) =	sbr.abs _section_cstart, $3  }
0xc7: {  	[dreg:$0x1] =	wrdreg $0xFFFFFFFF  }
0xc8: {  	_ =	task.clear_ibuf [dreg:s8], $0x2FFFF;
	_ =	strace $0x9FFFFFFF  }
0xc9: {  	(tm) =	ssettm $0x7FFFFFFF  }
tec
execute0_lowered:
.L_overlay_start_1:
0x0: {  	(tag) =	ssettag $0x1  }
0x1: {  	s1 =	rddreg [dreg:$0x0]  }
0x2: {  	s5 =	rddreg [dreg:$0x1]  }
0x3: {  	s2 =	srdreg.scid;
	s0 =	stileid.u32  }
0x4: {  	s9 =	rddreg [dreg:$0x2];
	s3 =	simm.s32 $0x0;
	s14 =	simm.s32 $0x8500  }
0x5: {  	v0 =	vlaneseq.u32;
	s4 =	sand.u32 $0x1, s2;
	s6 =	sshll.u32 s0, $0x1;
	s2 =	rddreg [dreg:$0x3]  }
0x6: {  	s15 =	simm.s32 $0x0;
	v1 =	vand.u32 $0x7, v0;
	[smem:$0x7FF] =	sst s3;
	v0 =	vmul.u32 $0x10, v0;
	s6 =	sor.u32 s4, s6  }
0x7: {  	v2 =	vimm.f32 $1.000000000e+00;
	s12 =	sadd.s32 $0x16C00, s5;
	s7 =	ssub.s32 $0x2, s4;
	s8 =	smul.u32 $0x5000, s6  }
0x8: {  	v3 =	vmul.u32 $0x10, v1;
	_ =	strace $0x8000004A;
	v1 =	vimm.f32 $0.0e+00;
	s10 =	sshrl.u32 s7, $0x1;
	s11 =	smul.u32 $0x2800, s6;
	v4 =	vor.u32 $0x1, v0  }
0x9: {  	s4 =	sadd.s32 $0xCE00, s5;
	s5 =	smul.u32 $0x2710, s6;
	v5 =	vor.u32 $0x2, v0;
	v6 =	vor.u32 $0x3, v0;
	v7 =	vor.u32 $0x4, v0;
	s10 =	ssub.s32 s7, s10  }
0xa: {  	v8 =	vor.u32 $0x5, v0;
	v9 =	vor.u32 $0x6, v0;
	v10 =	vor.u32 $0x7, v0;
	s6 =	sadd.s32 s12, s8;
	s29 =	sadd.s32 $0x1400, s11;
	s30 =	sshrl.u32 s11, $0x3  }
0xb: {  	v11 =	vor.u32 $0x8, v0;
	v12 =	vor.u32 $0x9, v0;
	v13 =	vor.u32 $0xA, v0;
	s10 =	smax.u32 s10, $0x1;
	s11 =	simm.s32 $0x1;
	s31 =	sshll.u32 s29, $0x1  }
0xc: {  	v14 =	vor.u32 $0xB, v0;
	v15 =	vor.u32 $0xC, v0;
	v16 =	vor.u32 $0xD, v0;
	s13 =	sshrl.u32 s29, $0x3;
	s7 =	sadd.s32 s9, s30;
	s8 =	sadd.s32 s12, s31  }
0xd: {  	v17 =	vor.u32 $0xE, v0;
	v18 =	vor.u32 $0xF, v0;
	v3 =	vor.u32 $0xFFFFFF80, v3;
	s9 =	sadd.s32 s9, s13;
	s12 =	simm.s32 $0x800;
	s13 =	simm.s32 $0x1C500  }
.LBB2_1:
0xe: {  	s16 =	simm.s32 $0x40;
	s17 =	simm.s32 $0x0  }
.LBB2_2:
0xf: {  	p0 =	sne.s32 s16, $0x4FFC0;
	[tilespmem:s17+$0x8500] =	vst v1;
	s17 =	smov.u32 s16;
	s16 =	sadd.s32 $0x40, s16  }
.Ltmp0:
0x10: {  	(pc) =	sbr.rel @p0 .LBB2_2-.Ltmp0, $2  }
0x11: {  	_ =	sdelay $0x2  }
0x12: {  	s17 =	sshra.s32 s17, $0x2  }
0x13: {  	[tilespmem:s17+$0x8500] =	vst v1;
	s16 =	simm.s32 $0x0;
	s17 =	simm.s32 $0x40;
	s18 =	simm.s32 $0x0  }
.LBB2_4:
0x14: {  	p0 =	sne.s32 s17, $0x4FC0;
	[tilespmem:s18+$0x1C500] =	vst v1;
	s18 =	smov.u32 s17;
	s17 =	sadd.s32 $0x40, s17  }
.Ltmp1:
0x15: {  	(pc) =	sbr.rel @p0 .LBB2_4-.Ltmp1, $2  }
0x16: {  	_ =	sdelay $0x2  }
0x17: {  	s18 =	sshra.s32 s18, $0x2  }
0x18: {  	[tilespmem:s18+$0x1C500] =	vst v1  }
.LBB2_6:
0x19: {  	s17 =	smul.u32 $0x7D0, s16;
	_ =	sdelay $0x1  }
0x1a: {  	s18 =	sadd.s32 s5, s17  }
0x1b: {  	s17 =	sshrl.u32 s18, $0x3  }
0x1c: {  	s19 =	sadd.s32 s4, s17;
	s17 =	simm.s32 $0x0  }
0x1d: {  	[tilespmem:s17], [sflag:$0x1] =	stream.linear.gather [hbm4b:s19+s17], $0x7D0, $0x38;
	[tilespmem:$0x1D900] =	vst v63  }
0x1e: {  	_ =	swait.ge [sflag:s11], $0x7D0  }
0x1f: {  	s18 =	sshll.u32 s18, $0x1;
	[sflag:s11] =	ssyncset.done $0x0  }
0x20: {  	s18 =	sadd.s32 s1, s18;
	[sflag:s11] =	ssyncadd.s32 $0xFFFFF830  }
0x21: {  	[tilespmem:s12], [sflag:$0x1] =	stream.linear.gather [hbm4b:s18+s17], $0x7D00, $0x38;
	[tilespmem:$0x1D900] =	vst v63  }
0x22: {  	_ =	swait.ge [sflag:s11], $0x7D00  }
0x23: {  	[sflag:s11] =	ssyncset.done $0x0  }
0x24: {  	[sflag:s11] =	ssyncadd.s32 $0xFFFF8300  }
0x25: {  	v19 =	vld [tilespmem:s17+$0x0];
	_ =	sdelay $0x4  }
0x26: {  	vm0 =	vlt.u32 v19, $0x1400  }
0x27: {  	v20 =	vor.u32 s17, v0;
	v19 =	vnsel vm0, $0x0, v19  }
0x28: {  	v20 =	vand.u32 v3, v20;
	_ =	sdelay $0x3  }
0x29: {  	[tilespmem:v19+s13+$0x0] =	vst.idx.add.f32.msk vm0, v2  }
0x2a: {  	v19 =	vshll.u32 v19, $0x4;
	v20 =	vld.idx.msk [tilespmem:v20+s12+$0x0], $0xffff  }
0x2b: {  	v21 =	vor.u32 s17, v4;
	_ =	sdelay $0x3  }
0x2c: {  	[tilespmem:v19+s14+$0x0] =	vst.idx.add.f32.msk vm0, v20  }
0x2d: {  	v20 =	vld.idx.msk [tilespmem:v21+s12+$0x0], $0xffff;
	v21 =	vor.u32 $0x1, v19  }
0x2e: {  	v22 =	vor.u32 s17, v5;
	_ =	sdelay $0x3  }
0x2f: {  	[tilespmem:v21+s14+$0x0] =	vst.idx.add.f32.msk vm0, v20  }
0x30: {  	v21 =	vor.u32 $0x2, v19;
	v20 =	vld.idx.msk [tilespmem:v22+s12+$0x0], $0xffff  }
0x31: {  	v22 =	vor.u32 s17, v6;
	_ =	sdelay $0x3  }
0x32: {  	[tilespmem:v21+s14+$0x0] =	vst.idx.add.f32.msk vm0, v20  }
0x33: {  	v21 =	vor.u32 $0x3, v19;
	v20 =	vld.idx.msk [tilespmem:v22+s12+$0x0], $0xffff  }
0x34: {  	v22 =	vor.u32 s17, v7;
	_ =	sdelay $0x3  }
0x35: {  	[tilespmem:v21+s14+$0x0] =	vst.idx.add.f32.msk vm0, v20  }
0x36: {  	v21 =	vor.u32 $0x4, v19;
	v20 =	vld.idx.msk [tilespmem:v22+s12+$0x0], $0xffff  }
0x37: {  	v22 =	vor.u32 s17, v8;
	_ =	sdelay $0x3  }
0x38: {  	[tilespmem:v21+s14+$0x0] =	vst.idx.add.f32.msk vm0, v20  }
0x39: {  	v21 =	vor.u32 $0x5, v19;
	v20 =	vld.idx.msk [tilespmem:v22+s12+$0x0], $0xffff  }
0x3a: {  	v22 =	vor.u32 s17, v9;
	_ =	sdelay $0x3  }
0x3b: {  	[tilespmem:v21+s14+$0x0] =	vst.idx.add.f32.msk vm0, v20  }
0x3c: {  	v21 =	vor.u32 $0x6, v19;
	v20 =	vld.idx.msk [tilespmem:v22+s12+$0x0], $0xffff  }
0x3d: {  	v22 =	vor.u32 s17, v10;
	_ =	sdelay $0x3  }
0x3e: {  	[tilespmem:v21+s14+$0x0] =	vst.idx.add.f32.msk vm0, v20  }
0x3f: {  	v21 =	vor.u32 $0x7, v19;
	v20 =	vld.idx.msk [tilespmem:v22+s12+$0x0], $0xffff  }
0x40: {  	v22 =	vor.u32 s17, v11;
	_ =	sdelay $0x3  }
0x41: {  	[tilespmem:v21+s14+$0x0] =	vst.idx.add.f32.msk vm0, v20  }
0x42: {  	v21 =	vor.u32 $0x8, v19;
	v20 =	vld.idx.msk [tilespmem:v22+s12+$0x0], $0xffff  }
0x43: {  	v22 =	vor.u32 s17, v12;
	_ =	sdelay $0x3  }
0x44: {  	[tilespmem:v21+s14+$0x0] =	vst.idx.add.f32.msk vm0, v20  }
0x45: {  	v21 =	vor.u32 $0x9, v19;
	v20 =	vld.idx.msk [tilespmem:v22+s12+$0x0], $0xffff  }
0x46: {  	v22 =	vor.u32 s17, v13;
	_ =	sdelay $0x3  }
0x47: {  	[tilespmem:v21+s14+$0x0] =	vst.idx.add.f32.msk vm0, v20  }
0x48: {  	v21 =	vor.u32 $0xA, v19;
	v20 =	vld.idx.msk [tilespmem:v22+s12+$0x0], $0xffff  }
0x49: {  	v22 =	vor.u32 s17, v14;
	_ =	sdelay $0x3  }
0x4a: {  	[tilespmem:v21+s14+$0x0] =	vst.idx.add.f32.msk vm0, v20  }
0x4b: {  	v21 =	vor.u32 $0xB, v19;
	v20 =	vld.idx.msk [tilespmem:v22+s12+$0x0], $0xffff  }
0x4c: {  	v22 =	vor.u32 s17, v15;
	_ =	sdelay $0x3  }
0x4d: {  	[tilespmem:v21+s14+$0x0] =	vst.idx.add.f32.msk vm0, v20  }
0x4e: {  	v21 =	vor.u32 $0xC, v19;
	v20 =	vld.idx.msk [tilespmem:v22+s12+$0x0], $0xffff  }
0x4f: {  	v22 =	vor.u32 s17, v16;
	_ =	sdelay $0x3  }
0x50: {  	[tilespmem:v21+s14+$0x0] =	vst.idx.add.f32.msk vm0, v20  }
0x51: {  	v21 =	vor.u32 $0xD, v19;
	v20 =	vld.idx.msk [tilespmem:v22+s12+$0x0], $0xffff  }
0x52: {  	v22 =	vor.u32 s17, v17;
	_ =	sdelay $0x3  }
0x53: {  	[tilespmem:v21+s14+$0x0] =	vst.idx.add.f32.msk vm0, v20  }
0x54: {  	v21 =	vor.u32 $0xE, v19;
	v20 =	vld.idx.msk [tilespmem:v22+s12+$0x0], $0xffff  }
0x55: {  	v22 =	vor.u32 s17, v18;
	_ =	sdelay $0x3  }
0x56: {  	[tilespmem:v21+s14+$0x0] =	vst.idx.add.f32.msk vm0, v20  }
0x57: {  	s18 =	simm.s32 $0x100;
	v19 =	vor.u32 $0xF, v19;
	v20 =	vld.idx.msk [tilespmem:v22+s12+$0x0], $0xffff  }
.LBB2_7:
0x58: {  	_ =	sdelay $0x2  }
0x59: {  	p0 =	sne.s32 s18, $0x7C00  }
0x5a: {  	s17 =	sadd.s32 $0x10, s17;
	s19 =	smov.u32 s18;
	s18 =	sadd.s32 $0x100, s18;
	[tilespmem:v19+s14+$0x0] =	vst.idx.add.f32.msk vm0, v20  }
0x5b: {  	v19 =	vld [tilespmem:s17+$0x0];
	_ =	sdelay $0x4  }
0x5c: {  	vm0 =	vlt.u32 v19, $0x1400  }
0x5d: {  	v20 =	vor.u32 s19, v0;
	v19 =	vnsel vm0, $0x0, v19  }
0x5e: {  	v20 =	vand.u32 v3, v20;
	_ =	sdelay $0x3  }
0x5f: {  	[tilespmem:v19+s13+$0x0] =	vst.idx.add.f32.msk vm0, v2  }
0x60: {  	v20 =	vld.idx.msk [tilespmem:v20+s12+$0x0], $0xffff  }
0x61: {  	v19 =	vshll.u32 v19, $0x4  }
0x62: {  	v21 =	vor.u32 s19, v4;
	_ =	sdelay $0x3  }
0x63: {  	[tilespmem:v19+s14+$0x0] =	vst.idx.add.f32.msk vm0, v20  }
0x64: {  	v20 =	vld.idx.msk [tilespmem:v21+s12+$0x0], $0xffff  }
0x65: {  	v21 =	vor.u32 $0x1, v19  }
0x66: {  	v22 =	vor.u32 s19, v5;
	_ =	sdelay $0x3  }
0x67: {  	[tilespmem:v21+s14+$0x0] =	vst.idx.add.f32.msk vm0, v20  }
0x68: {  	v20 =	vld.idx.msk [tilespmem:v22+s12+$0x0], $0xffff  }
0x69: {  	v21 =	vor.u32 $0x2, v19  }
0x6a: {  	v22 =	vor.u32 s19, v6;
	_ =	sdelay $0x3  }
0x6b: {  	[tilespmem:v21+s14+$0x0] =	vst.idx.add.f32.msk vm0, v20  }
0x6c: {  	v20 =	vld.idx.msk [tilespmem:v22+s12+$0x0], $0xffff  }
0x6d: {  	v21 =	vor.u32 $0x3, v19  }
0x6e: {  	v22 =	vor.u32 s19, v7;
	_ =	sdelay $0x3  }
0x6f: {  	[tilespmem:v21+s14+$0x0] =	vst.idx.add.f32.msk vm0, v20  }
0x70: {  	v20 =	vld.idx.msk [tilespmem:v22+s12+$0x0], $0xffff  }
0x71: {  	v21 =	vor.u32 $0x4, v19  }
0x72: {  	v22 =	vor.u32 s19, v8;
	_ =	sdelay $0x3  }
0x73: {  	[tilespmem:v21+s14+$0x0] =	vst.idx.add.f32.msk vm0, v20  }
0x74: {  	v20 =	vld.idx.msk [tilespmem:v22+s12+$0x0], $0xffff  }
0x75: {  	v21 =	vor.u32 $0x5, v19  }
0x76: {  	v22 =	vor.u32 s19, v9;
	_ =	sdelay $0x3  }
0x77: {  	[tilespmem:v21+s14+$0x0] =	vst.idx.add.f32.msk vm0, v20  }
0x78: {  	v20 =	vld.idx.msk [tilespmem:v22+s12+$0x0], $0xffff  }
0x79: {  	v21 =	vor.u32 $0x6, v19  }
0x7a: {  	v22 =	vor.u32 s19, v10;
	_ =	sdelay $0x3  }
0x7b: {  	[tilespmem:v21+s14+$0x0] =	vst.idx.add.f32.msk vm0, v20  }
0x7c: {  	v20 =	vld.idx.msk [tilespmem:v22+s12+$0x0], $0xffff  }
0x7d: {  	v21 =	vor.u32 $0x7, v19  }
0x7e: {  	v22 =	vor.u32 s19, v11;
	_ =	sdelay $0x3  }
0x7f: {  	[tilespmem:v21+s14+$0x0] =	vst.idx.add.f32.msk vm0, v20  }
0x80: {  	v20 =	vld.idx.msk [tilespmem:v22+s12+$0x0], $0xffff  }
0x81: {  	v21 =	vor.u32 $0x8, v19  }
0x82: {  	v22 =	vor.u32 s19, v12;
	_ =	sdelay $0x3  }
0x83: {  	[tilespmem:v21+s14+$0x0] =	vst.idx.add.f32.msk vm0, v20  }
0x84: {  	v20 =	vld.idx.msk [tilespmem:v22+s12+$0x0], $0xffff  }
0x85: {  	v21 =	vor.u32 $0x9, v19  }
0x86: {  	v22 =	vor.u32 s19, v13;
	_ =	sdelay $0x3  }
0x87: {  	[tilespmem:v21+s14+$0x0] =	vst.idx.add.f32.msk vm0, v20  }
0x88: {  	v20 =	vld.idx.msk [tilespmem:v22+s12+$0x0], $0xffff  }
0x89: {  	v21 =	vor.u32 $0xA, v19  }
0x8a: {  	v22 =	vor.u32 s19, v14;
	_ =	sdelay $0x3  }
0x8b: {  	[tilespmem:v21+s14+$0x0] =	vst.idx.add.f32.msk vm0, v20  }
0x8c: {  	v20 =	vld.idx.msk [tilespmem:v22+s12+$0x0], $0xffff  }
0x8d: {  	v21 =	vor.u32 $0xB, v19  }
0x8e: {  	v22 =	vor.u32 s19, v15;
	_ =	sdelay $0x3  }
0x8f: {  	[tilespmem:v21+s14+$0x0] =	vst.idx.add.f32.msk vm0, v20  }
0x90: {  	v20 =	vld.idx.msk [tilespmem:v22+s12+$0x0], $0xffff  }
0x91: {  	v21 =	vor.u32 $0xC, v19  }
0x92: {  	v22 =	vor.u32 s19, v16;
	_ =	sdelay $0x3  }
0x93: {  	[tilespmem:v21+s14+$0x0] =	vst.idx.add.f32.msk vm0, v20  }
0x94: {  	v20 =	vld.idx.msk [tilespmem:v22+s12+$0x0], $0xffff  }
0x95: {  	v21 =	vor.u32 $0xD, v19  }
0x96: {  	v22 =	vor.u32 s19, v17;
	_ =	sdelay $0x3  }
0x97: {  	[tilespmem:v21+s14+$0x0] =	vst.idx.add.f32.msk vm0, v20  }
0x98: {  	v20 =	vld.idx.msk [tilespmem:v22+s12+$0x0], $0xffff  }
0x99: {  	v21 =	vor.u32 $0xE, v19  }
0x9a: {  	v22 =	vor.u32 s19, v18;
	_ =	sdelay $0x1  }
.Ltmp2:
0x9b: {  	(pc) =	sbr.rel @p0 .LBB2_7-.Ltmp2, $4  }
0x9c: {  	_ = 	snop  }
0x9d: {  	[tilespmem:v21+s14+$0x0] =	vst.idx.add.f32.msk vm0, v20  }
0x9e: {  	v20 =	vld.idx.msk [tilespmem:v22+s12+$0x0], $0xffff  }
0x9f: {  	v19 =	vor.u32 $0xF, v19  }
0xa0: {  	s16 =	sadd.s32 $0x1, s16  }
0xa1: {  	p0 =	sne.s32 s16, $0x5  }
.Ltmp3:
0xa2: {  	_ = 	snop;
	(pc) =	sbr.rel @p0 .LBB2_6-.Ltmp3, $2  }
0xa3: {  	_ =	sdelay $0x2  }
0xa4: {  	[tilespmem:v19+s14+$0x0] =	vst.idx.add.f32.msk vm0, v20  }
0xa5: {  	s16 =	simm.s32 $0x0  }
0xa6: {  	[hbm4b:s6+s16] =	stream.linear.scatter [tilespmem:s14], [sflag:$0x1], $0x14000, $0x38;
	[tilespmem:$0x1D900] =	vst v63  }
0xa7: {  	_ =	swait.ge [sflag:s11], $0x14000  }
0xa8: {  	[sflag:s11] =	ssyncset.done $0x0  }
0xa9: {  	[sflag:s11] =	ssyncadd.s32 $0xFFFEC000  }
0xaa: {  	[hbm4b:s7+s16] =	stream.linear.scatter [tilespmem:s13], [sflag:$0x1], $0x1400, $0x38;
	[tilespmem:$0x1D900] =	vst v63  }
0xab: {  	_ =	swait.ge [sflag:s11], $0x1400  }
0xac: {  	[sflag:s11] =	ssyncset.done $0x0  }
0xad: {  	s17 =	simm.s32 $0x0;
	s16 =	simm.s32 $0x40;
	[sflag:s11] =	ssyncadd.s32 $0xFFFFEC00  }
.LBB2_10:
0xae: {  	p0 =	sne.s32 s16, $0x4FFC0;
	[tilespmem:s17+$0x8500] =	vst v1;
	s17 =	smov.u32 s16;
	s16 =	sadd.s32 $0x40, s16  }
.Ltmp4:
0xaf: {  	(pc) =	sbr.rel @p0 .LBB2_10-.Ltmp4, $2  }
0xb0: {  	_ =	sdelay $0x2  }
0xb1: {  	s17 =	sshra.s32 s17, $0x2  }
0xb2: {  	[tilespmem:s17+$0x8500] =	vst v1;
	s16 =	simm.s32 $0x40;
	s17 =	simm.s32 $0x0  }
.LBB2_12:
0xb3: {  	p0 =	sne.s32 s16, $0x4FC0;
	[tilespmem:s17+$0x1C500] =	vst v1;
	s17 =	smov.u32 s16;
	s16 =	sadd.s32 $0x40, s16  }
.Ltmp5:
0xb4: {  	(pc) =	sbr.rel @p0 .LBB2_12-.Ltmp5, $2  }
0xb5: {  	_ =	sdelay $0x2  }
0xb6: {  	s17 =	sshra.s32 s17, $0x2  }
0xb7: {  	[tilespmem:s17+$0x1C500] =	vst v1;
	s16 =	simm.s32 $0x0;
	s17 =	simm.s32 $0x0  }
.LBB2_14:
0xb8: {  	s18 =	smul.u32 $0x7D0, s17;
	_ =	sdelay $0x1  }
0xb9: {  	s18 =	sadd.s32 s5, s18  }
0xba: {  	s19 =	sshrl.u32 s18, $0x3  }
0xbb: {  	s19 =	sadd.s32 s4, s19  }
0xbc: {  	[tilespmem:s16], [sflag:$0x1] =	stream.linear.gather [hbm4b:s19+s16], $0x7D0, $0x38;
	[tilespmem:$0x1D900] =	vst v63  }
0xbd: {  	_ =	swait.ge [sflag:s11], $0x7D0  }
0xbe: {  	s18 =	sshll.u32 s18, $0x1;
	[sflag:s11] =	ssyncset.done $0x0  }
0xbf: {  	s18 =	sadd.s32 s1, s18;
	[sflag:s11] =	ssyncadd.s32 $0xFFFFF830  }
0xc0: {  	[tilespmem:s12], [sflag:$0x1] =	stream.linear.gather [hbm4b:s18+s16], $0x7D00, $0x38;
	[tilespmem:$0x1D900] =	vst v63  }
0xc1: {  	_ =	swait.ge [sflag:s11], $0x7D00  }
0xc2: {  	[sflag:s11] =	ssyncset.done $0x0  }
0xc3: {  	[sflag:s11] =	ssyncadd.s32 $0xFFFF8300  }
0xc4: {  	v19 =	vld [tilespmem:s16+$0x0];
	_ =	sdelay $0x4  }
0xc5: {  	v19 =	vadd.s32 $0xFFFFEC00, v19  }
0xc6: {  	vm0 =	vlt.u32 v19, $0x1400  }
0xc7: {  	v20 =	vor.u32 s16, v0;
	v19 =	vnsel vm0, $0x0, v19  }
0xc8: {  	v20 =	vand.u32 v3, v20;
	_ =	sdelay $0x3  }
0xc9: {  	[tilespmem:v19+s13+$0x0] =	vst.idx.add.f32.msk vm0, v2  }
0xca: {  	v19 =	vshll.u32 v19, $0x4;
	v20 =	vld.idx.msk [tilespmem:v20+s12+$0x0], $0xffff  }
0xcb: {  	v21 =	vor.u32 s16, v4;
	_ =	sdelay $0x3  }
0xcc: {  	[tilespmem:v19+s14+$0x0] =	vst.idx.add.f32.msk vm0, v20  }
0xcd: {  	v20 =	vld.idx.msk [tilespmem:v21+s12+$0x0], $0xffff;
	v21 =	vor.u32 $0x1, v19  }
0xce: {  	v22 =	vor.u32 s16, v5;
	_ =	sdelay $0x3  }
0xcf: {  	[tilespmem:v21+s14+$0x0] =	vst.idx.add.f32.msk vm0, v20  }
0xd0: {  	v21 =	vor.u32 $0x2, v19;
	v20 =	vld.idx.msk [tilespmem:v22+s12+$0x0], $0xffff  }
0xd1: {  	v22 =	vor.u32 s16, v6;
	_ =	sdelay $0x3  }
0xd2: {  	[tilespmem:v21+s14+$0x0] =	vst.idx.add.f32.msk vm0, v20  }
0xd3: {  	v21 =	vor.u32 $0x3, v19;
	v20 =	vld.idx.msk [tilespmem:v22+s12+$0x0], $0xffff  }
0xd4: {  	v22 =	vor.u32 s16, v7;
	_ =	sdelay $0x3  }
0xd5: {  	[tilespmem:v21+s14+$0x0] =	vst.idx.add.f32.msk vm0, v20  }
0xd6: {  	v21 =	vor.u32 $0x4, v19;
	v20 =	vld.idx.msk [tilespmem:v22+s12+$0x0], $0xffff  }
0xd7: {  	v22 =	vor.u32 s16, v8;
	_ =	sdelay $0x3  }
0xd8: {  	[tilespmem:v21+s14+$0x0] =	vst.idx.add.f32.msk vm0, v20  }
0xd9: {  	v21 =	vor.u32 $0x5, v19;
	v20 =	vld.idx.msk [tilespmem:v22+s12+$0x0], $0xffff  }
0xda: {  	v22 =	vor.u32 s16, v9;
	_ =	sdelay $0x3  }
0xdb: {  	[tilespmem:v21+s14+$0x0] =	vst.idx.add.f32.msk vm0, v20  }
0xdc: {  	v21 =	vor.u32 $0x6, v19;
	v20 =	vld.idx.msk [tilespmem:v22+s12+$0x0], $0xffff  }
0xdd: {  	v22 =	vor.u32 s16, v10;
	_ =	sdelay $0x3  }
0xde: {  	[tilespmem:v21+s14+$0x0] =	vst.idx.add.f32.msk vm0, v20  }
0xdf: {  	v21 =	vor.u32 $0x7, v19;
	v20 =	vld.idx.msk [tilespmem:v22+s12+$0x0], $0xffff  }
0xe0: {  	v22 =	vor.u32 s16, v11;
	_ =	sdelay $0x3  }
0xe1: {  	[tilespmem:v21+s14+$0x0] =	vst.idx.add.f32.msk vm0, v20  }
0xe2: {  	v21 =	vor.u32 $0x8, v19;
	v20 =	vld.idx.msk [tilespmem:v22+s12+$0x0], $0xffff  }
0xe3: {  	v22 =	vor.u32 s16, v12;
	_ =	sdelay $0x3  }
0xe4: {  	[tilespmem:v21+s14+$0x0] =	vst.idx.add.f32.msk vm0, v20  }
0xe5: {  	v21 =	vor.u32 $0x9, v19;
	v20 =	vld.idx.msk [tilespmem:v22+s12+$0x0], $0xffff  }
0xe6: {  	v22 =	vor.u32 s16, v13;
	_ =	sdelay $0x3  }
0xe7: {  	[tilespmem:v21+s14+$0x0] =	vst.idx.add.f32.msk vm0, v20  }
0xe8: {  	v21 =	vor.u32 $0xA, v19;
	v20 =	vld.idx.msk [tilespmem:v22+s12+$0x0], $0xffff  }
0xe9: {  	v22 =	vor.u32 s16, v14;
	_ =	sdelay $0x3  }
0xea: {  	[tilespmem:v21+s14+$0x0] =	vst.idx.add.f32.msk vm0, v20  }
0xeb: {  	v21 =	vor.u32 $0xB, v19;
	v20 =	vld.idx.msk [tilespmem:v22+s12+$0x0], $0xffff  }
0xec: {  	v22 =	vor.u32 s16, v15;
	_ =	sdelay $0x3  }
0xed: {  	[tilespmem:v21+s14+$0x0] =	vst.idx.add.f32.msk vm0, v20  }
0xee: {  	v21 =	vor.u32 $0xC, v19;
	v20 =	vld.idx.msk [tilespmem:v22+s12+$0x0], $0xffff  }
0xef: {  	v22 =	vor.u32 s16, v16;
	_ =	sdelay $0x3  }
0xf0: {  	[tilespmem:v21+s14+$0x0] =	vst.idx.add.f32.msk vm0, v20  }
0xf1: {  	v21 =	vor.u32 $0xD, v19;
	v20 =	vld.idx.msk [tilespmem:v22+s12+$0x0], $0xffff  }
0xf2: {  	v22 =	vor.u32 s16, v17;
	_ =	sdelay $0x3  }
0xf3: {  	[tilespmem:v21+s14+$0x0] =	vst.idx.add.f32.msk vm0, v20  }
0xf4: {  	v21 =	vor.u32 $0xE, v19;
	v20 =	vld.idx.msk [tilespmem:v22+s12+$0x0], $0xffff  }
0xf5: {  	v22 =	vor.u32 s16, v18;
	_ =	sdelay $0x3  }
0xf6: {  	[tilespmem:v21+s14+$0x0] =	vst.idx.add.f32.msk vm0, v20  }
0xf7: {  	s19 =	simm.s32 $0x0;
	s18 =	simm.s32 $0x100;
	v19 =	vor.u32 $0xF, v19;
	v20 =	vld.idx.msk [tilespmem:v22+s12+$0x0], $0xffff  }
.LBB2_15:
0xf8: {  	_ =	sdelay $0x2  }
0xf9: {  	p0 =	sne.s32 s18, $0x7C00  }
0xfa: {  	s19 =	sadd.s32 $0x10, s19;
	s20 =	smov.u32 s18;
	s18 =	sadd.s32 $0x100, s18;
	[tilespmem:v19+s14+$0x0] =	vst.idx.add.f32.msk vm0, v20  }
0xfb: {  	v19 =	vld [tilespmem:s19+$0x0];
	_ =	sdelay $0x4  }
0xfc: {  	v19 =	vadd.s32 $0xFFFFEC00, v19  }
0xfd: {  	vm0 =	vlt.u32 v19, $0x1400  }
0xfe: {  	v20 =	vor.u32 s20, v0;
	v19 =	vnsel vm0, $0x0, v19  }
0xff: {  	v20 =	vand.u32 v3, v20;
	_ =	sdelay $0x3  }
0x100: {  	[tilespmem:v19+s13+$0x0] =	vst.idx.add.f32.msk vm0, v2  }
0x101: {  	v20 =	vld.idx.msk [tilespmem:v20+s12+$0x0], $0xffff  }
0x102: {  	v19 =	vshll.u32 v19, $0x4  }
0x103: {  	v21 =	vor.u32 s20, v4;
	_ =	sdelay $0x3  }
0x104: {  	[tilespmem:v19+s14+$0x0] =	vst.idx.add.f32.msk vm0, v20  }
0x105: {  	v20 =	vld.idx.msk [tilespmem:v21+s12+$0x0], $0xffff  }
0x106: {  	v21 =	vor.u32 $0x1, v19  }
0x107: {  	v22 =	vor.u32 s20, v5;
	_ =	sdelay $0x3  }
0x108: {  	[tilespmem:v21+s14+$0x0] =	vst.idx.add.f32.msk vm0, v20  }
0x109: {  	v20 =	vld.idx.msk [tilespmem:v22+s12+$0x0], $0xffff  }
0x10a: {  	v21 =	vor.u32 $0x2, v19  }
0x10b: {  	v22 =	vor.u32 s20, v6;
	_ =	sdelay $0x3  }
0x10c: {  	[tilespmem:v21+s14+$0x0] =	vst.idx.add.f32.msk vm0, v20  }
0x10d: {  	v20 =	vld.idx.msk [tilespmem:v22+s12+$0x0], $0xffff  }
0x10e: {  	v21 =	vor.u32 $0x3, v19  }
0x10f: {  	v22 =	vor.u32 s20, v7;
	_ =	sdelay $0x3  }
0x110: {  	[tilespmem:v21+s14+$0x0] =	vst.idx.add.f32.msk vm0, v20  }
0x111: {  	v20 =	vld.idx.msk [tilespmem:v22+s12+$0x0], $0xffff  }
0x112: {  	v21 =	vor.u32 $0x4, v19  }
0x113: {  	v22 =	vor.u32 s20, v8;
	_ =	sdelay $0x3  }
0x114: {  	[tilespmem:v21+s14+$0x0] =	vst.idx.add.f32.msk vm0, v20  }
0x115: {  	v20 =	vld.idx.msk [tilespmem:v22+s12+$0x0], $0xffff  }
0x116: {  	v21 =	vor.u32 $0x5, v19  }
0x117: {  	v22 =	vor.u32 s20, v9;
	_ =	sdelay $0x3  }
0x118: {  	[tilespmem:v21+s14+$0x0] =	vst.idx.add.f32.msk vm0, v20  }
0x119: {  	v20 =	vld.idx.msk [tilespmem:v22+s12+$0x0], $0xffff  }
0x11a: {  	v21 =	vor.u32 $0x6, v19  }
0x11b: {  	v22 =	vor.u32 s20, v10;
	_ =	sdelay $0x3  }
0x11c: {  	[tilespmem:v21+s14+$0x0] =	vst.idx.add.f32.msk vm0, v20  }
0x11d: {  	v20 =	vld.idx.msk [tilespmem:v22+s12+$0x0], $0xffff  }
0x11e: {  	v21 =	vor.u32 $0x7, v19  }
0x11f: {  	v22 =	vor.u32 s20, v11;
	_ =	sdelay $0x3  }
0x120: {  	[tilespmem:v21+s14+$0x0] =	vst.idx.add.f32.msk vm0, v20  }
0x121: {  	v20 =	vld.idx.msk [tilespmem:v22+s12+$0x0], $0xffff  }
0x122: {  	v21 =	vor.u32 $0x8, v19  }
0x123: {  	v22 =	vor.u32 s20, v12;
	_ =	sdelay $0x3  }
0x124: {  	[tilespmem:v21+s14+$0x0] =	vst.idx.add.f32.msk vm0, v20  }
0x125: {  	v20 =	vld.idx.msk [tilespmem:v22+s12+$0x0], $0xffff  }
0x126: {  	v21 =	vor.u32 $0x9, v19  }
0x127: {  	v22 =	vor.u32 s20, v13;
	_ =	sdelay $0x3  }
0x128: {  	[tilespmem:v21+s14+$0x0] =	vst.idx.add.f32.msk vm0, v20  }
0x129: {  	v20 =	vld.idx.msk [tilespmem:v22+s12+$0x0], $0xffff  }
0x12a: {  	v21 =	vor.u32 $0xA, v19  }
0x12b: {  	v22 =	vor.u32 s20, v14;
	_ =	sdelay $0x3  }
0x12c: {  	[tilespmem:v21+s14+$0x0] =	vst.idx.add.f32.msk vm0, v20  }
0x12d: {  	v20 =	vld.idx.msk [tilespmem:v22+s12+$0x0], $0xffff  }
0x12e: {  	v21 =	vor.u32 $0xB, v19  }
0x12f: {  	v22 =	vor.u32 s20, v15;
	_ =	sdelay $0x3  }
0x130: {  	[tilespmem:v21+s14+$0x0] =	vst.idx.add.f32.msk vm0, v20  }
0x131: {  	v20 =	vld.idx.msk [tilespmem:v22+s12+$0x0], $0xffff  }
0x132: {  	v21 =	vor.u32 $0xC, v19  }
0x133: {  	v22 =	vor.u32 s20, v16;
	_ =	sdelay $0x3  }
0x134: {  	[tilespmem:v21+s14+$0x0] =	vst.idx.add.f32.msk vm0, v20  }
0x135: {  	v20 =	vld.idx.msk [tilespmem:v22+s12+$0x0], $0xffff  }
0x136: {  	v21 =	vor.u32 $0xD, v19  }
0x137: {  	v22 =	vor.u32 s20, v17;
	_ =	sdelay $0x3  }
0x138: {  	[tilespmem:v21+s14+$0x0] =	vst.idx.add.f32.msk vm0, v20  }
0x139: {  	v20 =	vld.idx.msk [tilespmem:v22+s12+$0x0], $0xffff  }
0x13a: {  	v21 =	vor.u32 $0xE, v19  }
0x13b: {  	v22 =	vor.u32 s20, v18;
	_ =	sdelay $0x1  }
.Ltmp6:
0x13c: {  	(pc) =	sbr.rel @p0 .LBB2_15-.Ltmp6, $4  }
0x13d: {  	_ = 	snop  }
0x13e: {  	[tilespmem:v21+s14+$0x0] =	vst.idx.add.f32.msk vm0, v20  }
0x13f: {  	v20 =	vld.idx.msk [tilespmem:v22+s12+$0x0], $0xffff  }
0x140: {  	v19 =	vor.u32 $0xF, v19  }
0x141: {  	s17 =	sadd.s32 $0x1, s17  }
0x142: {  	p0 =	sne.s32 s17, $0x5  }
.Ltmp7:
0x143: {  	_ = 	snop;
	(pc) =	sbr.rel @p0 .LBB2_14-.Ltmp7, $2  }
0x144: {  	_ =	sdelay $0x2  }
0x145: {  	[tilespmem:v19+s14+$0x0] =	vst.idx.add.f32.msk vm0, v20  }
0x146: {  	[hbm4b:s8+s3] =	stream.linear.scatter [tilespmem:s14], [sflag:$0x1], $0x14000, $0x38;
	[tilespmem:$0x1D900] =	vst v63  }
0x147: {  	s15 =	sadd.s32 $0x1, s15;
	_ =	swait.ge [sflag:s11], $0x14000  }
0x148: {  	p0 =	sne.s32 s15, s10;
	[sflag:s11] =	ssyncset.done $0x0  }
.Ltmp8:
0x149: {  	[sflag:s11] =	ssyncadd.s32 $0xFFFEC000;
	(pc) =	sbr.rel @p0 .LBB2_1-.Ltmp8, $4  }
0x14a: {  	[hbm4b:s9+s3] =	stream.linear.scatter [tilespmem:s13], [sflag:$0x1], $0x1400, $0x38;
	[tilespmem:$0x1D900] =	vst v63  }
0x14b: {  	_ =	swait.ge [sflag:s11], $0x1400  }
0x14c: {  	[sflag:s11] =	ssyncset.done $0x0  }
0x14d: {  	[sflag:s11] =	ssyncadd.s32 $0xFFFFEC00  }
0x14e: {  	_ =	sfence.sel $0x180000  }
0x14f: {  	[bflag:$0x0] =	sbarrier.arrive $0xFFFF  }
0x150: {  	p0 =	sne.s32 s0, $0x0;
	_ =	strace $0x9000004A  }
0x151: {  	s0 =	sadd.s32 @!p0 $0x100000, s2;
	[bflag:$0x2] =	sbarrier.arrive $0xFFFF  }
0x152: {  	[sflag:s0] =	ssyncadd.tile.s32 @!p0 $0x1;
	_ =	shalt  }
.Lfunc_end2:
_tile_overlayer_lowered:
.L_overlay_start_2:
0x153: {  	(tag) =	ssettag $0x2  }
0x154: {  	s0 =	rddreg [dreg:$0x0];
	s2 =	stileid.u32  }
0x155: {  	s1 =	rddreg [dreg:$0x1];
	p0 =	sne.s32 s2, $0x0  }
0x156: {  	s3 =	rddreg [dreg:$0x2];
	[bflag:$0x3] =	sbarrier.arrive $0xFFFF;
	s2 =	simm.s32 @!p0 $0x1C01  }
0x157: {  	[timem:s3], [sflag:s2] =	dma.local @!p0 [hbm:s0], s1  }
0x158: {  	s0 =	simm.s32 @!p0 $0x1  }
0x159: {  	_ =	swait.ge @!p0 [sflag:s0], s1  }
0x15a: {  	s1 =	ssub.s32 @!p0 $0x0, s1;
	[sflag:s0] =	ssyncset.done @!p0 $0x0  }
0x15b: {  	[sflag:s0] =	ssyncadd.s32 @!p0 s1  }
0x15c: {  	[bflag:$0x3] =	sbarrier.arrive $0xFFFF  }
0x15d: {  	_ =	shalt  }

// kernel: kernel.14.cloned.1.call-start
scs
__scs_entry_jumppad:
0x0: {  	(pc) =	sbr.rel $0x88, $3  }
0x1: {  	(tag) =	ssettag $0x0;
	lr =	simm.s32 $0x1  }
0x2: {  	[smem:$0x3F92] =	sst lr;
	_ =	strace $0xD0000000  }
0x3: {  	_ = 	snop  }
0x4: {  	_ = 	snop  }
0x5: {  	_ = 	snop  }
0x6: {  	_ = 	snop  }
0x7: {  	_ = 	snop  }
__scs_overlays_trampoline_lowered:
0x8: {  	[smem:$0x3FA1] =	sst s0  }
0x9: {  	[smem:$0x3FA2] =	sst s1  }
0xa: {  	[smem:$0x3FA3] =	sst s2  }
0xb: {  	[smem:$0x3FA4] =	sst s3  }
0xc: {  	[smem:$0x3FA5] =	sst s4  }
0xd: {  	[smem:$0x3FA6] =	sst s5  }
0xe: {  	[smem:$0x3FA7] =	sst s6  }
0xf: {  	[smem:$0x3FA8] =	sst s7  }
0x10: {  	[smem:$0x3FA9] =	sst s8  }
0x11: {  	[smem:$0x3FAA] =	sst s9;
	s0 =	simm.s32 @!p0 $0x0  }
0x12: {  	s1 =	sld [smem:$0x3F90];
	s0 =	simm.s32 @p0 $0x1  }
0x13: {  	[smem:$0x3FAB] =	sst s0;
	s0 =	simm.s32 @!p1 $0x0  }
0x14: {  	s2 =	sld [smem:$0x3F8F];
	s0 =	simm.s32 @p1 $0x1  }
0x15: {  	[smem:$0x3FAC] =	sst s0;
	s0 =	simm.s32 @!p2 $0x0  }
0x16: {  	s3 =	sld [smem:$0x3FDB];
	s0 =	simm.s32 @p2 $0x1  }
0x17: {  	s4 =	simm.s32 $0x1BF5;
	[smem:$0x3FAE] =	sst s0  }
0x18: {  	s0 =	sld [smem:$0x3F91];
	_ =	swait.ge [sflag:s4], $0x0  }
0x19: {  	s7 =	sld [smem:$0x3F92]  }
0x1a: {  	s8 =	sadd.s32 $0xFFFFE003, lr  }
0x1b: {  	s9 =	sadd.s32 $0xFFFFFEF7, lr;
	s5 =	simm.s32 $0xFFFFFFFF;
	p2 =	slt.u32 s8, $0xFFFFF086  }
0x1c: {  	p1 =	slt.u32 s9, $0xF7A;
	s5 =	simm.s32 @!p2 $0x0  }
0x1d: {  	s5 =	simm.s32 @p1 $0x1;
	p0 =	seq.s32 s7, s2  }
0x1e: {  	s7 =	smul.u32 @!p0 $0xF7A, s2;
	p2 =	seq.s32 @!p0 s5, $0x0  }
0x1f: {  	s9 =	smul.u32 $0xF7A, s1;
	s8 =	simm.s32 @!p0 $0x1BF5;
	p2 =	por !p2, p0  }
0x20: {  	[sflag:s8] =	ssyncset.s32 @!p0 $0xFFFFF086;
	s6 =	sadd.s32 @!p0 s3, s7;
	s7 =	simm.s32 @!p0 $0x108  }
0x21: {  	s3 =	sadd.s32 s3, s9;
	s6 =	sadd.s32 @!p0 $0x88, s6;
	s7 =	simm.s32 @p2 $0x1082  }
0x22: {  	[simem:s7], [sflag:s8] =	dma.local @!p0 [hbm:s6], $0xF7A  }
0x23: {  	s9 =	sor.u32 $0xD0000000, s2;
	s6 =	simm.s32 $0x108;
	_ =	swait.ge @!p0 [sflag:s8], $0x0  }
0x24: {  	s3 =	sadd.s32 $0x88, s3;
	s6 =	simm.s32 @!p1 $0x1082;
	[sflag:s4] =	ssyncset.s32 $0xFFFFF086  }
0x25: {  	[simem:s6], [sflag:s4] =	dma.local [hbm:s3], $0xF7A  }
0x26: {  	[smem:$0x3F92] =	sst s1;
	(tag) =	ssettag s2;
	_ =	strace s9  }
0x27: {  	s1 =	sld [smem:$0x3FA2]  }
0x28: {  	s2 =	sld [smem:$0x3FA3]  }
0x29: {  	s4 =	sld [smem:$0x3FA5]  }
0x2a: {  	p0 =	seq.s32 s5, $0x0;
	s5 =	sld [smem:$0x3FA6]  }
0x2b: {  	s6 =	sld [smem:$0x3FA7]  }
0x2c: {  	s7 =	sld [smem:$0x3FA8]  }
0x2d: {  	s3 =	simm.s32 $0x108;
	s8 =	sld [smem:$0x3FA9]  }
0x2e: {  	s3 =	simm.s32 @!p0 $0x1082;
	s9 =	sld [smem:$0x3FAA]  }
0x2f: {  	lr =	sadd.s32 s0, s3;
	s0 =	sld [smem:$0x3FA1]  }
0x30: {  	s3 =	sld [smem:$0x3FA4]  }
0x31: {  	[smem:$0x3FAD] =	sst s10  }
0x32: {  	s10 =	sld [smem:$0x3FAB];
	_ =	sdelay $0x3  }
0x33: {  	p0 =	seq.s32 s10, $0x1;
	s10 =	sld [smem:$0x3FAD];
	_ =	sdelay $0x3  }
0x34: {  	[smem:$0x3FAD] =	sst s10  }
0x35: {  	s10 =	sld [smem:$0x3FAC];
	_ =	sdelay $0x3  }
0x36: {  	p1 =	seq.s32 s10, $0x1;
	s10 =	sld [smem:$0x3FAD];
	_ =	sdelay $0x3  }
0x37: {  	[smem:$0x3FAD] =	sst s10  }
0x38: {  	s10 =	sld [smem:$0x3FAE]  }
0x39: {  	_ = 	snop;
	(pc) =	sbr.ind lr, $3  }
0x3a: {  	_ = 	snop  }
0x3b: {  	_ = 	snop  }
0x3c: {  	p2 =	seq.s32 s10, $0x1;
	s10 =	sld [smem:$0x3FAD]  }
0x3d: {  	_ =	shalt  }
0x3e: {  	_ =	shalt  }
0x3f: {  	_ =	shalt  }
0x40: {  	_ =	shalt  }
0x41: {  	_ =	shalt  }
0x42: {  	_ =	shalt  }
0x43: {  	_ =	shalt  }
0x44: {  	_ =	shalt  }
0x45: {  	_ =	shalt  }
0x46: {  	_ =	shalt  }
0x47: {  	_ =	shalt  }
0x48: {  	_ =	shalt  }
0x49: {  	_ =	shalt  }
0x4a: {  	_ =	shalt  }
0x4b: {  	_ =	shalt  }
0x4c: {  	_ =	shalt  }
0x4d: {  	_ =	shalt  }
0x4e: {  	_ =	shalt  }
0x4f: {  	_ =	shalt  }
0x50: {  	_ =	shalt  }
0x51: {  	_ =	shalt  }
0x52: {  	_ =	shalt  }
0x53: {  	_ =	shalt  }
0x54: {  	_ =	shalt  }
0x55: {  	_ =	shalt  }
0x56: {  	_ =	shalt  }
0x57: {  	_ =	shalt  }
0x58: {  	_ =	shalt  }
0x59: {  	_ =	shalt  }
0x5a: {  	_ =	shalt  }
0x5b: {  	_ =	shalt  }
0x5c: {  	_ =	shalt  }
0x5d: {  	_ =	shalt  }
0x5e: {  	_ =	shalt  }
0x5f: {  	_ =	shalt  }
0x60: {  	_ =	shalt  }
0x61: {  	_ =	shalt  }
0x62: {  	_ =	shalt  }
0x63: {  	_ =	shalt  }
0x64: {  	_ =	shalt  }
0x65: {  	_ =	shalt  }
0x66: {  	_ =	shalt  }
0x67: {  	_ =	shalt  }
0x68: {  	_ =	shalt  }
0x69: {  	_ =	shalt  }
0x6a: {  	_ =	shalt  }
0x6b: {  	_ =	shalt  }
0x6c: {  	_ =	shalt  }
0x6d: {  	_ =	shalt  }
0x6e: {  	_ =	shalt  }
0x6f: {  	_ =	shalt  }
0x70: {  	_ =	shalt  }
0x71: {  	_ =	shalt  }
0x72: {  	_ =	shalt  }
0x73: {  	_ =	shalt  }
0x74: {  	_ =	shalt  }
0x75: {  	_ =	shalt  }
0x76: {  	_ =	shalt  }
0x77: {  	_ =	shalt  }
0x78: {  	_ =	shalt  }
0x79: {  	_ =	shalt  }
0x7a: {  	_ =	shalt  }
0x7b: {  	_ =	shalt  }
0x7c: {  	_ =	shalt  }
0x7d: {  	_ =	shalt  }
0x7e: {  	_ =	shalt  }
0x7f: {  	_ =	shalt  }
0x80: {  	_ =	shalt  }
0x81: {  	_ =	shalt  }
0x82: {  	_ =	shalt  }
0x83: {  	_ =	shalt  }
0x84: {  	_ =	shalt  }
0x85: {  	_ =	shalt  }
0x86: {  	_ =	shalt  }
0x87: {  	_ =	shalt  }
.Lfunc_end0:
.L_simem_size_0:
called_computation.2_lowered:
.L_overlay_start_0:
0x88: {  	s2 =	sld [smem:$0x3FD9]  }
0x89: {  	s3 =	sld [smem:$0x3FFE];
	_ =	sdelay $0x1  }
0x8a: {  	s1 =	srdreg.scid  }
0x8b: {  	s0 =	sand.u32 $0x1, s1  }
0x8c: {  	s14 =	sshll.u32 s0, $0xA;
	s2 =	sadd.s32 s3, s2  }
0x8d: {  	s2 =	sadd.s32 s2, s14  }
0x8e: {  	[smem:$0x3FB9] =	sst s2  }
0x8f: {  	_ = 	snop  }
0x90: {  	s2 =	sld [smem:$0x3FD0];
	_ =	sdelay $0x2  }
0x91: {  	s15 =	simm.s32 $0xA;
	s4 =	simm.s32 $0x10  }
0x92: {  	[smem:s4], [sflag:s15] =	dma.local [hbm:s2], $0x1  }
0x93: {  	_ =	swait.eq [sflag:s15], $0x1  }
0x94: {  	[sflag:s15] =	ssyncset.done $0x0  }
0x95: {  	[sflag:s15] =	ssyncadd.s32 $0xFFFFFFFF  }
0x96: {  	s16 =	sld [smem:$0x10];
	(tm) =	ssettm $0x1  }
0x97: {  	s17 =	sld [smem:$0x3FFB];
	_ =	sdelay $0x3  }
0x98: {  	_ =	strace s17  }
0x99: {  	s3 =	sld [smem:$0x3FFC];
	_ =	sdelay $0x3  }
0x9a: {  	_ =	strace s3  }
0x9b: {  	s3 =	sld [smem:$0x3FFD];
	_ =	sdelay $0x3  }
0x9c: {  	_ =	strace s3  }
0x9d: {  	_ =	strace $0x8FFFFFFF  }
0x9e: {  	s18 =	sld [smem:$0x3FDB];
	_ =	sdelay $0x1  }
0x9f: {  	s19 =	simm.s32 $_scs_section_size  }
0xa0: {  	s5 =	simm.s32 $_size__tile_overlayer_lowered;
	s6 =	simm.s32 $_tile_overlayer_lowered  }
0xa1: {  	s22 =	simm.s32 $0x1BFF;
	s21 =	sshll.u32 s6, $0x1;
	s3 =	sadd.s32 s19, s18  }
0xa2: {  	s7 =	simm.s32 $0x0;
	s20 =	sshll.u32 s5, $0x1;
	s5 =	sadd.s32 s21, s3  }
0xa3: {  	[timem:s7], [sflag:s22] =	dma.local [hbm:s5], s20  }
0xa4: {  	_ =	swait.ge [sflag:s22], s20  }
0xa5: {  	s4 =	ssub.s32 $0x0, s20;
	[sflag:s22] =	ssyncset.done $0x0  }
0xa6: {  	[sflag:s22] =	ssyncadd.s32 s4;
	_ =	sdelay $0x1  }
0xa7: {  	s23 =	simm.s32 $0x1B8B  }
0xa8: {  	_ =	swait.ge [sflag:s23], $0x1  }
0xa9: {  	[sflag:s23] =	ssyncset.done $0x0  }
0xaa: {  	s25 =	simm.s32 $0x1B8E;
	s24 =	sld [smem:$0x3FFE];
	[sflag:s23] =	ssyncadd.s32 $0xFFFFFFFF  }
0xab: {  	s26 =	simm.s32 $execute0_lowered;
	[smem:$0x3FD2] =	sst s25  }
0xac: {  	s5 =	sshll.u32 s26, $0x1;
	_ =	strace $0x8000004C;
	[dreg:$0x1] =	wrdreg $0xFFFFFFFF  }
0xad: {  	s28 =	simm.s32 $_size_execute0_lowered;
	s3 =	sadd.s32 s3, s5;
	[dreg:$0x0] =	wrdreg $0x0  }
0xae: {  	s5 =	sshll.u32 s28, $0x1;
	[dreg:$0x2] =	wrdreg s3  }
0xaf: {  	[dreg:$0x3] =	wrdreg s5  }
0xb0: {  	[dreg:$0x4] =	wrdreg $0xC0  }
0xb1: {  	_ =	task [dreg:s7], $0x5FFFF  }
0xb2: {  	[dreg:$0x1] =	wrdreg $0xFFFFFFFF  }
0xb3: {  	[dreg:$0x0] =	wrdreg $0x60  }
0xb4: {  	[dreg:$0x2] =	wrdreg s24  }
0xb5: {  	[dreg:$0x3] =	wrdreg s16  }
0xb6: {  	[dreg:$0x4] =	wrdreg $0x9  }
0xb7: {  	_ =	task.clear_ibuf [dreg:s7], $0x5FFFF;
	_ =	strace $0x9000004C  }
0xb8: {  	s29 =	simm.s32 $0x9;
	_ =	strace $0x8000004E  }
0xb9: {  	_ =	swait.ge [sflag:s29], $0x1  }
0xba: {  	[sflag:s29] =	ssyncadd.s32 $0xFFFFFFFF  }
0xbb: {  	_ =	strace $0x9000004E  }
0xbc: {  	_ =	sfence  }
0xbd: {  	s30 =	sld [smem:$0x0];
	_ =	sdelay $0x2  }
0xbe: {  	s31 =	sshll.u32 s1, $0xD;
	s1 =	sshrl.u32 s1, $0x2  }
0xbf: {  	s3 =	sand.u32 $0x4000, s31;
	s1 =	sadd.s32 s1, s30  }
0xc0: {  	s0 =	sor.u32 s3, s0;
	s1 =	sshll.u32 s1, $0x11  }
0xc1: {  	s0 =	sor.u32 s1, s0  }
0xc2: {  	s0 =	sadd.s32 $0x8F2B, s0  }
0xc3: {  	[sflag:s0] =	ssyncadd.remote.s32 $0x1  }
0xc4: {  	_ =	sfence.sel $0xFFFF  }
0xc5: {  	[dreg:$0x0] =	wrdreg $0xFFFFFFFF;
	(pc) =	sbr.abs _section_cstart, $3  }
0xc6: {  	[dreg:$0x1] =	wrdreg $0xFFFFFFFF  }
0xc7: {  	_ =	task.clear_ibuf [dreg:s7], $0x2FFFF;
	_ =	strace $0x9FFFFFFF  }
0xc8: {  	(tm) =	ssettm $0x7FFFFFFF  }
0xc9: {  	_ =	shalt  }
tec
execute0_lowered:
.L_overlay_start_1:
0x0: {  	(tag) =	ssettag $0x1  }
0x1: {  	s5 =	rddreg [dreg:$0x0];
	s1 =	srdreg.scid  }
0x2: {  	s0 =	stileid.u32;
	s2 =	rddreg [dreg:$0x1];
	s3 =	simm.s32 $0x0  }
0x3: {  	s10 =	simm.s32 $0x1;
	s11 =	simm.s32 $0x2980;
	s12 =	simm.s32 $0x2800  }
0x4: {  	s13 =	simm.s32 $0x0;
	s6 =	sand.u32 $0x1, s1;
	s4 =	sshll.u32 s0, $0x1  }
0x5: {  	s1 =	rddreg [dreg:$0x2];
	s7 =	sor.u32 s6, s4;
	s6 =	ssub.s32 $0x2, s6  }
0x6: {  	[smem:$0x7FF] =	sst s3;
	s8 =	smul.u32 $0x280, s7;
	s9 =	sshrl.u32 s6, $0x1  }
0x7: {  	_ =	strace $0x8000004D;
	s9 =	ssub.s32 s6, s9;
	s6 =	smul.u32 $0x1400, s7  }
0x8: {  	s4 =	sadd.s32 $0x16C00, s5;
	s8 =	sadd.s32 s8, s5;
	s5 =	smul.u32 $0x140, s7  }
0x9: {  	v0 =	vimm.f32 $0.0e+00;
	s7 =	sadd.s32 $0x3000, s8;
	s8 =	smax.u32 s9, $0x1;
	s9 =	simm.s32 $0x1400  }
.LBB2_1:
0xa: {  	s14 =	simm.s32 $0x40;
	s15 =	simm.s32 $0x0  }
.LBB2_2:
0xb: {  	p0 =	sne.s32 s14, $0x4FC0;
	[tilespmem:s15+$0x0] =	vst v0;
	s15 =	smov.u32 s14;
	s14 =	sadd.s32 $0x40, s14  }
.Ltmp0:
0xc: {  	(pc) =	sbr.rel @p0 .LBB2_2-.Ltmp0, $2  }
0xd: {  	_ =	sdelay $0x2  }
0xe: {  	s15 =	sshra.s32 s15, $0x2  }
0xf: {  	[tilespmem:s15+$0x0] =	vst v0  }
0x10: {  	[tilespmem:$0x2800] =	vst v0  }
0x11: {  	[tilespmem:$0x2810] =	vst v0  }
0x12: {  	[tilespmem:$0x2820] =	vst v0  }
0x13: {  	[tilespmem:$0x2830] =	vst v0  }
0x14: {  	[tilespmem:$0x2840] =	vst v0  }
0x15: {  	[tilespmem:$0x2850] =	vst v0  }
0x16: {  	[tilespmem:$0x2860] =	vst v0  }
0x17: {  	[tilespmem:$0x2870] =	vst v0  }
0x18: {  	[tilespmem:$0x2880] =	vst v0  }
0x19: {  	[tilespmem:$0x2890] =	vst v0  }
0x1a: {  	[tilespmem:$0x28A0] =	vst v0  }
0x1b: {  	[tilespmem:$0x28B0] =	vst v0  }
0x1c: {  	[tilespmem:$0x28C0] =	vst v0  }
0x1d: {  	[tilespmem:$0x28D0] =	vst v0  }
0x1e: {  	[tilespmem:$0x28E0] =	vst v0  }
0x1f: {  	[tilespmem:$0x28F0] =	vst v0  }
0x20: {  	[tilespmem:$0x2900] =	vst v0  }
0x21: {  	[tilespmem:$0x2910] =	vst v0  }
0x22: {  	[tilespmem:$0x2920] =	vst v0  }
0x23: {  	s14 =	simm.s32 $0x0;
	s15 =	simm.s32 $0x0;
	[tilespmem:$0x2930] =	vst v0  }
.LBB2_4:
0x24: {  	s16 =	smul.u32 $0x28000, s15;
	_ =	sdelay $0x1  }
0x25: {  	s16 =	sadd.s32 s6, s16  }
0x26: {  	s16 =	sshrl.u32 s16, $0x3  }
0x27: {  	s17 =	smul.u32 $0x2800, s15;
	s16 =	sadd.s32 s4, s16  }
0x28: {  	[tilespmem:s9], [sflag:$0x1] =	stream.linear.gather [hbm4b:s16+s14], $0x1400, $0x38;
	[tilespmem:$0x2B00] =	vst v63  }
0x29: {  	s31 =	sadd.s32 s5, s17;
	_ =	swait.ge [sflag:s10], $0x1400  }
0x2a: {  	s16 =	sshrl.u32 s31, $0x3;
	[sflag:s10] =	ssyncset.done $0x0  }
0x2b: {  	s16 =	sadd.s32 s2, s16;
	[sflag:s10] =	ssyncadd.s32 $0xFFFFEC00  }
0x2c: {  	[tilespmem:s11], [sflag:$0x1] =	stream.linear.gather [hbm4b:s16+s14], $0x140, $0x38;
	[tilespmem:$0x2B00] =	vst v63  }
0x2d: {  	_ =	swait.ge [sflag:s10], $0x140  }
0x2e: {  	[sflag:s10] =	ssyncset.done $0x0  }
0x2f: {  	s16 =	simm.s32 $0x0;
	[sflag:s10] =	ssyncadd.s32 $0xFFFFFEC0  }
0x30: {  	s17 =	simm.s32 $0x40;
	v1 =	vld [tilespmem:s16+$0x1400]  }
.LBB2_5:
0x31: {  	p0 =	sne.s32 s17, $0x4FC0;
	v2 =	vld [tilespmem:s16+$0x0];
	_ =	sdelay $0x2  }
.Ltmp1:
0x32: {  	(pc) =	sbr.rel @p0 .LBB2_5-.Ltmp1, $4  }
0x33: {  	_ = 	snop  }
0x34: {  	v2 =	vadd.f32 v1, v2  }
0x35: {  	s18 =	sshra.s32 s17, $0x2  }
0x36: {  	s17 =	sadd.s32 $0x40, s17;
	v1 =	vld [tilespmem:s18+$0x1400];
	[tilespmem:s16+$0x0] =	vst v2;
	s16 =	smov.u32 s18  }
0x37: {  	v2 =	vld [tilespmem:s16+$0x0];
	_ =	sdelay $0x4  }
0x38: {  	v1 =	vadd.f32 v1, v2;
	_ =	sdelay $0x1  }
0x39: {  	[tilespmem:s16+$0x0] =	vst v1;
	s16 =	simm.s32 $0x0  }
0x3a: {  	s17 =	simm.s32 $0x40;
	v1 =	vld [tilespmem:s16+$0x2980]  }
.LBB2_7:
0x3b: {  	p0 =	sne.s32 s17, $0x4C0;
	v2 =	vld [tilespmem:s16+$0x2800];
	_ =	sdelay $0x2  }
.Ltmp2:
0x3c: {  	(pc) =	sbr.rel @p0 .LBB2_7-.Ltmp2, $4  }
0x3d: {  	_ = 	snop  }
0x3e: {  	v2 =	vadd.f32 v1, v2  }
0x3f: {  	s18 =	sshra.s32 s17, $0x2  }
0x40: {  	s17 =	sadd.s32 $0x40, s17;
	v1 =	vld [tilespmem:s18+$0x2980];
	[tilespmem:s16+$0x2800] =	vst v2;
	s16 =	smov.u32 s18  }
0x41: {  	v2 =	vld [tilespmem:s16+$0x2800]  }
0x42: {  	s15 =	sadd.s32 $0x1, s15  }
0x43: {  	p0 =	sne.s32 s15, $0x20  }
.Ltmp3:
0x44: {  	_ = 	snop;
	(pc) =	sbr.rel @p0 .LBB2_4-.Ltmp3, $3  }
0x45: {  	_ = 	snop  }
0x46: {  	v1 =	vadd.f32 v1, v2;
	_ =	sdelay $0x1  }
0x47: {  	[tilespmem:s16+$0x2800] =	vst v1  }
0x48: {  	s14 =	simm.s32 $0x0  }
0x49: {  	v1 =	vmov s14;
	_ =	sdelay $0x4  }
0x4a: {  	v1 =	vld.idx.msk [tilespmem:v1+s12+$0x0], $0xffff;
	_ =	sdelay $0x4  }
0x4b: {  	v1 =	vmax.f32 v1, $1.000000000e+00  }
0x4c: {  	(erf) = vrcp.f32 v1;
	_ =	sdelay $0x4  }
0x4d: {  	v2 =	vld [tilespmem:s14+$0x0];
	_ =	sdelay $0x1  }
0x4e: {  	s15 =	simm.s32 $0x1  }
0x4f: {  	v1 =	vmov s15;
	s15 =	simm.s32 $0x2  }
.LBB2_10:
0x50: {  	p0 =	sne.s32 s15, $0x13F;
	v3 =	vpop (erf)  }
0x51: {  	v2 =	vmul.f32 v3, v2;
	_ =	sdelay $0x1  }
0x52: {  	[tilespmem:s14+$0x0] =	vst v2  }
0x53: {  	v1 =	vld.idx.msk [tilespmem:v1+s12+$0x0], $0xffff;
	_ =	sdelay $0x5  }
0x54: {  	v1 =	vmax.f32 v1, $1.000000000e+00  }
0x55: {  	(erf) = vrcp.f32 v1;
	_ =	sdelay $0x3  }
.Ltmp4:
0x56: {  	s14 =	sadd.s32 $0x10, s14;
	(pc) =	sbr.rel @p0 .LBB2_10-.Ltmp4, $2  }
0x57: {  	v2 =	vld [tilespmem:s14+$0x0];
	_ =	sdelay $0x2  }
0x58: {  	v1 =	vmov s15;
	s15 =	sadd.s32 $0x1, s15  }
0x59: {  	v3 =	vpop (erf)  }
0x5a: {  	v2 =	vmul.f32 v3, v2;
	_ =	sdelay $0x1  }
0x5b: {  	[tilespmem:s14+$0x0] =	vst v2  }
0x5c: {  	v1 =	vld.idx.msk [tilespmem:v1+s12+$0x0], $0xffff;
	_ =	sdelay $0x4  }
0x5d: {  	v1 =	vmax.f32 v1, $1.000000000e+00  }
0x5e: {  	(erf) = vrcp.f32 v1;
	_ =	sdelay $0x3  }
0x5f: {  	s31 =	sadd.s32 $0x10, s14  }
0x60: {  	v1 =	vld [tilespmem:s31+$0x0];
	_ =	sdelay $0x3  }
0x61: {  	v2 =	vpop (erf)  }
0x62: {  	s13 =	sadd.s32 $0x1, s13;
	v1 =	vmul.f32 v2, v1  }
0x63: {  	p0 =	sne.s32 s13, s8  }
.Ltmp5:
0x64: {  	[tilespmem:s31+$0x0] =	vst v1;
	(pc) =	sbr.rel @p0 .LBB2_1-.Ltmp5, $4  }
0x65: {  	[hbm4b:s7+s3] =	stream.linear.scatter [tilespmem:s3], [sflag:$0x1], $0x1400, $0x38;
	[tilespmem:$0x2B00] =	vst v63  }
0x66: {  	_ =	swait.ge [sflag:s10], $0x1400  }
0x67: {  	[sflag:s10] =	ssyncset.done $0x0  }
0x68: {  	[sflag:s10] =	ssyncadd.s32 $0xFFFFEC00  }
0x69: {  	_ =	sfence.sel $0x180000  }
0x6a: {  	[bflag:$0x0] =	sbarrier.arrive $0xFFFF  }
0x6b: {  	p0 =	sne.s32 s0, $0x0;
	_ =	strace $0x9000004D  }
0x6c: {  	s0 =	sadd.s32 @!p0 $0x100000, s1;
	[bflag:$0x2] =	sbarrier.arrive $0xFFFF  }
0x6d: {  	[sflag:s0] =	ssyncadd.tile.s32 @!p0 $0x1;
	_ =	shalt  }
.Lfunc_end2:
_tile_overlayer_lowered:
.L_overlay_start_2:
0x6e: {  	(tag) =	ssettag $0x2  }
0x6f: {  	s0 =	rddreg [dreg:$0x0];
	s2 =	stileid.u32  }
0x70: {  	s1 =	rddreg [dreg:$0x1];
	p0 =	sne.s32 s2, $0x0  }
0x71: {  	s3 =	rddreg [dreg:$0x2];
	[bflag:$0x3] =	sbarrier.arrive $0xFFFF;
	s2 =	simm.s32 @!p0 $0x1C01  }
0x72: {  	[timem:s3], [sflag:s2] =	dma.local @!p0 [hbm:s0], s1  }
0x73: {  	s0 =	simm.s32 @!p0 $0x1  }
0x74: {  	_ =	swait.ge @!p0 [sflag:s0], s1  }
0x75: {  	s1 =	ssub.s32 @!p0 $0x0, s1;
	[sflag:s0] =	ssyncset.done @!p0 $0x0  }
0x76: {  	[sflag:s0] =	ssyncadd.s32 @!p0 s1  }
0x77: {  	[bflag:$0x3] =	sbarrier.arrive $0xFFFF  }
0x78: {  	_ =	shalt  }

// kernel: kernel.8.cloned.1.call-start
scs
__scs_entry_jumppad:
0x0: {  	(pc) =	sbr.rel $0x88, $3  }
0x1: {  	(tag) =	ssettag $0x0;
	lr =	simm.s32 $0x1  }
0x2: {  	[smem:$0x3F92] =	sst lr;
	_ =	strace $0xD0000000  }
0x3: {  	_ = 	snop  }
0x4: {  	_ = 	snop  }
0x5: {  	_ = 	snop  }
0x6: {  	_ = 	snop  }
0x7: {  	_ = 	snop  }
__scs_overlays_trampoline_lowered:
0x8: {  	[smem:$0x3FA1] =	sst s0  }
0x9: {  	[smem:$0x3FA2] =	sst s1  }
0xa: {  	[smem:$0x3FA3] =	sst s2  }
0xb: {  	[smem:$0x3FA4] =	sst s3  }
0xc: {  	[smem:$0x3FA5] =	sst s4  }
0xd: {  	[smem:$0x3FA6] =	sst s5  }
0xe: {  	[smem:$0x3FA7] =	sst s6  }
0xf: {  	[smem:$0x3FA8] =	sst s7  }
0x10: {  	[smem:$0x3FA9] =	sst s8  }
0x11: {  	[smem:$0x3FAA] =	sst s9;
	s0 =	simm.s32 @!p0 $0x0  }
0x12: {  	s1 =	sld [smem:$0x3F90];
	s0 =	simm.s32 @p0 $0x1  }
0x13: {  	[smem:$0x3FAB] =	sst s0;
	s0 =	simm.s32 @!p1 $0x0  }
0x14: {  	s2 =	sld [smem:$0x3F8F];
	s0 =	simm.s32 @p1 $0x1  }
0x15: {  	[smem:$0x3FAC] =	sst s0;
	s0 =	simm.s32 @!p2 $0x0  }
0x16: {  	s3 =	sld [smem:$0x3FDB];
	s0 =	simm.s32 @p2 $0x1  }
0x17: {  	s4 =	simm.s32 $0x1BF5;
	[smem:$0x3FAE] =	sst s0  }
0x18: {  	s0 =	sld [smem:$0x3F91];
	_ =	swait.ge [sflag:s4], $0x0  }
0x19: {  	s7 =	sld [smem:$0x3F92]  }
0x1a: {  	s8 =	sadd.s32 $0xFFFFE003, lr  }
0x1b: {  	s9 =	sadd.s32 $0xFFFFFEF7, lr;
	s5 =	simm.s32 $0xFFFFFFFF;
	p2 =	slt.u32 s8, $0xFFFFF086  }
0x1c: {  	p1 =	slt.u32 s9, $0xF7A;
	s5 =	simm.s32 @!p2 $0x0  }
0x1d: {  	s5 =	simm.s32 @p1 $0x1;
	p0 =	seq.s32 s7, s2  }
0x1e: {  	s7 =	smul.u32 @!p0 $0xF7A, s2;
	p2 =	seq.s32 @!p0 s5, $0x0  }
0x1f: {  	s9 =	smul.u32 $0xF7A, s1;
	s8 =	simm.s32 @!p0 $0x1BF5;
	p2 =	por !p2, p0  }
0x20: {  	[sflag:s8] =	ssyncset.s32 @!p0 $0xFFFFF086;
	s6 =	sadd.s32 @!p0 s3, s7;
	s7 =	simm.s32 @!p0 $0x108  }
0x21: {  	s3 =	sadd.s32 s3, s9;
	s6 =	sadd.s32 @!p0 $0x88, s6;
	s7 =	simm.s32 @p2 $0x1082  }
0x22: {  	[simem:s7], [sflag:s8] =	dma.local @!p0 [hbm:s6], $0xF7A  }
0x23: {  	s9 =	sor.u32 $0xD0000000, s2;
	s6 =	simm.s32 $0x108;
	_ =	swait.ge @!p0 [sflag:s8], $0x0  }
0x24: {  	s3 =	sadd.s32 $0x88, s3;
	s6 =	simm.s32 @!p1 $0x1082;
	[sflag:s4] =	ssyncset.s32 $0xFFFFF086  }
0x25: {  	[simem:s6], [sflag:s4] =	dma.local [hbm:s3], $0xF7A  }
0x26: {  	[smem:$0x3F92] =	sst s1;
	(tag) =	ssettag s2;
	_ =	strace s9  }
0x27: {  	s1 =	sld [smem:$0x3FA2]  }
0x28: {  	s2 =	sld [smem:$0x3FA3]  }
0x29: {  	s4 =	sld [smem:$0x3FA5]  }
0x2a: {  	p0 =	seq.s32 s5, $0x0;
	s5 =	sld [smem:$0x3FA6]  }
0x2b: {  	s6 =	sld [smem:$0x3FA7]  }
0x2c: {  	s7 =	sld [smem:$0x3FA8]  }
0x2d: {  	s3 =	simm.s32 $0x108;
	s8 =	sld [smem:$0x3FA9]  }
0x2e: {  	s3 =	simm.s32 @!p0 $0x1082;
	s9 =	sld [smem:$0x3FAA]  }
0x2f: {  	lr =	sadd.s32 s0, s3;
	s0 =	sld [smem:$0x3FA1]  }
0x30: {  	s3 =	sld [smem:$0x3FA4]  }
0x31: {  	[smem:$0x3FAD] =	sst s10  }
0x32: {  	s10 =	sld [smem:$0x3FAB];
	_ =	sdelay $0x3  }
0x33: {  	p0 =	seq.s32 s10, $0x1;
	s10 =	sld [smem:$0x3FAD];
	_ =	sdelay $0x3  }
0x34: {  	[smem:$0x3FAD] =	sst s10  }
0x35: {  	s10 =	sld [smem:$0x3FAC];
	_ =	sdelay $0x3  }
0x36: {  	p1 =	seq.s32 s10, $0x1;
	s10 =	sld [smem:$0x3FAD];
	_ =	sdelay $0x3  }
0x37: {  	[smem:$0x3FAD] =	sst s10  }
0x38: {  	s10 =	sld [smem:$0x3FAE]  }
0x39: {  	_ = 	snop;
	(pc) =	sbr.ind lr, $3  }
0x3a: {  	_ = 	snop  }
0x3b: {  	_ = 	snop  }
0x3c: {  	p2 =	seq.s32 s10, $0x1;
	s10 =	sld [smem:$0x3FAD]  }
0x3d: {  	_ =	shalt  }
0x3e: {  	_ =	shalt  }
0x3f: {  	_ =	shalt  }
0x40: {  	_ =	shalt  }
0x41: {  	_ =	shalt  }
0x42: {  	_ =	shalt  }
0x43: {  	_ =	shalt  }
0x44: {  	_ =	shalt  }
0x45: {  	_ =	shalt  }
0x46: {  	_ =	shalt  }
0x47: {  	_ =	shalt  }
0x48: {  	_ =	shalt  }
0x49: {  	_ =	shalt  }
0x4a: {  	_ =	shalt  }
0x4b: {  	_ =	shalt  }
0x4c: {  	_ =	shalt  }
0x4d: {  	_ =	shalt  }
0x4e: {  	_ =	shalt  }
0x4f: {  	_ =	shalt  }
0x50: {  	_ =	shalt  }
0x51: {  	_ =	shalt  }
0x52: {  	_ =	shalt  }
0x53: {  	_ =	shalt  }
0x54: {  	_ =	shalt  }
0x55: {  	_ =	shalt  }
0x56: {  	_ =	shalt  }
0x57: {  	_ =	shalt  }
0x58: {  	_ =	shalt  }
0x59: {  	_ =	shalt  }
0x5a: {  	_ =	shalt  }
0x5b: {  	_ =	shalt  }
0x5c: {  	_ =	shalt  }
0x5d: {  	_ =	shalt  }
0x5e: {  	_ =	shalt  }
0x5f: {  	_ =	shalt  }
0x60: {  	_ =	shalt  }
0x61: {  	_ =	shalt  }
0x62: {  	_ =	shalt  }
0x63: {  	_ =	shalt  }
0x64: {  	_ =	shalt  }
0x65: {  	_ =	shalt  }
0x66: {  	_ =	shalt  }
0x67: {  	_ =	shalt  }
0x68: {  	_ =	shalt  }
0x69: {  	_ =	shalt  }
0x6a: {  	_ =	shalt  }
0x6b: {  	_ =	shalt  }
0x6c: {  	_ =	shalt  }
0x6d: {  	_ =	shalt  }
0x6e: {  	_ =	shalt  }
0x6f: {  	_ =	shalt  }
0x70: {  	_ =	shalt  }
0x71: {  	_ =	shalt  }
0x72: {  	_ =	shalt  }
0x73: {  	_ =	shalt  }
0x74: {  	_ =	shalt  }
0x75: {  	_ =	shalt  }
0x76: {  	_ =	shalt  }
0x77: {  	_ =	shalt  }
0x78: {  	_ =	shalt  }
0x79: {  	_ =	shalt  }
0x7a: {  	_ =	shalt  }
0x7b: {  	_ =	shalt  }
0x7c: {  	_ =	shalt  }
0x7d: {  	_ =	shalt  }
0x7e: {  	_ =	shalt  }
0x7f: {  	_ =	shalt  }
0x80: {  	_ =	shalt  }
0x81: {  	_ =	shalt  }
0x82: {  	_ =	shalt  }
0x83: {  	_ =	shalt  }
0x84: {  	_ =	shalt  }
0x85: {  	_ =	shalt  }
0x86: {  	_ =	shalt  }
0x87: {  	_ =	shalt  }
.Lfunc_end0:
.L_simem_size_0:
called_computation_lowered:
.L_overlay_start_0:
0x88: {  	s2 =	sld [smem:$0x3FD9]  }
0x89: {  	s3 =	sld [smem:$0x3FFE];
	_ =	sdelay $0x1  }
0x8a: {  	s1 =	srdreg.scid  }
0x8b: {  	s0 =	sand.u32 $0x1, s1  }
0x8c: {  	s14 =	sshll.u32 s0, $0xA;
	s2 =	sadd.s32 s3, s2  }
0x8d: {  	s2 =	sadd.s32 s2, s14  }
0x8e: {  	[smem:$0x3FB9] =	sst s2  }
0x8f: {  	_ = 	snop  }
0x90: {  	s2 =	sld [smem:$0x3FD0];
	_ =	sdelay $0x2  }
0x91: {  	s15 =	simm.s32 $0xA;
	s4 =	simm.s32 $0x10  }
0x92: {  	[smem:s4], [sflag:s15] =	dma.local [hbm:s2], $0x1  }
0x93: {  	_ =	swait.eq [sflag:s15], $0x1  }
0x94: {  	[sflag:s15] =	ssyncset.done $0x0  }
0x95: {  	s16 =	sld [smem:$0x10];
	[sflag:s15] =	ssyncadd.s32 $0xFFFFFFFF  }
0x96: {  	s17 =	sld [smem:$0x11];
	(tm) =	ssettm $0x1  }
0x97: {  	s18 =	sld [smem:$0x3FFB];
	_ =	sdelay $0x3  }
0x98: {  	_ =	strace s18  }
0x99: {  	s4 =	sld [smem:$0x3FFC];
	_ =	sdelay $0x3  }
0x9a: {  	_ =	strace s4  }
0x9b: {  	s4 =	sld [smem:$0x3FFD];
	_ =	sdelay $0x3  }
0x9c: {  	_ =	strace s4  }
0x9d: {  	_ =	strace $0x8FFFFFFF  }
0x9e: {  	s19 =	sld [smem:$0x3FDB];
	_ =	sdelay $0x1  }
0x9f: {  	s5 =	simm.s32 $_scs_section_size  }
0xa0: {  	s6 =	simm.s32 $_size__tile_overlayer_lowered;
	s7 =	simm.s32 $_tile_overlayer_lowered  }
0xa1: {  	s22 =	simm.s32 $0x1BFF;
	s21 =	sshll.u32 s7, $0x1;
	s4 =	sadd.s32 s5, s19  }
0xa2: {  	s8 =	simm.s32 $0x0;
	s20 =	sshll.u32 s6, $0x1;
	s6 =	sadd.s32 s21, s4  }
0xa3: {  	[timem:s8], [sflag:s22] =	dma.local [hbm:s6], s20  }
0xa4: {  	_ =	swait.ge [sflag:s22], s20  }
0xa5: {  	s5 =	ssub.s32 $0x0, s20;
	[sflag:s22] =	ssyncset.done $0x0  }
0xa6: {  	[sflag:s22] =	ssyncadd.s32 s5;
	_ =	sdelay $0x1  }
0xa7: {  	s23 =	simm.s32 $0x1B8B  }
0xa8: {  	_ =	swait.ge [sflag:s23], $0x1  }
0xa9: {  	[sflag:s23] =	ssyncset.done $0x0  }
0xaa: {  	s25 =	simm.s32 $0x1B8E;
	s24 =	sld [smem:$0x3FFE];
	[sflag:s23] =	ssyncadd.s32 $0xFFFFFFFF  }
0xab: {  	s26 =	simm.s32 $execute0_lowered;
	[smem:$0x3FD2] =	sst s25  }
0xac: {  	s6 =	sshll.u32 s26, $0x1;
	_ =	strace $0x80000046;
	[dreg:$0x1] =	wrdreg $0xFFFFFFFF  }
0xad: {  	s28 =	simm.s32 $_size_execute0_lowered;
	s4 =	sadd.s32 s4, s6;
	[dreg:$0x0] =	wrdreg $0x0  }
0xae: {  	s6 =	sshll.u32 s28, $0x1;
	[dreg:$0x2] =	wrdreg s4  }
0xaf: {  	[dreg:$0x3] =	wrdreg s6  }
0xb0: {  	[dreg:$0x4] =	wrdreg $0xC0  }
0xb1: {  	_ =	task [dreg:s8], $0x5FFFF  }
0xb2: {  	[dreg:$0x1] =	wrdreg $0xFFFFFFFF  }
0xb3: {  	[dreg:$0x0] =	wrdreg $0x60  }
0xb4: {  	[dreg:$0x2] =	wrdreg s16  }
0xb5: {  	[dreg:$0x3] =	wrdreg s17  }
0xb6: {  	[dreg:$0x4] =	wrdreg s24  }
0xb7: {  	[dreg:$0x5] =	wrdreg $0x9  }
0xb8: {  	_ =	task.clear_ibuf [dreg:s8], $0x6FFFF;
	_ =	strace $0x90000046  }
0xb9: {  	s29 =	simm.s32 $0x9;
	_ =	strace $0x80000048  }
0xba: {  	_ =	swait.ge [sflag:s29], $0x1  }
0xbb: {  	[sflag:s29] =	ssyncadd.s32 $0xFFFFFFFF  }
0xbc: {  	_ =	strace $0x90000048  }
0xbd: {  	_ =	sfence  }
0xbe: {  	s30 =	sld [smem:$0x0];
	_ =	sdelay $0x2  }
0xbf: {  	s31 =	sshll.u32 s1, $0xD;
	s1 =	sshrl.u32 s1, $0x2  }
0xc0: {  	s3 =	sand.u32 $0x4000, s31;
	s1 =	sadd.s32 s1, s30  }
0xc1: {  	s0 =	sor.u32 s3, s0;
	s1 =	sshll.u32 s1, $0x11  }
0xc2: {  	s0 =	sor.u32 s1, s0  }
0xc3: {  	s0 =	sadd.s32 $0x8F2B, s0  }
0xc4: {  	[sflag:s0] =	ssyncadd.remote.s32 $0x1  }
0xc5: {  	_ =	sfence.sel $0xFFFF  }
0xc6: {  	[dreg:$0x0] =	wrdreg $0xFFFFFFFF;
	(pc) =	sbr.abs _section_cstart, $3  }
0xc7: {  	[dreg:$0x1] =	wrdreg $0xFFFFFFFF  }
0xc8: {  	_ =	task.clear_ibuf [dreg:s8], $0x2FFFF;
	_ =	strace $0x9FFFFFFF  }
0xc9: {  	(tm) =	ssettm $0x7FFFFFFF  }
tec
execute0_lowered:
.L_overlay_start_1:
0x0: {  	(tag) =	ssettag $0x1  }
0x1: {  	s1 =	rddreg [dreg:$0x0]  }
0x2: {  	s2 =	srdreg.scid;
	s3 =	rddreg [dreg:$0x1]  }
0x3: {  	s0 =	stileid.u32;
	s7 =	rddreg [dreg:$0x2];
	s4 =	simm.s32 $0x0  }
0x4: {  	s10 =	simm.s32 $0x5;
	s11 =	simm.s32 $0x2780;
	s12 =	simm.s32 $0xC8  }
0x5: {  	s13 =	simm.s32 $0x4F00;
	s6 =	sand.u32 $0x1, s2;
	s30 =	sshll.u32 s0, $0x1  }
0x6: {  	s14 =	simm.s32 $0x11700;
	s15 =	simm.s32 $0x3;
	s5 =	sor.u32 s6, s30  }
0x7: {  	s16 =	simm.s32 $0x4;
	s2 =	rddreg [dreg:$0x3];
	s5 =	smul.u32 $0x2710, s5  }
0x8: {  	s17 =	simm.s32 $0x0;
	[smem:$0x7FF] =	sst s4;
	s9 =	ssub.s32 $0x2, s6  }
0x9: {  	_ =	strace $0x80000047;
	s31 =	sshrl.u32 s9, $0x1;
	s8 =	sshrl.u32 s5, $0x3  }
0xa: {  	s6 =	sadd.s32 $0x16C00, s7;
	s9 =	ssub.s32 s9, s31;
	s8 =	sadd.s32 s8, s7  }
0xb: {  	s9 =	smax.u32 s9, $0x1;
	s7 =	sadd.s32 $0x3000, s8;
	s8 =	sadd.s32 $0xCE00, s8  }
.LBB2_1:
0xc: {  	[tilespmem:s4], [sflag:$0x5] =	stream.linear.gather [hbm4b:s7+s4], $0x2710, $0x38;
	[tilespmem:$0x1DF00] =	vst v63  }
0xd: {  	_ =	swait.ge [sflag:s10], $0x2710  }
0xe: {  	[sflag:s10] =	ssyncset.done $0x0  }
0xf: {  	[sflag:s10] =	ssyncadd.s32 $0xFFFFD8F0  }
0x10: {  	[tilespmem:s11], [sflag:$0x5] =	stream.linear.gather [hbm4b:s8+s4], $0x2710, $0x38;
	[tilespmem:$0x1DF00] =	vst v63  }
0x11: {  	_ =	swait.ge [sflag:s10], $0x2710  }
0x12: {  	[sflag:s10] =	ssyncset.done $0x0  }
0x13: {  	[sflag:s10] =	ssyncadd.s32 $0xFFFFD8F0  }
0x14: {  	[tilespmem:s13], [sflag:$0x1] =	stream.indirect.gather [hbm4b:s1+s12], $0x80, s4, s12, $0xb8;
	[tilespmem:$0x1DF00] =	vst v63  }
0x15: {  	p0 =	por $0x0, $0x0;
	s19 =	simm.s32 $0x0  }
0x16: {  	[tilespmem:s14], [sflag:$0x1] =	stream.indirect.gather [hbm4b:s3+s12], $0x80, s11, s12, $0xb8;
	[tilespmem:$0x1DF00] =	vst v63  }
.LBB2_2:
0x17: {  	s18 =	sand.u32 $0x1, s19  }
0x18: {  	s21 =	sadd.s32 $0x1, s18  }
0x19: {  	_ =	swait.ge [sflag:s21], $0x6400  }
0x1a: {  	s20 =	simm.s32 $0x1;
	p1 =	seq.s32 s19, $0x31;
	[sflag:s21] =	ssyncset.done $0x0  }
0x1b: {  	s20 =	simm.s32 @!p0 $0x0;
	p2 =	seq.s32 @!p1 s19, $0x0;
	[sflag:s21] =	ssyncadd.s32 $0xFFFF9C00  }
0x1c: {  	s22 =	smul.u32 $0x19000, s20;
	s20 =	sadd.s32 $0x1, s19;
	_ =	swait.ge [sflag:s21], $0x6400  }
0x1d: {  	p2 =	por p2, p1;
	s23 =	sand.u32 @!p1 $0x1, s20;
	[sflag:s21] =	ssyncset.done $0x0  }
0x1e: {  	[sflag:s21] =	ssyncadd.s32 $0xFFFF9C00;
	s21 =	sadd.s32 @!p2 $0x3, s23  }
0x1f: {  	s28 =	simm.s32 @!p1 $0xC8;
	_ =	swait.ge @!p2 [sflag:s21], $0x6400  }
0x20: {  	s22 =	sshrl.u32 s22, $0x2;
	s25 =	smul.u32 @!p1 $0x6400, s23;
	[sflag:s21] =	ssyncset.done @!p2 $0x0  }
0x21: {  	s24 =	sadd.s32 $0x4F40, s22;
	[sflag:s21] =	ssyncadd.s32 @!p2 $0xFFFF9C00;
	s21 =	smul.u32 @!p1 $0xC8, s20  }
0x22: {  	s22 =	sadd.s32 $0x11770, s22;
	s26 =	sadd.s32 @!p1 $0x4F00, s25;
	v0 =	vmov s24;
	s23 =	sadd.s32 @!p1 $0x1, s23  }
0x23: {  	v1 =	vmov s22;
	[tilespmem:s26], [sflag:s23] =	stream.indirect.gather @!p1 [hbm4b:s1+s28], $0x80, s21, s28, $0xb8;
	[tilespmem:$0x1DF00] =	vst v63  }
0x24: {  	s22 =	sadd.s32 @!p1 $0x11700, s25;
	s21 =	sadd.s32 @!p1 $0x2780, s21  }
0x25: {  	[tilespmem:s22], [sflag:s23] =	stream.indirect.gather @!p1 [hbm4b:s3+s28], $0x80, s21, s28, $0xb8;
	[tilespmem:$0x1DF00] =	vst v63  }
0x26: {  	s21 =	simm.s32 $0x0  }
0x27: {  	v2 =	vld.idx.msk [tilespmem:v0+s21+$0xFFFFFFC0 ss:$0x1], $0xffff  }
0x28: {  	v3 =	vld.idx.msk [tilespmem:v1+s21+$0xFFFFFF90 ss:$0x1], $0xffff;
	_ =	sdelay $0x4  }
0x29: {  	v2 =	vadd.f32 v3, v2;
	_ =	sdelay $0x1  }
0x2a: {  	[tilespmem:v0+s21+$0xFFFFFFC0 ss:$0x1] =	vst.idx.msk $0xffff, v2  }
0x2b: {  	v2 =	vld.idx.msk [tilespmem:v0+s21+$0xFFFFFFD0 ss:$0x1], $0xffff  }
0x2c: {  	v3 =	vld.idx.msk [tilespmem:v1+s21+$0xFFFFFFA0 ss:$0x1], $0xffff;
	_ =	sdelay $0x4  }
0x2d: {  	v2 =	vadd.f32 v3, v2;
	_ =	sdelay $0x1  }
0x2e: {  	[tilespmem:v0+s21+$0xFFFFFFD0 ss:$0x1] =	vst.idx.msk $0xffff, v2  }
0x2f: {  	v2 =	vld.idx.msk [tilespmem:v0+s21+$0xFFFFFFE0 ss:$0x1], $0xffff  }
0x30: {  	v3 =	vld.idx.msk [tilespmem:v1+s21+$0xFFFFFFB0 ss:$0x1], $0xffff;
	_ =	sdelay $0x4  }
0x31: {  	v2 =	vadd.f32 v3, v2;
	_ =	sdelay $0x1  }
0x32: {  	[tilespmem:v0+s21+$0xFFFFFFE0 ss:$0x1] =	vst.idx.msk $0xffff, v2  }
0x33: {  	v2 =	vld.idx.msk [tilespmem:v0+s21+$0xFFFFFFF0 ss:$0x1], $0xffff  }
0x34: {  	v3 =	vld.idx.msk [tilespmem:v1+s21+$0xFFFFFFC0 ss:$0x1], $0xffff;
	_ =	sdelay $0x4  }
0x35: {  	v2 =	vadd.f32 v3, v2;
	_ =	sdelay $0x1  }
0x36: {  	[tilespmem:v0+s21+$0xFFFFFFF0 ss:$0x1] =	vst.idx.msk $0xffff, v2  }
0x37: {  	v2 =	vld.idx.msk [tilespmem:v0+s21+$0x0 ss:$0x1], $0xffff  }
0x38: {  	v3 =	vld.idx.msk [tilespmem:v1+s21+$0xFFFFFFD0 ss:$0x1], $0xffff;
	_ =	sdelay $0x4  }
0x39: {  	v2 =	vadd.f32 v3, v2;
	_ =	sdelay $0x1  }
0x3a: {  	[tilespmem:v0+s21+$0x0 ss:$0x1] =	vst.idx.msk $0xffff, v2  }
0x3b: {  	v2 =	vld.idx.msk [tilespmem:v0+s21+$0x10 ss:$0x1], $0xffff  }
0x3c: {  	v3 =	vld.idx.msk [tilespmem:v1+s21+$0xFFFFFFE0 ss:$0x1], $0xffff;
	_ =	sdelay $0x4  }
0x3d: {  	v2 =	vadd.f32 v3, v2;
	_ =	sdelay $0x1  }
0x3e: {  	[tilespmem:v0+s21+$0x10 ss:$0x1] =	vst.idx.msk $0xffff, v2  }
0x3f: {  	v2 =	vld.idx.msk [tilespmem:v0+s21+$0x20 ss:$0x1], $0xffff  }
0x40: {  	v3 =	vld.idx.msk [tilespmem:v1+s21+$0xFFFFFFF0 ss:$0x1], $0xffff;
	_ =	sdelay $0x4  }
0x41: {  	v2 =	vadd.f32 v3, v2  }
0x42: {  	s31 =	smul.u32 $0x6400, s18  }
0x43: {  	[tilespmem:v0+s21+$0x20 ss:$0x1] =	vst.idx.msk $0xffff, v2  }
0x44: {  	s22 =	sadd.s32 $0x4F00, s31;
	s23 =	simm.s32 $0x200;
	v2 =	vld.idx.msk [tilespmem:v0+s21+$0x30 ss:$0x1], $0xffff  }
.LBB2_3:
0x45: {  	p1 =	sne.s32 s23, $0x18E00;
	v3 =	vld.idx.msk [tilespmem:v1+s21+$0x0 ss:$0x1], $0xffff;
	s24 =	smov.u32 s23;
	s23 =	sadd.s32 $0x200, s23  }
0x46: {  	_ =	sdelay $0x4  }
0x47: {  	v2 =	vadd.f32 v3, v2;
	_ =	sdelay $0x1  }
0x48: {  	[tilespmem:v0+s21+$0x30 ss:$0x1] =	vst.idx.msk $0xffff, v2;
	s21 =	sshra.s32 s24, $0x2  }
0x49: {  	v2 =	vld.idx.msk [tilespmem:v0+s21+$0xFFFFFFC0 ss:$0x1], $0xffff  }
0x4a: {  	v3 =	vld.idx.msk [tilespmem:v1+s21+$0xFFFFFF90 ss:$0x1], $0xffff;
	_ =	sdelay $0x5  }
0x4b: {  	v2 =	vadd.f32 v3, v2;
	_ =	sdelay $0x1  }
0x4c: {  	[tilespmem:v0+s21+$0xFFFFFFC0 ss:$0x1] =	vst.idx.msk $0xffff, v2  }
0x4d: {  	v2 =	vld.idx.msk [tilespmem:v0+s21+$0xFFFFFFD0 ss:$0x1], $0xffff  }
0x4e: {  	v3 =	vld.idx.msk [tilespmem:v1+s21+$0xFFFFFFA0 ss:$0x1], $0xffff;
	_ =	sdelay $0x5  }
0x4f: {  	v2 =	vadd.f32 v3, v2;
	_ =	sdelay $0x1  }
0x50: {  	[tilespmem:v0+s21+$0xFFFFFFD0 ss:$0x1] =	vst.idx.msk $0xffff, v2  }
0x51: {  	v2 =	vld.idx.msk [tilespmem:v0+s21+$0xFFFFFFE0 ss:$0x1], $0xffff  }
0x52: {  	v3 =	vld.idx.msk [tilespmem:v1+s21+$0xFFFFFFB0 ss:$0x1], $0xffff;
	_ =	sdelay $0x5  }
0x53: {  	v2 =	vadd.f32 v3, v2;
	_ =	sdelay $0x1  }
0x54: {  	[tilespmem:v0+s21+$0xFFFFFFE0 ss:$0x1] =	vst.idx.msk $0xffff, v2  }
0x55: {  	v2 =	vld.idx.msk [tilespmem:v0+s21+$0xFFFFFFF0 ss:$0x1], $0xffff  }
0x56: {  	v3 =	vld.idx.msk [tilespmem:v1+s21+$0xFFFFFFC0 ss:$0x1], $0xffff;
	_ =	sdelay $0x5  }
0x57: {  	v2 =	vadd.f32 v3, v2;
	_ =	sdelay $0x1  }
0x58: {  	[tilespmem:v0+s21+$0xFFFFFFF0 ss:$0x1] =	vst.idx.msk $0xffff, v2  }
0x59: {  	v2 =	vld.idx.msk [tilespmem:v0+s21+$0x0 ss:$0x1], $0xffff  }
0x5a: {  	v3 =	vld.idx.msk [tilespmem:v1+s21+$0xFFFFFFD0 ss:$0x1], $0xffff;
	_ =	sdelay $0x5  }
0x5b: {  	v2 =	vadd.f32 v3, v2;
	_ =	sdelay $0x1  }
0x5c: {  	[tilespmem:v0+s21+$0x0 ss:$0x1] =	vst.idx.msk $0xffff, v2  }
0x5d: {  	v2 =	vld.idx.msk [tilespmem:v0+s21+$0x10 ss:$0x1], $0xffff  }
0x5e: {  	v3 =	vld.idx.msk [tilespmem:v1+s21+$0xFFFFFFE0 ss:$0x1], $0xffff;
	_ =	sdelay $0x5  }
0x5f: {  	v2 =	vadd.f32 v3, v2;
	_ =	sdelay $0x1  }
0x60: {  	[tilespmem:v0+s21+$0x10 ss:$0x1] =	vst.idx.msk $0xffff, v2  }
0x61: {  	v2 =	vld.idx.msk [tilespmem:v0+s21+$0x20 ss:$0x1], $0xffff  }
0x62: {  	v3 =	vld.idx.msk [tilespmem:v1+s21+$0xFFFFFFF0 ss:$0x1], $0xffff;
	_ =	sdelay $0x4  }
.Ltmp0:
0x63: {  	(pc) =	sbr.rel @p1 .LBB2_3-.Ltmp0, $3  }
0x64: {  	v2 =	vadd.f32 v3, v2;
	_ =	sdelay $0x1  }
0x65: {  	[tilespmem:v0+s21+$0x20 ss:$0x1] =	vst.idx.msk $0xffff, v2  }
0x66: {  	v2 =	vld.idx.msk [tilespmem:v0+s21+$0x30 ss:$0x1], $0xffff  }
0x67: {  	_ =	sdelay $0x3  }
0x68: {  	v1 =	vld.idx.msk [tilespmem:v1+s21+$0x0 ss:$0x1], $0xffff;
	_ =	sdelay $0x2  }
0x69: {  	s19 =	smul.u32 $0xC8, s19  }
0x6a: {  	p1 =	sne.s32 s20, $0x32  }
.Ltmp1:
0x6b: {  	s19 =	sadd.s32 s5, s19;
	v1 =	vadd.f32 v1, v2;
	(pc) =	sbr.rel @p1 .LBB2_2-.Ltmp1, $4  }
0x6c: {  	s19 =	sshll.u32 s19, $0x4  }
0x6d: {  	s18 =	sadd.s32 $0x3, s18;
	s19 =	sadd.s32 s6, s19;
	[tilespmem:v0+s21+$0x30 ss:$0x1] =	vst.idx.msk $0xffff, v1  }
0x6e: {  	[hbm4b:s19+s4] =	stream.linear.scatter [tilespmem:s22], [sflag:s18], $0x6400, $0x38;
	[tilespmem:$0x1DF00] =	vst v63  }
0x6f: {  	p0 =	por !p0, !p0;
	s19 =	smov.u32 s20  }
0x70: {  	s17 =	sadd.s32 $0x1, s17  }
0x71: {  	_ =	swait.ge [sflag:s15], $0x6400;
	p0 =	sne.s32 s17, s9  }
.Ltmp2:
0x72: {  	[sflag:s15] =	ssyncset.done $0x0;
	(pc) =	sbr.rel @p0 .LBB2_1-.Ltmp2, $4  }
0x73: {  	[sflag:s15] =	ssyncadd.s32 $0xFFFF9C00  }
0x74: {  	_ =	swait.ge [sflag:s16], $0x6400  }
0x75: {  	[sflag:s16] =	ssyncset.done $0x0  }
0x76: {  	[sflag:s16] =	ssyncadd.s32 $0xFFFF9C00  }
0x77: {  	_ =	sfence.sel $0x180000  }
0x78: {  	[bflag:$0x0] =	sbarrier.arrive $0xFFFF  }
0x79: {  	p0 =	sne.s32 s0, $0x0;
	_ =	strace $0x90000047  }
0x7a: {  	s0 =	sadd.s32 @!p0 $0x100000, s2;
	[bflag:$0x2] =	sbarrier.arrive $0xFFFF  }
0x7b: {  	[sflag:s0] =	ssyncadd.tile.s32 @!p0 $0x1;
	_ =	shalt  }
.Lfunc_end2:
_tile_overlayer_lowered:
.L_overlay_start_2:
0x7c: {  	(tag) =	ssettag $0x2  }
0x7d: {  	s0 =	rddreg [dreg:$0x0];
	s2 =	stileid.u32  }
0x7e: {  	s1 =	rddreg [dreg:$0x1];
	p0 =	sne.s32 s2, $0x0  }
0x7f: {  	s3 =	rddreg [dreg:$0x2];
	[bflag:$0x3] =	sbarrier.arrive $0xFFFF;
	s2 =	simm.s32 @!p0 $0x1C05  }
0x80: {  	[timem:s3], [sflag:s2] =	dma.local @!p0 [hbm:s0], s1  }
0x81: {  	s0 =	simm.s32 @!p0 $0x5  }
0x82: {  	_ =	swait.ge @!p0 [sflag:s0], s1  }
0x83: {  	s1 =	ssub.s32 @!p0 $0x0, s1;
	[sflag:s0] =	ssyncset.done @!p0 $0x0  }
0x84: {  	[sflag:s0] =	ssyncadd.s32 @!p0 s1  }
0x85: {  	[bflag:$0x3] =	sbarrier.arrive $0xFFFF  }
0x86: {  	_ =	shalt  }

</sc_bundles>
